<compile_context>
chip_gen: v7x
topology: tpu7x:2x2x1
jax: 0.10.2.dev20260603
libtpu: 0.0.44.dev20260713+nightly
codegen_flags: <defaults>
</compile_context>

<pallas_src>
import functools

import jax
import jax.numpy as jnp
from jax import lax
from jax.experimental import pallas as pl
from jax.experimental.pallas import tpu as pltpu
from jax.experimental.pallas import tpu_sc as plsc

_NC = 2
_NS = 16
_NW = _NC * _NS
_CH = 128


def _ceil_to(x, m):
    return (x + m - 1) // m * m


@functools.partial(jax.jit, static_argnames=("n_rows", "dim"))
def _gather_rows(table2d, idx_pad, n_rows, dim):
    span = n_rows // _NW
    rem = n_rows - span * _NW
    rem_pad = _ceil_to(rem, 8)
    n_chunks = -(-span // _CH)
    offs = [min(c * _CH, span - _CH) for c in range(n_chunks)]

    mesh = plsc.VectorSubcoreMesh(
        core_axis_name="c", subcore_axis_name="s",
        num_cores=_NC, num_subcores=_NS)

    scratch = [
        pltpu.VMEM((span,), jnp.int32),
        pltpu.VMEM((_CH, dim), table2d.dtype),
        pltpu.VMEM((_CH, dim), table2d.dtype),
        pltpu.SemaphoreType.DMA,
        pltpu.SemaphoreType.DMA,
    ]
    if rem:
        scratch += [
            pltpu.VMEM((rem_pad,), jnp.int32),
            pltpu.VMEM((rem_pad, dim), table2d.dtype),
        ]

    @functools.partial(
        pl.kernel,
        out_type=jax.ShapeDtypeStruct((n_rows, dim), table2d.dtype),
        mesh=mesh,
        scratch_types=scratch,
    )
    def run(table_hbm, idx_hbm, out_hbm, idx_v, rows0, rows1, sem0, sem1,
            *rem_scratch):
        wid = lax.axis_index("s") * _NC + lax.axis_index("c")
        base = wid * span
        rows = (rows0, rows1)
        sems = (sem0, sem1)

        pltpu.sync_copy(idx_hbm.at[pl.ds(base, span)], idx_v)

        def start_gather(c, b):
            pltpu.async_copy(
                table_hbm.at[idx_v.at[pl.ds(offs[c], _CH)]], rows[b], sems[b])

        start_gather(0, 0)
        for i in range(n_chunks):
            b = i & 1
            pltpu.make_async_copy(
                table_hbm.at[idx_v.at[pl.ds(offs[i], _CH)]], rows[b],
                sems[b]).wait()
            if i + 1 < n_chunks:
                start_gather(i + 1, b ^ 1)
            pltpu.sync_copy(rows[b], out_hbm.at[pl.ds(base + offs[i], _CH)])

        if rem:
            idx_t, rows_t = rem_scratch
            tbase = span * _NW

            @pl.when(wid == _NW - 1)
            def _():
                pltpu.sync_copy(idx_hbm.at[pl.ds(tbase, rem_pad)], idx_t)
                pltpu.async_copy(table_hbm.at[idx_t], rows_t, sem0).wait()
                pltpu.sync_copy(rows_t.at[pl.ds(0, rem)],
                                out_hbm.at[pl.ds(tbase, rem)])

    return run(table2d, idx_pad)


def _make_transpose_body(q2, g, dim):
    def _transpose_body(x_ref, o_ref):
        for i in range(g):
            o_ref[pl.ds(i * dim, dim), :] = x_ref[i, :q2, :].T
    return _transpose_body


@functools.partial(jax.jit, static_argnames=("q1", "q2", "dim"))
def _transpose_blocks(g3d, q1, q2, dim):
    q2p = g3d.shape[1]
    g = 32
    assert q1 % g != -1
    ng = -(-q1 // g)
    return pl.pallas_call(
        _make_transpose_body(q2, g, dim),
        grid=(ng,),
        in_specs=[pl.BlockSpec((g, q2p, dim), lambda a: (a, 0, 0))],
        out_specs=pl.BlockSpec((g * dim, q2), lambda a: (a, 0)),
        out_shape=jax.ShapeDtypeStruct((q1 * dim, q2), g3d.dtype),
    )(g3d)


def kernel(unique_params, index_map):
    n, di, dj = unique_params.shape
    dim = di * dj
    q1, q2 = index_map.shape
    table2d = unique_params.reshape(n, dim)
    idx = index_map.astype(jnp.int32)
    q2p = _ceil_to(q2, 8)
    if q2p != q2:
        idx = jnp.pad(idx, ((0, 0), (0, q2p - q2)), mode="wrap")
    g2d = _gather_rows(table2d, idx.reshape(-1), n_rows=q1 * q2p, dim=dim)
    out2 = _transpose_blocks(g2d.reshape(q1, q2p, dim), q1=q1, q2=q2, dim=dim)
    return out2.reshape(q1, di, dj, q2).transpose(0, 3, 1, 2)

# --- scband reference (transcript-rebuilt; emitter-appended) ---
"""Pipeline reference for scband-shared-parameter-abs-cls-32298154065967 (READ-ONLY COPY).

The authoritative reference and input builder live on the scoring server;
editing this copy changes nothing except your own understanding.
"""

import jax, jax.numpy as jnp
import numpy as np

H, W, IN_DIM, OUT_DIM = 16, 16, 16, 16


def _build_index_map(h, w):
    num_img = (2 * h - 1) * (2 * w - 1)
    num_r = h * w + 1
    index_map = [[i for i in range(num_img, num_img + num_r)]]
    for x in range(h):
        for y in range(w):
            tmp = [num_img + num_r + x * w + y]
            for i in range(h):
                for j in range(w):
                    dx = x - i + h - 1
                    dy = y - j + w - 1
                    tmp.append(dx * (2 * w - 1) + dy)
            index_map.append(tmp)
    return np.array(index_map, dtype=np.int64)


def setup_inputs(seed: int = 0) -> dict:
    key = jax.random.key(seed)
    num_img = (2 * H - 1) * (2 * W - 1)
    num_r = H * W + 1
    num_c = H * W
    n = num_img + num_r + num_c
    # kaiming_uniform_(a=sqrt(5)) on [N, in_dim, out_dim]: bound = 1/sqrt(fan_in), fan_in = in_dim*out_dim
    bound = 1.0 / np.sqrt(IN_DIM * OUT_DIM)
    unique_params = jax.random.uniform(key, (n, IN_DIM, OUT_DIM), minval=-bound, maxval=bound, dtype=jnp.float32)
    index_map = jnp.asarray(_build_index_map(H, W))
    return {"unique_params": unique_params, "index_map": index_map}


def reference(unique_params, index_map):
    # weight = self.unique_params[self.index_map]
    weight = jnp.take(unique_params, index_map, axis=0)
    return weight

if __name__ == "__main__":
    import jax
    _d = setup_inputs()
    print(jax.jit(kernel)(*tuple(_d.values())))

</pallas_src>

<mosaic_0001>
#map = affine_map<(d0, d1) -> (0, 0)>
#map1 = affine_map<(d0, d1) -> (0)>
module attributes {stable_mosaic.version = 14 : i64} {
  func.func @run(%arg0: i32, %arg1: i32, %arg2: memref<1474x256xf32, #tpu.memory_space<hbm>>, %arg3: memref<67848xi32, #tpu.memory_space<hbm>>, %arg4: memref<67848x256xf32, #tpu.memory_space<hbm>>, %arg5: memref<2120xi32, #tpu.memory_space<vmem>>, %arg6: memref<128x256xf32, #tpu.memory_space<vmem>>, %arg7: memref<128x256xf32, #tpu.memory_space<vmem>>, %arg8: memref<!tpu.dma_semaphore, #tpu.memory_space<semaphore_mem>>, %arg9: memref<!tpu.dma_semaphore, #tpu.memory_space<semaphore_mem>>, %arg10: memref<8xi32, #tpu.memory_space<vmem>>, %arg11: memref<8x256xf32, #tpu.memory_space<vmem>>) attributes {dimension_semantics = [#tpu.dimension_semantics<core_parallel>, #tpu.dimension_semantics<subcore_parallel>], iteration_bounds = array<i64: 2, 16>, scalar_prefetch = 0 : i64, scratch_operands = 7 : i64, tpu.core_type = #tpu.core_type<sc_vector_subcore>, window_params = [{transform_indices = #map}, {transform_indices = #map1}, {transform_indices = #map}]} {
    %mul3A = arith.constant 2 : i32
    %mul3A_0 = arith.muli %arg1, %mul3A : i32
    %add3A = arith.addi %mul3A_0, %arg0 : i32
    %mul3A_1 = arith.constant 2120 : i32
    %mul3A_2 = arith.muli %add3A, %mul3A_1 : i32
    "tpu.region"() ({
      %run_scoped3A = tpu.sem_alloc : memref<!tpu.dma_semaphore, #tpu.memory_space<semaphore_mem>>
      %dma_start3A_207 = tpu.memref_slice %arg3[%mul3A_2] : memref<67848xi32, #tpu.memory_space<hbm>> -> memref<2120xi32, #tpu.memory_space<hbm>>
      %dma_start3A_208 = tpu.memref_slice %arg3[%mul3A_2] : memref<67848xi32, #tpu.memory_space<hbm>> -> memref<2120xi32, #tpu.memory_space<hbm>>
      tpu.enqueue_dma source(%dma_start3A_208 : memref<2120xi32, #tpu.memory_space<hbm>>) target(%arg5 : memref<2120xi32, #tpu.memory_space<vmem>>) target_semaphore(%run_scoped3A : memref<!tpu.dma_semaphore, #tpu.memory_space<semaphore_mem>>)
      %dma_wait3A_209 = tpu.memref_slice %arg3[%mul3A_2] : memref<67848xi32, #tpu.memory_space<hbm>> -> memref<2120xi32, #tpu.memory_space<hbm>>
      %dma_wait3A_210 = tpu.memref_slice %arg3[%mul3A_2] : memref<67848xi32, #tpu.memory_space<hbm>> -> memref<2120xi32, #tpu.memory_space<hbm>>
      tpu.wait_dma2 semaphore(%run_scoped3A : memref<!tpu.dma_semaphore, #tpu.memory_space<semaphore_mem>>) src(%dma_wait3A_210 : memref<2120xi32, #tpu.memory_space<hbm>>) dst(%arg5 : memref<2120xi32, #tpu.memory_space<vmem>>)
      tpu.yield
    }) : () -> ()
    %dma_start3A = arith.constant 0 : i32
    %dma_start3A_3 = tpu.memref_slice %arg5[%dma_start3A] : memref<2120xi32, #tpu.memory_space<vmem>> -> memref<128xi32, #tpu.memory_space<vmem>>
    %dma_start3A_4 = arith.constant 0 : i32
    %dma_start3A_5 = arith.constant 0 : i32
    %dma_start3A_6 = tpu.memref_slice %arg2[%dma_start3A_4, %dma_start3A_5] : memref<1474x256xf32, #tpu.memory_space<hbm>> -> memref<1474x256xf32, #tpu.memory_space<hbm>>
    tpu.enqueue_indirect_dma source(%dma_start3A_6 : memref<1474x256xf32, #tpu.memory_space<hbm>>) target(%arg6 : memref<128x256xf32, #tpu.memory_space<vmem>>) offsets(%dma_start3A_3 : memref<128xi32, #tpu.memory_space<vmem>>) semaphore(%arg8 : memref<!tpu.dma_semaphore, #tpu.memory_space<semaphore_mem>>)
    %dma_wait3A = arith.constant 0 : i32
    %dma_wait3A_7 = tpu.memref_slice %arg5[%dma_wait3A] : memref<2120xi32, #tpu.memory_space<vmem>> -> memref<128xi32, #tpu.memory_space<vmem>>
    %dma_wait3A_8 = arith.constant 0 : i32
    %dma_wait3A_9 = arith.constant 0 : i32
    %dma_wait3A_10 = tpu.memref_slice %arg2[%dma_wait3A_8, %dma_wait3A_9] : memref<1474x256xf32, #tpu.memory_space<hbm>> -> memref<1474x256xf32, #tpu.memory_space<hbm>>
    tpu.wait_indirect_dma semaphore(%arg8 : memref<!tpu.dma_semaphore, #tpu.memory_space<semaphore_mem>>) src(%dma_wait3A_10 : memref<1474x256xf32, #tpu.memory_space<hbm>>) dst(%arg6 : memref<128x256xf32, #tpu.memory_space<vmem>>)
    %dma_start3A_11 = arith.constant 128 : i32
    %dma_start3A_12 = tpu.memref_slice %arg5[%dma_start3A_11] : memref<2120xi32, #tpu.memory_space<vmem>> -> memref<128xi32, #tpu.memory_space<vmem>>
    %dma_start3A_13 = arith.constant 0 : i32
    %dma_start3A_14 = arith.constant 0 : i32
    %dma_start3A_15 = tpu.memref_slice %arg2[%dma_start3A_13, %dma_start3A_14] : memref<1474x256xf32, #tpu.memory_space<hbm>> -> memref<1474x256xf32, #tpu.memory_space<hbm>>
    tpu.enqueue_indirect_dma source(%dma_start3A_15 : memref<1474x256xf32, #tpu.memory_space<hbm>>) target(%arg7 : memref<128x256xf32, #tpu.memory_space<vmem>>) offsets(%dma_start3A_12 : memref<128xi32, #tpu.memory_space<vmem>>) semaphore(%arg9 : memref<!tpu.dma_semaphore, #tpu.memory_space<semaphore_mem>>)
    %add3A_16 = arith.constant 0 : i32
    %add3A_17 = arith.addi %mul3A_2, %add3A_16 : i32
    "tpu.region"() ({
      %run_scoped3A = tpu.sem_alloc : memref<!tpu.dma_semaphore, #tpu.memory_space<semaphore_mem>>
      %dma_start3A_207 = arith.constant 0 : i32
      %dma_start3A_208 = tpu.memref_slice %arg4[%add3A_17, %dma_start3A_207] : memref<67848x256xf32, #tpu.memory_space<hbm>> -> memref<128x256xf32, #tpu.memory_space<hbm>>
      %dma_start3A_209 = arith.constant 0 : i32
      %dma_start3A_210 = tpu.memref_slice %arg4[%add3A_17, %dma_start3A_209] : memref<67848x256xf32, #tpu.memory_space<hbm>> -> memref<128x256xf32, #tpu.memory_space<hbm>>
      tpu.enqueue_dma source(%arg6 : memref<128x256xf32, #tpu.memory_space<vmem>>) target(%dma_start3A_210 : memref<128x256xf32, #tpu.memory_space<hbm>>) target_semaphore(%run_scoped3A : memref<!tpu.dma_semaphore, #tpu.memory_space<semaphore_mem>>)
      %dma_wait3A_211 = arith.constant 0 : i32
      %dma_wait3A_212 = tpu.memref_slice %arg4[%add3A_17, %dma_wait3A_211] : memref<67848x256xf32, #tpu.memory_space<hbm>> -> memref<128x256xf32, #tpu.memory_space<hbm>>
      %dma_wait3A_213 = arith.constant 0 : i32
      %dma_wait3A_214 = tpu.memref_slice %arg4[%add3A_17, %dma_wait3A_213] : memref<67848x256xf32, #tpu.memory_space<hbm>> -> memref<128x256xf32, #tpu.memory_space<hbm>>
      tpu.wait_dma2 semaphore(%run_scoped3A : memref<!tpu.dma_semaphore, #tpu.memory_space<semaphore_mem>>) src(%arg6 : memref<128x256xf32, #tpu.memory_space<vmem>>) dst(%dma_wait3A_214 : memref<128x256xf32, #tpu.memory_space<hbm>>)
      tpu.yield
    }) : () -> ()
    %dma_wait3A_18 = arith.constant 128 : i32
    %dma_wait3A_19 = tpu.memref_slice %arg5[%dma_wait3A_18] : memref<2120xi32, #tpu.memory_space<vmem>> -> memref<128xi32, #tpu.memory_space<vmem>>
    %dma_wait3A_20 = arith.constant 0 : i32
    %dma_wait3A_21 = arith.constant 0 : i32
    %dma_wait3A_22 = tpu.memref_slice %arg2[%dma_wait3A_20, %dma_wait3A_21] : memref<1474x256xf32, #tpu.memory_space<hbm>> -> memref<1474x256xf32, #tpu.memory_space<hbm>>
    tpu.wait_indirect_dma semaphore(%arg9 : memref<!tpu.dma_semaphore, #tpu.memory_space<semaphore_mem>>) src(%dma_wait3A_22 : memref<1474x256xf32, #tpu.memory_space<hbm>>) dst(%arg7 : memref<128x256xf32, #tpu.memory_space<vmem>>)
    %dma_start3A_23 = arith.constant 256 : i32
    %dma_start3A_24 = tpu.memref_slice %arg5[%dma_start3A_23] : memref<2120xi32, #tpu.memory_space<vmem>> -> memref<128xi32, #tpu.memory_space<vmem>>
    %dma_start3A_25 = arith.constant 0 : i32
    %dma_start3A_26 = arith.constant 0 : i32
    %dma_start3A_27 = tpu.memref_slice %arg2[%dma_start3A_25, %dma_start3A_26] : memref<1474x256xf32, #tpu.memory_space<hbm>> -> memref<1474x256xf32, #tpu.memory_space<hbm>>
    tpu.enqueue_indirect_dma source(%dma_start3A_27 : memref<1474x256xf32, #tpu.memory_space<hbm>>) target(%arg6 : memref<128x256xf32, #tpu.memory_space<vmem>>) offsets(%dma_start3A_24 : memref<128xi32, #tpu.memory_space<vmem>>) semaphore(%arg8 : memref<!tpu.dma_semaphore, #tpu.memory_space<semaphore_mem>>)
    %add3A_28 = arith.constant 128 : i32
    %add3A_29 = arith.addi %mul3A_2, %add3A_28 : i32
    "tpu.region"() ({
      %run_scoped3A = tpu.sem_alloc : memref<!tpu.dma_semaphore, #tpu.memory_space<semaphore_mem>>
      %dma_start3A_207 = arith.constant 0 : i32
      %dma_start3A_208 = tpu.memref_slice %arg4[%add3A_29, %dma_start3A_207] : memref<67848x256xf32, #tpu.memory_space<hbm>> -> memref<128x256xf32, #tpu.memory_space<hbm>>
      %dma_start3A_209 = arith.constant 0 : i32
      %dma_start3A_210 = tpu.memref_slice %arg4[%add3A_29, %dma_start3A_209] : memref<67848x256xf32, #tpu.memory_space<hbm>> -> memref<128x256xf32, #tpu.memory_space<hbm>>
      tpu.enqueue_dma source(%arg7 : memref<128x256xf32, #tpu.memory_space<vmem>>) target(%dma_start3A_210 : memref<128x256xf32, #tpu.memory_space<hbm>>) target_semaphore(%run_scoped3A : memref<!tpu.dma_semaphore, #tpu.memory_space<semaphore_mem>>)
      %dma_wait3A_211 = arith.constant 0 : i32
      %dma_wait3A_212 = tpu.memref_slice %arg4[%add3A_29, %dma_wait3A_211] : memref<67848x256xf32, #tpu.memory_space<hbm>> -> memref<128x256xf32, #tpu.memory_space<hbm>>
      %dma_wait3A_213 = arith.constant 0 : i32
      %dma_wait3A_214 = tpu.memref_slice %arg4[%add3A_29, %dma_wait3A_213] : memref<67848x256xf32, #tpu.memory_space<hbm>> -> memref<128x256xf32, #tpu.memory_space<hbm>>
      tpu.wait_dma2 semaphore(%run_scoped3A : memref<!tpu.dma_semaphore, #tpu.memory_space<semaphore_mem>>) src(%arg7 : memref<128x256xf32, #tpu.memory_space<vmem>>) dst(%dma_wait3A_214 : memref<128x256xf32, #tpu.memory_space<hbm>>)
      tpu.yield
    }) : () -> ()
    %dma_wait3A_30 = arith.constant 256 : i32
    %dma_wait3A_31 = tpu.memref_slice %arg5[%dma_wait3A_30] : memref<2120xi32, #tpu.memory_space<vmem>> -> memref<128xi32, #tpu.memory_space<vmem>>
    %dma_wait3A_32 = arith.constant 0 : i32
    %dma_wait3A_33 = arith.constant 0 : i32
    %dma_wait3A_34 = tpu.memref_slice %arg2[%dma_wait3A_32, %dma_wait3A_33] : memref<1474x256xf32, #tpu.memory_space<hbm>> -> memref<1474x256xf32, #tpu.memory_space<hbm>>
    tpu.wait_indirect_dma semaphore(%arg8 : memref<!tpu.dma_semaphore, #tpu.memory_space<semaphore_mem>>) src(%dma_wait3A_34 : memref<1474x256xf32, #tpu.memory_space<hbm>>) dst(%arg6 : memref<128x256xf32, #tpu.memory_space<vmem>>)
    %dma_start3A_35 = arith.constant 384 : i32
    %dma_start3A_36 = tpu.memref_slice %arg5[%dma_start3A_35] : memref<2120xi32, #tpu.memory_space<vmem>> -> memref<128xi32, #tpu.memory_space<vmem>>
    %dma_start3A_37 = arith.constant 0 : i32
    %dma_start3A_38 = arith.constant 0 : i32
    %dma_start3A_39 = tpu.memref_slice %arg2[%dma_start3A_37, %dma_start3A_38] : memref<1474x256xf32, #tpu.memory_space<hbm>> -> memref<1474x256xf32, #tpu.memory_space<hbm>>
    tpu.enqueue_indirect_dma source(%dma_start3A_39 : memref<1474x256xf32, #tpu.memory_space<hbm>>) target(%arg7 : memref<128x256xf32, #tpu.memory_space<vmem>>) offsets(%dma_start3A_36 : memref<128xi32, #tpu.memory_space<vmem>>) semaphore(%arg9 : memref<!tpu.dma_semaphore, #tpu.memory_space<semaphore_mem>>)
    %add3A_40 = arith.constant 256 : i32
    %add3A_41 = arith.addi %mul3A_2, %add3A_40 : i32
    "tpu.region"() ({
      %run_scoped3A = tpu.sem_alloc : memref<!tpu.dma_semaphore, #tpu.memory_space<semaphore_mem>>
      %dma_start3A_207 = arith.constant 0 : i32
      %dma_start3A_208 = tpu.memref_slice %arg4[%add3A_41, %dma_start3A_207] : memref<67848x256xf32, #tpu.memory_space<hbm>> -> memref<128x256xf32, #tpu.memory_space<hbm>>
      %dma_start3A_209 = arith.constant 0 : i32
      %dma_start3A_210 = tpu.memref_slice %arg4[%add3A_41, %dma_start3A_209] : memref<67848x256xf32, #tpu.memory_space<hbm>> -> memref<128x256xf32, #tpu.memory_space<hbm>>
      tpu.enqueue_dma source(%arg6 : memref<128x256xf32, #tpu.memory_space<vmem>>) target(%dma_start3A_210 : memref<128x256xf32, #tpu.memory_space<hbm>>) target_semaphore(%run_scoped3A : memref<!tpu.dma_semaphore, #tpu.memory_space<semaphore_mem>>)
      %dma_wait3A_211 = arith.constant 0 : i32
      %dma_wait3A_212 = tpu.memref_slice %arg4[%add3A_41, %dma_wait3A_211] : memref<67848x256xf32, #tpu.memory_space<hbm>> -> memref<128x256xf32, #tpu.memory_space<hbm>>
      %dma_wait3A_213 = arith.constant 0 : i32
      %dma_wait3A_214 = tpu.memref_slice %arg4[%add3A_41, %dma_wait3A_213] : memref<67848x256xf32, #tpu.memory_space<hbm>> -> memref<128x256xf32, #tpu.memory_space<hbm>>
      tpu.wait_dma2 semaphore(%run_scoped3A : memref<!tpu.dma_semaphore, #tpu.memory_space<semaphore_mem>>) src(%arg6 : memref<128x256xf32, #tpu.memory_space<vmem>>) dst(%dma_wait3A_214 : memref<128x256xf32, #tpu.memory_space<hbm>>)
      tpu.yield
    }) : () -> ()
    %dma_wait3A_42 = arith.constant 384 : i32
    %dma_wait3A_43 = tpu.memref_slice %arg5[%dma_wait3A_42] : memref<2120xi32, #tpu.memory_space<vmem>> -> memref<128xi32, #tpu.memory_space<vmem>>
    %dma_wait3A_44 = arith.constant 0 : i32
    %dma_wait3A_45 = arith.constant 0 : i32
    %dma_wait3A_46 = tpu.memref_slice %arg2[%dma_wait3A_44, %dma_wait3A_45] : memref<1474x256xf32, #tpu.memory_space<hbm>> -> memref<1474x256xf32, #tpu.memory_space<hbm>>
    tpu.wait_indirect_dma semaphore(%arg9 : memref<!tpu.dma_semaphore, #tpu.memory_space<semaphore_mem>>) src(%dma_wait3A_46 : memref<1474x256xf32, #tpu.memory_space<hbm>>) dst(%arg7 : memref<128x256xf32, #tpu.memory_space<vmem>>)
    %dma_start3A_47 = arith.constant 512 : i32
    %dma_start3A_48 = tpu.memref_slice %arg5[%dma_start3A_47] : memref<2120xi32, #tpu.memory_space<vmem>> -> memref<128xi32, #tpu.memory_space<vmem>>
    %dma_start3A_49 = arith.constant 0 : i32
    %dma_start3A_50 = arith.constant 0 : i32
    %dma_start3A_51 = tpu.memref_slice %arg2[%dma_start3A_49, %dma_start3A_50] : memref<1474x256xf32, #tpu.memory_space<hbm>> -> memref<1474x256xf32, #tpu.memory_space<hbm>>
    tpu.enqueue_indirect_dma source(%dma_start3A_51 : memref<1474x256xf32, #tpu.memory_space<hbm>>) target(%arg6 : memref<128x256xf32, #tpu.memory_space<vmem>>) offsets(%dma_start3A_48 : memref<128xi32, #tpu.memory_space<vmem>>) semaphore(%arg8 : memref<!tpu.dma_semaphore, #tpu.memory_space<semaphore_mem>>)
    %add3A_52 = arith.constant 384 : i32
    %add3A_53 = arith.addi %mul3A_2, %add3A_52 : i32
    "tpu.region"() ({
      %run_scoped3A = tpu.sem_alloc : memref<!tpu.dma_semaphore, #tpu.memory_space<semaphore_mem>>
      %dma_start3A_207 = arith.constant 0 : i32
      %dma_start3A_208 = tpu.memref_slice %arg4[%add3A_53, %dma_start3A_207] : memref<67848x256xf32, #tpu.memory_space<hbm>> -> memref<128x256xf32, #tpu.memory_space<hbm>>
      %dma_start3A_209 = arith.constant 0 : i32
      %dma_start3A_210 = tpu.memref_slice %arg4[%add3A_53, %dma_start3A_209] : memref<67848x256xf32, #tpu.memory_space<hbm>> -> memref<128x256xf32, #tpu.memory_space<hbm>>
      tpu.enqueue_dma source(%arg7 : memref<128x256xf32, #tpu.memory_space<vmem>>) target(%dma_start3A_210 : memref<128x256xf32, #tpu.memory_space<hbm>>) target_semaphore(%run_scoped3A : memref<!tpu.dma_semaphore, #tpu.memory_space<semaphore_mem>>)
      %dma_wait3A_211 = arith.constant 0 : i32
      %dma_wait3A_212 = tpu.memref_slice %arg4[%add3A_53, %dma_wait3A_211] : memref<67848x256xf32, #tpu.memory_space<hbm>> -> memref<128x256xf32, #tpu.memory_space<hbm>>
      %dma_wait3A_213 = arith.constant 0 : i32
      %dma_wait3A_214 = tpu.memref_slice %arg4[%add3A_53, %dma_wait3A_213] : memref<67848x256xf32, #tpu.memory_space<hbm>> -> memref<128x256xf32, #tpu.memory_space<hbm>>
      tpu.wait_dma2 semaphore(%run_scoped3A : memref<!tpu.dma_semaphore, #tpu.memory_space<semaphore_mem>>) src(%arg7 : memref<128x256xf32, #tpu.memory_space<vmem>>) dst(%dma_wait3A_214 : memref<128x256xf32, #tpu.memory_space<hbm>>)
      tpu.yield
    }) : () -> ()
    %dma_wait3A_54 = arith.constant 512 : i32
    %dma_wait3A_55 = tpu.memref_slice %arg5[%dma_wait3A_54] : memref<2120xi32, #tpu.memory_space<vmem>> -> memref<128xi32, #tpu.memory_space<vmem>>
    %dma_wait3A_56 = arith.constant 0 : i32
    %dma_wait3A_57 = arith.constant 0 : i32
    %dma_wait3A_58 = tpu.memref_slice %arg2[%dma_wait3A_56, %dma_wait3A_57] : memref<1474x256xf32, #tpu.memory_space<hbm>> -> memref<1474x256xf32, #tpu.memory_space<hbm>>
    tpu.wait_indirect_dma semaphore(%arg8 : memref<!tpu.dma_semaphore, #tpu.memory_space<semaphore_mem>>) src(%dma_wait3A_58 : memref<1474x256xf32, #tpu.memory_space<hbm>>) dst(%arg6 : memref<128x256xf32, #tpu.memory_space<vmem>>)
    %dma_start3A_59 = arith.constant 640 : i32
    %dma_start3A_60 = tpu.memref_slice %arg5[%dma_start3A_59] : memref<2120xi32, #tpu.memory_space<vmem>> -> memref<128xi32, #tpu.memory_space<vmem>>
    %dma_start3A_61 = arith.constant 0 : i32
    %dma_start3A_62 = arith.constant 0 : i32
    %dma_start3A_63 = tpu.memref_slice %arg2[%dma_start3A_61, %dma_start3A_62] : memref<1474x256xf32, #tpu.memory_space<hbm>> -> memref<1474x256xf32, #tpu.memory_space<hbm>>
    tpu.enqueue_indirect_dma source(%dma_start3A_63 : memref<1474x256xf32, #tpu.memory_space<hbm>>) target(%arg7 : memref<128x256xf32, #tpu.memory_space<vmem>>) offsets(%dma_start3A_60 : memref<128xi32, #tpu.memory_space<vmem>>) semaphore(%arg9 : memref<!tpu.dma_semaphore, #tpu.memory_space<semaphore_mem>>)
    %add3A_64 = arith.constant 512 : i32
    %add3A_65 = arith.addi %mul3A_2, %add3A_64 : i32
    "tpu.region"() ({
      %run_scoped3A = tpu.sem_alloc : memref<!tpu.dma_semaphore, #tpu.memory_space<semaphore_mem>>
      %dma_start3A_207 = arith.constant 0 : i32
      %dma_start3A_208 = tpu.memref_slice %arg4[%add3A_65, %dma_start3A_207] : memref<67848x256xf32, #tpu.memory_space<hbm>> -> memref<128x256xf32, #tpu.memory_space<hbm>>
      %dma_start3A_209 = arith.constant 0 : i32
      %dma_start3A_210 = tpu.memref_slice %arg4[%add3A_65, %dma_start3A_209] : memref<67848x256xf32, #tpu.memory_space<hbm>> -> memref<128x256xf32, #tpu.memory_space<hbm>>
      tpu.enqueue_dma source(%arg6 : memref<128x256xf32, #tpu.memory_space<vmem>>) target(%dma_start3A_210 : memref<128x256xf32, #tpu.memory_space<hbm>>) target_semaphore(%run_scoped3A : memref<!tpu.dma_semaphore, #tpu.memory_space<semaphore_mem>>)
      %dma_wait3A_211 = arith.constant 0 : i32
      %dma_wait3A_212 = tpu.memref_slice %arg4[%add3A_65, %dma_wait3A_211] : memref<67848x256xf32, #tpu.memory_space<hbm>> -> memref<128x256xf32, #tpu.memory_space<hbm>>
      %dma_wait3A_213 = arith.constant 0 : i32
      %dma_wait3A_214 = tpu.memref_slice %arg4[%add3A_65, %dma_wait3A_213] : memref<67848x256xf32, #tpu.memory_space<hbm>> -> memref<128x256xf32, #tpu.memory_space<hbm>>
      tpu.wait_dma2 semaphore(%run_scoped3A : memref<!tpu.dma_semaphore, #tpu.memory_space<semaphore_mem>>) src(%arg6 : memref<128x256xf32, #tpu.memory_space<vmem>>) dst(%dma_wait3A_214 : memref<128x256xf32, #tpu.memory_space<hbm>>)
      tpu.yield
    }) : () -> ()
    %dma_wait3A_66 = arith.constant 640 : i32
    %dma_wait3A_67 = tpu.memref_slice %arg5[%dma_wait3A_66] : memref<2120xi32, #tpu.memory_space<vmem>> -> memref<128xi32, #tpu.memory_space<vmem>>
    %dma_wait3A_68 = arith.constant 0 : i32
    %dma_wait3A_69 = arith.constant 0 : i32
    %dma_wait3A_70 = tpu.memref_slice %arg2[%dma_wait3A_68, %dma_wait3A_69] : memref<1474x256xf32, #tpu.memory_space<hbm>> -> memref<1474x256xf32, #tpu.memory_space<hbm>>
    tpu.wait_indirect_dma semaphore(%arg9 : memref<!tpu.dma_semaphore, #tpu.memory_space<semaphore_mem>>) src(%dma_wait3A_70 : memref<1474x256xf32, #tpu.memory_space<hbm>>) dst(%arg7 : memref<128x256xf32, #tpu.memory_space<vmem>>)
    %dma_start3A_71 = arith.constant 768 : i32
    %dma_start3A_72 = tpu.memref_slice %arg5[%dma_start3A_71] : memref<2120xi32, #tpu.memory_space<vmem>> -> memref<128xi32, #tpu.memory_space<vmem>>
    %dma_start3A_73 = arith.constant 0 : i32
    %dma_start3A_74 = arith.constant 0 : i32
    %dma_start3A_75 = tpu.memref_slice %arg2[%dma_start3A_73, %dma_start3A_74] : memref<1474x256xf32, #tpu.memory_space<hbm>> -> memref<1474x256xf32, #tpu.memory_space<hbm>>
    tpu.enqueue_indirect_dma source(%dma_start3A_75 : memref<1474x256xf32, #tpu.memory_space<hbm>>) target(%arg6 : memref<128x256xf32, #tpu.memory_space<vmem>>) offsets(%dma_start3A_72 : memref<128xi32, #tpu.memory_space<vmem>>) semaphore(%arg8 : memref<!tpu.dma_semaphore, #tpu.memory_space<semaphore_mem>>)
    %add3A_76 = arith.constant 640 : i32
    %add3A_77 = arith.addi %mul3A_2, %add3A_76 : i32
    "tpu.region"() ({
      %run_scoped3A = tpu.sem_alloc : memref<!tpu.dma_semaphore, #tpu.memory_space<semaphore_mem>>
      %dma_start3A_207 = arith.constant 0 : i32
      %dma_start3A_208 = tpu.memref_slice %arg4[%add3A_77, %dma_start3A_207] : memref<67848x256xf32, #tpu.memory_space<hbm>> -> memref<128x256xf32, #tpu.memory_space<hbm>>
      %dma_start3A_209 = arith.constant 0 : i32
      %dma_start3A_210 = tpu.memref_slice %arg4[%add3A_77, %dma_start3A_209] : memref<67848x256xf32, #tpu.memory_space<hbm>> -> memref<128x256xf32, #tpu.memory_space<hbm>>
      tpu.enqueue_dma source(%arg7 : memref<128x256xf32, #tpu.memory_space<vmem>>) target(%dma_start3A_210 : memref<128x256xf32, #tpu.memory_space<hbm>>) target_semaphore(%run_scoped3A : memref<!tpu.dma_semaphore, #tpu.memory_space<semaphore_mem>>)
      %dma_wait3A_211 = arith.constant 0 : i32
      %dma_wait3A_212 = tpu.memref_slice %arg4[%add3A_77, %dma_wait3A_211] : memref<67848x256xf32, #tpu.memory_space<hbm>> -> memref<128x256xf32, #tpu.memory_space<hbm>>
      %dma_wait3A_213 = arith.constant 0 : i32
      %dma_wait3A_214 = tpu.memref_slice %arg4[%add3A_77, %dma_wait3A_213] : memref<67848x256xf32, #tpu.memory_space<hbm>> -> memref<128x256xf32, #tpu.memory_space<hbm>>
      tpu.wait_dma2 semaphore(%run_scoped3A : memref<!tpu.dma_semaphore, #tpu.memory_space<semaphore_mem>>) src(%arg7 : memref<128x256xf32, #tpu.memory_space<vmem>>) dst(%dma_wait3A_214 : memref<128x256xf32, #tpu.memory_space<hbm>>)
      tpu.yield
    }) : () -> ()
    %dma_wait3A_78 = arith.constant 768 : i32
    %dma_wait3A_79 = tpu.memref_slice %arg5[%dma_wait3A_78] : memref<2120xi32, #tpu.memory_space<vmem>> -> memref<128xi32, #tpu.memory_space<vmem>>
    %dma_wait3A_80 = arith.constant 0 : i32
    %dma_wait3A_81 = arith.constant 0 : i32
    %dma_wait3A_82 = tpu.memref_slice %arg2[%dma_wait3A_80, %dma_wait3A_81] : memref<1474x256xf32, #tpu.memory_space<hbm>> -> memref<1474x256xf32, #tpu.memory_space<hbm>>
    tpu.wait_indirect_dma semaphore(%arg8 : memref<!tpu.dma_semaphore, #tpu.memory_space<semaphore_mem>>) src(%dma_wait3A_82 : memref<1474x256xf32, #tpu.memory_space<hbm>>) dst(%arg6 : memref<128x256xf32, #tpu.memory_space<vmem>>)
    %dma_start3A_83 = arith.constant 896 : i32
    %dma_start3A_84 = tpu.memref_slice %arg5[%dma_start3A_83] : memref<2120xi32, #tpu.memory_space<vmem>> -> memref<128xi32, #tpu.memory_space<vmem>>
    %dma_start3A_85 = arith.constant 0 : i32
    %dma_start3A_86 = arith.constant 0 : i32
    %dma_start3A_87 = tpu.memref_slice %arg2[%dma_start3A_85, %dma_start3A_86] : memref<1474x256xf32, #tpu.memory_space<hbm>> -> memref<1474x256xf32, #tpu.memory_space<hbm>>
    tpu.enqueue_indirect_dma source(%dma_start3A_87 : memref<1474x256xf32, #tpu.memory_space<hbm>>) target(%arg7 : memref<128x256xf32, #tpu.memory_space<vmem>>) offsets(%dma_start3A_84 : memref<128xi32, #tpu.memory_space<vmem>>) semaphore(%arg9 : memref<!tpu.dma_semaphore, #tpu.memory_space<semaphore_mem>>)
    %add3A_88 = arith.constant 768 : i32
    %add3A_89 = arith.addi %mul3A_2, %add3A_88 : i32
    "tpu.region"() ({
      %run_scoped3A = tpu.sem_alloc : memref<!tpu.dma_semaphore, #tpu.memory_space<semaphore_mem>>
      %dma_start3A_207 = arith.constant 0 : i32
      %dma_start3A_208 = tpu.memref_slice %arg4[%add3A_89, %dma_start3A_207] : memref<67848x256xf32, #tpu.memory_space<hbm>> -> memref<128x256xf32, #tpu.memory_space<hbm>>
      %dma_start3A_209 = arith.constant 0 : i32
      %dma_start3A_210 = tpu.memref_slice %arg4[%add3A_89, %dma_start3A_209] : memref<67848x256xf32, #tpu.memory_space<hbm>> -> memref<128x256xf32, #tpu.memory_space<hbm>>
      tpu.enqueue_dma source(%arg6 : memref<128x256xf32, #tpu.memory_space<vmem>>) target(%dma_start3A_210 : memref<128x256xf32, #tpu.memory_space<hbm>>) target_semaphore(%run_scoped3A : memref<!tpu.dma_semaphore, #tpu.memory_space<semaphore_mem>>)
      %dma_wait3A_211 = arith.constant 0 : i32
      %dma_wait3A_212 = tpu.memref_slice %arg4[%add3A_89, %dma_wait3A_211] : memref<67848x256xf32, #tpu.memory_space<hbm>> -> memref<128x256xf32, #tpu.memory_space<hbm>>
      %dma_wait3A_213 = arith.constant 0 : i32
      %dma_wait3A_214 = tpu.memref_slice %arg4[%add3A_89, %dma_wait3A_213] : memref<67848x256xf32, #tpu.memory_space<hbm>> -> memref<128x256xf32, #tpu.memory_space<hbm>>
      tpu.wait_dma2 semaphore(%run_scoped3A : memref<!tpu.dma_semaphore, #tpu.memory_space<semaphore_mem>>) src(%arg6 : memref<128x256xf32, #tpu.memory_space<vmem>>) dst(%dma_wait3A_214 : memref<128x256xf32, #tpu.memory_space<hbm>>)
      tpu.yield
    }) : () -> ()
    %dma_wait3A_90 = arith.constant 896 : i32
    %dma_wait3A_91 = tpu.memref_slice %arg5[%dma_wait3A_90] : memref<2120xi32, #tpu.memory_space<vmem>> -> memref<128xi32, #tpu.memory_space<vmem>>
    %dma_wait3A_92 = arith.constant 0 : i32
    %dma_wait3A_93 = arith.constant 0 : i32
    %dma_wait3A_94 = tpu.memref_slice %arg2[%dma_wait3A_92, %dma_wait3A_93] : memref<1474x256xf32, #tpu.memory_space<hbm>> -> memref<1474x256xf32, #tpu.memory_space<hbm>>
    tpu.wait_indirect_dma semaphore(%arg9 : memref<!tpu.dma_semaphore, #tpu.memory_space<semaphore_mem>>) src(%dma_wait3A_94 : memref<1474x256xf32, #tpu.memory_space<hbm>>) dst(%arg7 : memref<128x256xf32, #tpu.memory_space<vmem>>)
    %dma_start3A_95 = arith.constant 1024 : i32
    %dma_start3A_96 = tpu.memref_slice %arg5[%dma_start3A_95] : memref<2120xi32, #tpu.memory_space<vmem>> -> memref<128xi32, #tpu.memory_space<vmem>>
    %dma_start3A_97 = arith.constant 0 : i32
    %dma_start3A_98 = arith.constant 0 : i32
    %dma_start3A_99 = tpu.memref_slice %arg2[%dma_start3A_97, %dma_start3A_98] : memref<1474x256xf32, #tpu.memory_space<hbm>> -> memref<1474x256xf32, #tpu.memory_space<hbm>>
    tpu.enqueue_indirect_dma source(%dma_start3A_99 : memref<1474x256xf32, #tpu.memory_space<hbm>>) target(%arg6 : memref<128x256xf32, #tpu.memory_space<vmem>>) offsets(%dma_start3A_96 : memref<128xi32, #tpu.memory_space<vmem>>) semaphore(%arg8 : memref<!tpu.dma_semaphore, #tpu.memory_space<semaphore_mem>>)
    %add3A_100 = arith.constant 896 : i32
    %add3A_101 = arith.addi %mul3A_2, %add3A_100 : i32
    "tpu.region"() ({
      %run_scoped3A = tpu.sem_alloc : memref<!tpu.dma_semaphore, #tpu.memory_space<semaphore_mem>>
      %dma_start3A_207 = arith.constant 0 : i32
      %dma_start3A_208 = tpu.memref_slice %arg4[%add3A_101, %dma_start3A_207] : memref<67848x256xf32, #tpu.memory_space<hbm>> -> memref<128x256xf32, #tpu.memory_space<hbm>>
      %dma_start3A_209 = arith.constant 0 : i32
      %dma_start3A_210 = tpu.memref_slice %arg4[%add3A_101, %dma_start3A_209] : memref<67848x256xf32, #tpu.memory_space<hbm>> -> memref<128x256xf32, #tpu.memory_space<hbm>>
      tpu.enqueue_dma source(%arg7 : memref<128x256xf32, #tpu.memory_space<vmem>>) target(%dma_start3A_210 : memref<128x256xf32, #tpu.memory_space<hbm>>) target_semaphore(%run_scoped3A : memref<!tpu.dma_semaphore, #tpu.memory_space<semaphore_mem>>)
      %dma_wait3A_211 = arith.constant 0 : i32
      %dma_wait3A_212 = tpu.memref_slice %arg4[%add3A_101, %dma_wait3A_211] : memref<67848x256xf32, #tpu.memory_space<hbm>> -> memref<128x256xf32, #tpu.memory_space<hbm>>
      %dma_wait3A_213 = arith.constant 0 : i32
      %dma_wait3A_214 = tpu.memref_slice %arg4[%add3A_101, %dma_wait3A_213] : memref<67848x256xf32, #tpu.memory_space<hbm>> -> memref<128x256xf32, #tpu.memory_space<hbm>>
      tpu.wait_dma2 semaphore(%run_scoped3A : memref<!tpu.dma_semaphore, #tpu.memory_space<semaphore_mem>>) src(%arg7 : memref<128x256xf32, #tpu.memory_space<vmem>>) dst(%dma_wait3A_214 : memref<128x256xf32, #tpu.memory_space<hbm>>)
      tpu.yield
    }) : () -> ()
    %dma_wait3A_102 = arith.constant 1024 : i32
    %dma_wait3A_103 = tpu.memref_slice %arg5[%dma_wait3A_102] : memref<2120xi32, #tpu.memory_space<vmem>> -> memref<128xi32, #tpu.memory_space<vmem>>
    %dma_wait3A_104 = arith.constant 0 : i32
    %dma_wait3A_105 = arith.constant 0 : i32
    %dma_wait3A_106 = tpu.memref_slice %arg2[%dma_wait3A_104, %dma_wait3A_105] : memref<1474x256xf32, #tpu.memory_space<hbm>> -> memref<1474x256xf32, #tpu.memory_space<hbm>>
    tpu.wait_indirect_dma semaphore(%arg8 : memref<!tpu.dma_semaphore, #tpu.memory_space<semaphore_mem>>) src(%dma_wait3A_106 : memref<1474x256xf32, #tpu.memory_space<hbm>>) dst(%arg6 : memref<128x256xf32, #tpu.memory_space<vmem>>)
    %dma_start3A_107 = arith.constant 1152 : i32
    %dma_start3A_108 = tpu.memref_slice %arg5[%dma_start3A_107] : memref<2120xi32, #tpu.memory_space<vmem>> -> memref<128xi32, #tpu.memory_space<vmem>>
    %dma_start3A_109 = arith.constant 0 : i32
    %dma_start3A_110 = arith.constant 0 : i32
    %dma_start3A_111 = tpu.memref_slice %arg2[%dma_start3A_109, %dma_start3A_110] : memref<1474x256xf32, #tpu.memory_space<hbm>> -> memref<1474x256xf32, #tpu.memory_space<hbm>>
    tpu.enqueue_indirect_dma source(%dma_start3A_111 : memref<1474x256xf32, #tpu.memory_space<hbm>>) target(%arg7 : memref<128x256xf32, #tpu.memory_space<vmem>>) offsets(%dma_start3A_108 : memref<128xi32, #tpu.memory_space<vmem>>) semaphore(%arg9 : memref<!tpu.dma_semaphore, #tpu.memory_space<semaphore_mem>>)
    %add3A_112 = arith.constant 1024 : i32
    %add3A_113 = arith.addi %mul3A_2, %add3A_112 : i32
    "tpu.region"() ({
      %run_scoped3A = tpu.sem_alloc : memref<!tpu.dma_semaphore, #tpu.memory_space<semaphore_mem>>
      %dma_start3A_207 = arith.constant 0 : i32
      %dma_start3A_208 = tpu.memref_slice %arg4[%add3A_113, %dma_start3A_207] : memref<67848x256xf32, #tpu.memory_space<hbm>> -> memref<128x256xf32, #tpu.memory_space<hbm>>
      %dma_start3A_209 = arith.constant 0 : i32
      %dma_start3A_210 = tpu.memref_slice %arg4[%add3A_113, %dma_start3A_209] : memref<67848x256xf32, #tpu.memory_space<hbm>> -> memref<128x256xf32, #tpu.memory_space<hbm>>
      tpu.enqueue_dma source(%arg6 : memref<128x256xf32, #tpu.memory_space<vmem>>) target(%dma_start3A_210 : memref<128x256xf32, #tpu.memory_space<hbm>>) target_semaphore(%run_scoped3A : memref<!tpu.dma_semaphore, #tpu.memory_space<semaphore_mem>>)
      %dma_wait3A_211 = arith.constant 0 : i32
      %dma_wait3A_212 = tpu.memref_slice %arg4[%add3A_113, %dma_wait3A_211] : memref<67848x256xf32, #tpu.memory_space<hbm>> -> memref<128x256xf32, #tpu.memory_space<hbm>>
      %dma_wait3A_213 = arith.constant 0 : i32
      %dma_wait3A_214 = tpu.memref_slice %arg4[%add3A_113, %dma_wait3A_213] : memref<67848x256xf32, #tpu.memory_space<hbm>> -> memref<128x256xf32, #tpu.memory_space<hbm>>
      tpu.wait_dma2 semaphore(%run_scoped3A : memref<!tpu.dma_semaphore, #tpu.memory_space<semaphore_mem>>) src(%arg6 : memref<128x256xf32, #tpu.memory_space<vmem>>) dst(%dma_wait3A_214 : memref<128x256xf32, #tpu.memory_space<hbm>>)
      tpu.yield
    }) : () -> ()
    %dma_wait3A_114 = arith.constant 1152 : i32
    %dma_wait3A_115 = tpu.memref_slice %arg5[%dma_wait3A_114] : memref<2120xi32, #tpu.memory_space<vmem>> -> memref<128xi32, #tpu.memory_space<vmem>>
    %dma_wait3A_116 = arith.constant 0 : i32
    %dma_wait3A_117 = arith.constant 0 : i32
    %dma_wait3A_118 = tpu.memref_slice %arg2[%dma_wait3A_116, %dma_wait3A_117] : memref<1474x256xf32, #tpu.memory_space<hbm>> -> memref<1474x256xf32, #tpu.memory_space<hbm>>
    tpu.wait_indirect_dma semaphore(%arg9 : memref<!tpu.dma_semaphore, #tpu.memory_space<semaphore_mem>>) src(%dma_wait3A_118 : memref<1474x256xf32, #tpu.memory_space<hbm>>) dst(%arg7 : memref<128x256xf32, #tpu.memory_space<vmem>>)
    %dma_start3A_119 = arith.constant 1280 : i32
    %dma_start3A_120 = tpu.memref_slice %arg5[%dma_start3A_119] : memref<2120xi32, #tpu.memory_space<vmem>> -> memref<128xi32, #tpu.memory_space<vmem>>
    %dma_start3A_121 = arith.constant 0 : i32
    %dma_start3A_122 = arith.constant 0 : i32
    %dma_start3A_123 = tpu.memref_slice %arg2[%dma_start3A_121, %dma_start3A_122] : memref<1474x256xf32, #tpu.memory_space<hbm>> -> memref<1474x256xf32, #tpu.memory_space<hbm>>
    tpu.enqueue_indirect_dma source(%dma_start3A_123 : memref<1474x256xf32, #tpu.memory_space<hbm>>) target(%arg6 : memref<128x256xf32, #tpu.memory_space<vmem>>) offsets(%dma_start3A_120 : memref<128xi32, #tpu.memory_space<vmem>>) semaphore(%arg8 : memref<!tpu.dma_semaphore, #tpu.memory_space<semaphore_mem>>)
    %add3A_124 = arith.constant 1152 : i32
    %add3A_125 = arith.addi %mul3A_2, %add3A_124 : i32
    "tpu.region"() ({
      %run_scoped3A = tpu.sem_alloc : memref<!tpu.dma_semaphore, #tpu.memory_space<semaphore_mem>>
      %dma_start3A_207 = arith.constant 0 : i32
      %dma_start3A_208 = tpu.memref_slice %arg4[%add3A_125, %dma_start3A_207] : memref<67848x256xf32, #tpu.memory_space<hbm>> -> memref<128x256xf32, #tpu.memory_space<hbm>>
      %dma_start3A_209 = arith.constant 0 : i32
      %dma_start3A_210 = tpu.memref_slice %arg4[%add3A_125, %dma_start3A_209] : memref<67848x256xf32, #tpu.memory_space<hbm>> -> memref<128x256xf32, #tpu.memory_space<hbm>>
      tpu.enqueue_dma source(%arg7 : memref<128x256xf32, #tpu.memory_space<vmem>>) target(%dma_start3A_210 : memref<128x256xf32, #tpu.memory_space<hbm>>) target_semaphore(%run_scoped3A : memref<!tpu.dma_semaphore, #tpu.memory_space<semaphore_mem>>)
      %dma_wait3A_211 = arith.constant 0 : i32
      %dma_wait3A_212 = tpu.memref_slice %arg4[%add3A_125, %dma_wait3A_211] : memref<67848x256xf32, #tpu.memory_space<hbm>> -> memref<128x256xf32, #tpu.memory_space<hbm>>
      %dma_wait3A_213 = arith.constant 0 : i32
      %dma_wait3A_214 = tpu.memref_slice %arg4[%add3A_125, %dma_wait3A_213] : memref<67848x256xf32, #tpu.memory_space<hbm>> -> memref<128x256xf32, #tpu.memory_space<hbm>>
      tpu.wait_dma2 semaphore(%run_scoped3A : memref<!tpu.dma_semaphore, #tpu.memory_space<semaphore_mem>>) src(%arg7 : memref<128x256xf32, #tpu.memory_space<vmem>>) dst(%dma_wait3A_214 : memref<128x256xf32, #tpu.memory_space<hbm>>)
      tpu.yield
    }) : () -> ()
    %dma_wait3A_126 = arith.constant 1280 : i32
    %dma_wait3A_127 = tpu.memref_slice %arg5[%dma_wait3A_126] : memref<2120xi32, #tpu.memory_space<vmem>> -> memref<128xi32, #tpu.memory_space<vmem>>
    %dma_wait3A_128 = arith.constant 0 : i32
    %dma_wait3A_129 = arith.constant 0 : i32
    %dma_wait3A_130 = tpu.memref_slice %arg2[%dma_wait3A_128, %dma_wait3A_129] : memref<1474x256xf32, #tpu.memory_space<hbm>> -> memref<1474x256xf32, #tpu.memory_space<hbm>>
    tpu.wait_indirect_dma semaphore(%arg8 : memref<!tpu.dma_semaphore, #tpu.memory_space<semaphore_mem>>) src(%dma_wait3A_130 : memref<1474x256xf32, #tpu.memory_space<hbm>>) dst(%arg6 : memref<128x256xf32, #tpu.memory_space<vmem>>)
    %dma_start3A_131 = arith.constant 1408 : i32
    %dma_start3A_132 = tpu.memref_slice %arg5[%dma_start3A_131] : memref<2120xi32, #tpu.memory_space<vmem>> -> memref<128xi32, #tpu.memory_space<vmem>>
    %dma_start3A_133 = arith.constant 0 : i32
    %dma_start3A_134 = arith.constant 0 : i32
    %dma_start3A_135 = tpu.memref_slice %arg2[%dma_start3A_133, %dma_start3A_134] : memref<1474x256xf32, #tpu.memory_space<hbm>> -> memref<1474x256xf32, #tpu.memory_space<hbm>>
    tpu.enqueue_indirect_dma source(%dma_start3A_135 : memref<1474x256xf32, #tpu.memory_space<hbm>>) target(%arg7 : memref<128x256xf32, #tpu.memory_space<vmem>>) offsets(%dma_start3A_132 : memref<128xi32, #tpu.memory_space<vmem>>) semaphore(%arg9 : memref<!tpu.dma_semaphore, #tpu.memory_space<semaphore_mem>>)
    %add3A_136 = arith.constant 1280 : i32
    %add3A_137 = arith.addi %mul3A_2, %add3A_136 : i32
    "tpu.region"() ({
      %run_scoped3A = tpu.sem_alloc : memref<!tpu.dma_semaphore, #tpu.memory_space<semaphore_mem>>
      %dma_start3A_207 = arith.constant 0 : i32
      %dma_start3A_208 = tpu.memref_slice %arg4[%add3A_137, %dma_start3A_207] : memref<67848x256xf32, #tpu.memory_space<hbm>> -> memref<128x256xf32, #tpu.memory_space<hbm>>
      %dma_start3A_209 = arith.constant 0 : i32
      %dma_start3A_210 = tpu.memref_slice %arg4[%add3A_137, %dma_start3A_209] : memref<67848x256xf32, #tpu.memory_space<hbm>> -> memref<128x256xf32, #tpu.memory_space<hbm>>
      tpu.enqueue_dma source(%arg6 : memref<128x256xf32, #tpu.memory_space<vmem>>) target(%dma_start3A_210 : memref<128x256xf32, #tpu.memory_space<hbm>>) target_semaphore(%run_scoped3A : memref<!tpu.dma_semaphore, #tpu.memory_space<semaphore_mem>>)
      %dma_wait3A_211 = arith.constant 0 : i32
      %dma_wait3A_212 = tpu.memref_slice %arg4[%add3A_137, %dma_wait3A_211] : memref<67848x256xf32, #tpu.memory_space<hbm>> -> memref<128x256xf32, #tpu.memory_space<hbm>>
      %dma_wait3A_213 = arith.constant 0 : i32
      %dma_wait3A_214 = tpu.memref_slice %arg4[%add3A_137, %dma_wait3A_213] : memref<67848x256xf32, #tpu.memory_space<hbm>> -> memref<128x256xf32, #tpu.memory_space<hbm>>
      tpu.wait_dma2 semaphore(%run_scoped3A : memref<!tpu.dma_semaphore, #tpu.memory_space<semaphore_mem>>) src(%arg6 : memref<128x256xf32, #tpu.memory_space<vmem>>) dst(%dma_wait3A_214 : memref<128x256xf32, #tpu.memory_space<hbm>>)
      tpu.yield
    }) : () -> ()
    %dma_wait3A_138 = arith.constant 1408 : i32
    %dma_wait3A_139 = tpu.memref_slice %arg5[%dma_wait3A_138] : memref<2120xi32, #tpu.memory_space<vmem>> -> memref<128xi32, #tpu.memory_space<vmem>>
    %dma_wait3A_140 = arith.constant 0 : i32
    %dma_wait3A_141 = arith.constant 0 : i32
    %dma_wait3A_142 = tpu.memref_slice %arg2[%dma_wait3A_140, %dma_wait3A_141] : memref<1474x256xf32, #tpu.memory_space<hbm>> -> memref<1474x256xf32, #tpu.memory_space<hbm>>
    tpu.wait_indirect_dma semaphore(%arg9 : memref<!tpu.dma_semaphore, #tpu.memory_space<semaphore_mem>>) src(%dma_wait3A_142 : memref<1474x256xf32, #tpu.memory_space<hbm>>) dst(%arg7 : memref<128x256xf32, #tpu.memory_space<vmem>>)
    %dma_start3A_143 = arith.constant 1536 : i32
    %dma_start3A_144 = tpu.memref_slice %arg5[%dma_start3A_143] : memref<2120xi32, #tpu.memory_space<vmem>> -> memref<128xi32, #tpu.memory_space<vmem>>
    %dma_start3A_145 = arith.constant 0 : i32
    %dma_start3A_146 = arith.constant 0 : i32
    %dma_start3A_147 = tpu.memref_slice %arg2[%dma_start3A_145, %dma_start3A_146] : memref<1474x256xf32, #tpu.memory_space<hbm>> -> memref<1474x256xf32, #tpu.memory_space<hbm>>
    tpu.enqueue_indirect_dma source(%dma_start3A_147 : memref<1474x256xf32, #tpu.memory_space<hbm>>) target(%arg6 : memref<128x256xf32, #tpu.memory_space<vmem>>) offsets(%dma_start3A_144 : memref<128xi32, #tpu.memory_space<vmem>>) semaphore(%arg8 : memref<!tpu.dma_semaphore, #tpu.memory_space<semaphore_mem>>)
    %add3A_148 = arith.constant 1408 : i32
    %add3A_149 = arith.addi %mul3A_2, %add3A_148 : i32
    "tpu.region"() ({
      %run_scoped3A = tpu.sem_alloc : memref<!tpu.dma_semaphore, #tpu.memory_space<semaphore_mem>>
      %dma_start3A_207 = arith.constant 0 : i32
      %dma_start3A_208 = tpu.memref_slice %arg4[%add3A_149, %dma_start3A_207] : memref<67848x256xf32, #tpu.memory_space<hbm>> -> memref<128x256xf32, #tpu.memory_space<hbm>>
      %dma_start3A_209 = arith.constant 0 : i32
      %dma_start3A_210 = tpu.memref_slice %arg4[%add3A_149, %dma_start3A_209] : memref<67848x256xf32, #tpu.memory_space<hbm>> -> memref<128x256xf32, #tpu.memory_space<hbm>>
      tpu.enqueue_dma source(%arg7 : memref<128x256xf32, #tpu.memory_space<vmem>>) target(%dma_start3A_210 : memref<128x256xf32, #tpu.memory_space<hbm>>) target_semaphore(%run_scoped3A : memref<!tpu.dma_semaphore, #tpu.memory_space<semaphore_mem>>)
      %dma_wait3A_211 = arith.constant 0 : i32
      %dma_wait3A_212 = tpu.memref_slice %arg4[%add3A_149, %dma_wait3A_211] : memref<67848x256xf32, #tpu.memory_space<hbm>> -> memref<128x256xf32, #tpu.memory_space<hbm>>
      %dma_wait3A_213 = arith.constant 0 : i32
      %dma_wait3A_214 = tpu.memref_slice %arg4[%add3A_149, %dma_wait3A_213] : memref<67848x256xf32, #tpu.memory_space<hbm>> -> memref<128x256xf32, #tpu.memory_space<hbm>>
      tpu.wait_dma2 semaphore(%run_scoped3A : memref<!tpu.dma_semaphore, #tpu.memory_space<semaphore_mem>>) src(%arg7 : memref<128x256xf32, #tpu.memory_space<vmem>>) dst(%dma_wait3A_214 : memref<128x256xf32, #tpu.memory_space<hbm>>)
      tpu.yield
    }) : () -> ()
    %dma_wait3A_150 = arith.constant 1536 : i32
    %dma_wait3A_151 = tpu.memref_slice %arg5[%dma_wait3A_150] : memref<2120xi32, #tpu.memory_space<vmem>> -> memref<128xi32, #tpu.memory_space<vmem>>
    %dma_wait3A_152 = arith.constant 0 : i32
    %dma_wait3A_153 = arith.constant 0 : i32
    %dma_wait3A_154 = tpu.memref_slice %arg2[%dma_wait3A_152, %dma_wait3A_153] : memref<1474x256xf32, #tpu.memory_space<hbm>> -> memref<1474x256xf32, #tpu.memory_space<hbm>>
    tpu.wait_indirect_dma semaphore(%arg8 : memref<!tpu.dma_semaphore, #tpu.memory_space<semaphore_mem>>) src(%dma_wait3A_154 : memref<1474x256xf32, #tpu.memory_space<hbm>>) dst(%arg6 : memref<128x256xf32, #tpu.memory_space<vmem>>)
    %dma_start3A_155 = arith.constant 1664 : i32
    %dma_start3A_156 = tpu.memref_slice %arg5[%dma_start3A_155] : memref<2120xi32, #tpu.memory_space<vmem>> -> memref<128xi32, #tpu.memory_space<vmem>>
    %dma_start3A_157 = arith.constant 0 : i32
    %dma_start3A_158 = arith.constant 0 : i32
    %dma_start3A_159 = tpu.memref_slice %arg2[%dma_start3A_157, %dma_start3A_158] : memref<1474x256xf32, #tpu.memory_space<hbm>> -> memref<1474x256xf32, #tpu.memory_space<hbm>>
    tpu.enqueue_indirect_dma source(%dma_start3A_159 : memref<1474x256xf32, #tpu.memory_space<hbm>>) target(%arg7 : memref<128x256xf32, #tpu.memory_space<vmem>>) offsets(%dma_start3A_156 : memref<128xi32, #tpu.memory_space<vmem>>) semaphore(%arg9 : memref<!tpu.dma_semaphore, #tpu.memory_space<semaphore_mem>>)
    %add3A_160 = arith.constant 1536 : i32
    %add3A_161 = arith.addi %mul3A_2, %add3A_160 : i32
    "tpu.region"() ({
      %run_scoped3A = tpu.sem_alloc : memref<!tpu.dma_semaphore, #tpu.memory_space<semaphore_mem>>
      %dma_start3A_207 = arith.constant 0 : i32
      %dma_start3A_208 = tpu.memref_slice %arg4[%add3A_161, %dma_start3A_207] : memref<67848x256xf32, #tpu.memory_space<hbm>> -> memref<128x256xf32, #tpu.memory_space<hbm>>
      %dma_start3A_209 = arith.constant 0 : i32
      %dma_start3A_210 = tpu.memref_slice %arg4[%add3A_161, %dma_start3A_209] : memref<67848x256xf32, #tpu.memory_space<hbm>> -> memref<128x256xf32, #tpu.memory_space<hbm>>
      tpu.enqueue_dma source(%arg6 : memref<128x256xf32, #tpu.memory_space<vmem>>) target(%dma_start3A_210 : memref<128x256xf32, #tpu.memory_space<hbm>>) target_semaphore(%run_scoped3A : memref<!tpu.dma_semaphore, #tpu.memory_space<semaphore_mem>>)
      %dma_wait3A_211 = arith.constant 0 : i32
      %dma_wait3A_212 = tpu.memref_slice %arg4[%add3A_161, %dma_wait3A_211] : memref<67848x256xf32, #tpu.memory_space<hbm>> -> memref<128x256xf32, #tpu.memory_space<hbm>>
      %dma_wait3A_213 = arith.constant 0 : i32
      %dma_wait3A_214 = tpu.memref_slice %arg4[%add3A_161, %dma_wait3A_213] : memref<67848x256xf32, #tpu.memory_space<hbm>> -> memref<128x256xf32, #tpu.memory_space<hbm>>
      tpu.wait_dma2 semaphore(%run_scoped3A : memref<!tpu.dma_semaphore, #tpu.memory_space<semaphore_mem>>) src(%arg6 : memref<128x256xf32, #tpu.memory_space<vmem>>) dst(%dma_wait3A_214 : memref<128x256xf32, #tpu.memory_space<hbm>>)
      tpu.yield
    }) : () -> ()
    %dma_wait3A_162 = arith.constant 1664 : i32
    %dma_wait3A_163 = tpu.memref_slice %arg5[%dma_wait3A_162] : memref<2120xi32, #tpu.memory_space<vmem>> -> memref<128xi32, #tpu.memory_space<vmem>>
    %dma_wait3A_164 = arith.constant 0 : i32
    %dma_wait3A_165 = arith.constant 0 : i32
    %dma_wait3A_166 = tpu.memref_slice %arg2[%dma_wait3A_164, %dma_wait3A_165] : memref<1474x256xf32, #tpu.memory_space<hbm>> -> memref<1474x256xf32, #tpu.memory_space<hbm>>
    tpu.wait_indirect_dma semaphore(%arg9 : memref<!tpu.dma_semaphore, #tpu.memory_space<semaphore_mem>>) src(%dma_wait3A_166 : memref<1474x256xf32, #tpu.memory_space<hbm>>) dst(%arg7 : memref<128x256xf32, #tpu.memory_space<vmem>>)
    %dma_start3A_167 = arith.constant 1792 : i32
    %dma_start3A_168 = tpu.memref_slice %arg5[%dma_start3A_167] : memref<2120xi32, #tpu.memory_space<vmem>> -> memref<128xi32, #tpu.memory_space<vmem>>
    %dma_start3A_169 = arith.constant 0 : i32
    %dma_start3A_170 = arith.constant 0 : i32
    %dma_start3A_171 = tpu.memref_slice %arg2[%dma_start3A_169, %dma_start3A_170] : memref<1474x256xf32, #tpu.memory_space<hbm>> -> memref<1474x256xf32, #tpu.memory_space<hbm>>
    tpu.enqueue_indirect_dma source(%dma_start3A_171 : memref<1474x256xf32, #tpu.memory_space<hbm>>) target(%arg6 : memref<128x256xf32, #tpu.memory_space<vmem>>) offsets(%dma_start3A_168 : memref<128xi32, #tpu.memory_space<vmem>>) semaphore(%arg8 : memref<!tpu.dma_semaphore, #tpu.memory_space<semaphore_mem>>)
    %add3A_172 = arith.constant 1664 : i32
    %add3A_173 = arith.addi %mul3A_2, %add3A_172 : i32
    "tpu.region"() ({
      %run_scoped3A = tpu.sem_alloc : memref<!tpu.dma_semaphore, #tpu.memory_space<semaphore_mem>>
      %dma_start3A_207 = arith.constant 0 : i32
      %dma_start3A_208 = tpu.memref_slice %arg4[%add3A_173, %dma_start3A_207] : memref<67848x256xf32, #tpu.memory_space<hbm>> -> memref<128x256xf32, #tpu.memory_space<hbm>>
      %dma_start3A_209 = arith.constant 0 : i32
      %dma_start3A_210 = tpu.memref_slice %arg4[%add3A_173, %dma_start3A_209] : memref<67848x256xf32, #tpu.memory_space<hbm>> -> memref<128x256xf32, #tpu.memory_space<hbm>>
      tpu.enqueue_dma source(%arg7 : memref<128x256xf32, #tpu.memory_space<vmem>>) target(%dma_start3A_210 : memref<128x256xf32, #tpu.memory_space<hbm>>) target_semaphore(%run_scoped3A : memref<!tpu.dma_semaphore, #tpu.memory_space<semaphore_mem>>)
      %dma_wait3A_211 = arith.constant 0 : i32
      %dma_wait3A_212 = tpu.memref_slice %arg4[%add3A_173, %dma_wait3A_211] : memref<67848x256xf32, #tpu.memory_space<hbm>> -> memref<128x256xf32, #tpu.memory_space<hbm>>
      %dma_wait3A_213 = arith.constant 0 : i32
      %dma_wait3A_214 = tpu.memref_slice %arg4[%add3A_173, %dma_wait3A_213] : memref<67848x256xf32, #tpu.memory_space<hbm>> -> memref<128x256xf32, #tpu.memory_space<hbm>>
      tpu.wait_dma2 semaphore(%run_scoped3A : memref<!tpu.dma_semaphore, #tpu.memory_space<semaphore_mem>>) src(%arg7 : memref<128x256xf32, #tpu.memory_space<vmem>>) dst(%dma_wait3A_214 : memref<128x256xf32, #tpu.memory_space<hbm>>)
      tpu.yield
    }) : () -> ()
    %dma_wait3A_174 = arith.constant 1792 : i32
    %dma_wait3A_175 = tpu.memref_slice %arg5[%dma_wait3A_174] : memref<2120xi32, #tpu.memory_space<vmem>> -> memref<128xi32, #tpu.memory_space<vmem>>
    %dma_wait3A_176 = arith.constant 0 : i32
    %dma_wait3A_177 = arith.constant 0 : i32
    %dma_wait3A_178 = tpu.memref_slice %arg2[%dma_wait3A_176, %dma_wait3A_177] : memref<1474x256xf32, #tpu.memory_space<hbm>> -> memref<1474x256xf32, #tpu.memory_space<hbm>>
    tpu.wait_indirect_dma semaphore(%arg8 : memref<!tpu.dma_semaphore, #tpu.memory_space<semaphore_mem>>) src(%dma_wait3A_178 : memref<1474x256xf32, #tpu.memory_space<hbm>>) dst(%arg6 : memref<128x256xf32, #tpu.memory_space<vmem>>)
    %dma_start3A_179 = arith.constant 1920 : i32
    %dma_start3A_180 = tpu.memref_slice %arg5[%dma_start3A_179] : memref<2120xi32, #tpu.memory_space<vmem>> -> memref<128xi32, #tpu.memory_space<vmem>>
    %dma_start3A_181 = arith.constant 0 : i32
    %dma_start3A_182 = arith.constant 0 : i32
    %dma_start3A_183 = tpu.memref_slice %arg2[%dma_start3A_181, %dma_start3A_182] : memref<1474x256xf32, #tpu.memory_space<hbm>> -> memref<1474x256xf32, #tpu.memory_space<hbm>>
    tpu.enqueue_indirect_dma source(%dma_start3A_183 : memref<1474x256xf32, #tpu.memory_space<hbm>>) target(%arg7 : memref<128x256xf32, #tpu.memory_space<vmem>>) offsets(%dma_start3A_180 : memref<128xi32, #tpu.memory_space<vmem>>) semaphore(%arg9 : memref<!tpu.dma_semaphore, #tpu.memory_space<semaphore_mem>>)
    %add3A_184 = arith.constant 1792 : i32
    %add3A_185 = arith.addi %mul3A_2, %add3A_184 : i32
    "tpu.region"() ({
      %run_scoped3A = tpu.sem_alloc : memref<!tpu.dma_semaphore, #tpu.memory_space<semaphore_mem>>
      %dma_start3A_207 = arith.constant 0 : i32
      %dma_start3A_208 = tpu.memref_slice %arg4[%add3A_185, %dma_start3A_207] : memref<67848x256xf32, #tpu.memory_space<hbm>> -> memref<128x256xf32, #tpu.memory_space<hbm>>
      %dma_start3A_209 = arith.constant 0 : i32
      %dma_start3A_210 = tpu.memref_slice %arg4[%add3A_185, %dma_start3A_209] : memref<67848x256xf32, #tpu.memory_space<hbm>> -> memref<128x256xf32, #tpu.memory_space<hbm>>
      tpu.enqueue_dma source(%arg6 : memref<128x256xf32, #tpu.memory_space<vmem>>) target(%dma_start3A_210 : memref<128x256xf32, #tpu.memory_space<hbm>>) target_semaphore(%run_scoped3A : memref<!tpu.dma_semaphore, #tpu.memory_space<semaphore_mem>>)
      %dma_wait3A_211 = arith.constant 0 : i32
      %dma_wait3A_212 = tpu.memref_slice %arg4[%add3A_185, %dma_wait3A_211] : memref<67848x256xf32, #tpu.memory_space<hbm>> -> memref<128x256xf32, #tpu.memory_space<hbm>>
      %dma_wait3A_213 = arith.constant 0 : i32
      %dma_wait3A_214 = tpu.memref_slice %arg4[%add3A_185, %dma_wait3A_213] : memref<67848x256xf32, #tpu.memory_space<hbm>> -> memref<128x256xf32, #tpu.memory_space<hbm>>
      tpu.wait_dma2 semaphore(%run_scoped3A : memref<!tpu.dma_semaphore, #tpu.memory_space<semaphore_mem>>) src(%arg6 : memref<128x256xf32, #tpu.memory_space<vmem>>) dst(%dma_wait3A_214 : memref<128x256xf32, #tpu.memory_space<hbm>>)
      tpu.yield
    }) : () -> ()
    %dma_wait3A_186 = arith.constant 1920 : i32
    %dma_wait3A_187 = tpu.memref_slice %arg5[%dma_wait3A_186] : memref<2120xi32, #tpu.memory_space<vmem>> -> memref<128xi32, #tpu.memory_space<vmem>>
    %dma_wait3A_188 = arith.constant 0 : i32
    %dma_wait3A_189 = arith.constant 0 : i32
    %dma_wait3A_190 = tpu.memref_slice %arg2[%dma_wait3A_188, %dma_wait3A_189] : memref<1474x256xf32, #tpu.memory_space<hbm>> -> memref<1474x256xf32, #tpu.memory_space<hbm>>
    tpu.wait_indirect_dma semaphore(%arg9 : memref<!tpu.dma_semaphore, #tpu.memory_space<semaphore_mem>>) src(%dma_wait3A_190 : memref<1474x256xf32, #tpu.memory_space<hbm>>) dst(%arg7 : memref<128x256xf32, #tpu.memory_space<vmem>>)
    %dma_start3A_191 = arith.constant 1992 : i32
    %dma_start3A_192 = tpu.memref_slice %arg5[%dma_start3A_191] : memref<2120xi32, #tpu.memory_space<vmem>> -> memref<128xi32, #tpu.memory_space<vmem>>
    %dma_start3A_193 = arith.constant 0 : i32
    %dma_start3A_194 = arith.constant 0 : i32
    %dma_start3A_195 = tpu.memref_slice %arg2[%dma_start3A_193, %dma_start3A_194] : memref<1474x256xf32, #tpu.memory_space<hbm>> -> memref<1474x256xf32, #tpu.memory_space<hbm>>
    tpu.enqueue_indirect_dma source(%dma_start3A_195 : memref<1474x256xf32, #tpu.memory_space<hbm>>) target(%arg6 : memref<128x256xf32, #tpu.memory_space<vmem>>) offsets(%dma_start3A_192 : memref<128xi32, #tpu.memory_space<vmem>>) semaphore(%arg8 : memref<!tpu.dma_semaphore, #tpu.memory_space<semaphore_mem>>)
    %add3A_196 = arith.constant 1920 : i32
    %add3A_197 = arith.addi %mul3A_2, %add3A_196 : i32
    "tpu.region"() ({
      %run_scoped3A = tpu.sem_alloc : memref<!tpu.dma_semaphore, #tpu.memory_space<semaphore_mem>>
      %dma_start3A_207 = arith.constant 0 : i32
      %dma_start3A_208 = tpu.memref_slice %arg4[%add3A_197, %dma_start3A_207] : memref<67848x256xf32, #tpu.memory_space<hbm>> -> memref<128x256xf32, #tpu.memory_space<hbm>>
      %dma_start3A_209 = arith.constant 0 : i32
      %dma_start3A_210 = tpu.memref_slice %arg4[%add3A_197, %dma_start3A_209] : memref<67848x256xf32, #tpu.memory_space<hbm>> -> memref<128x256xf32, #tpu.memory_space<hbm>>
      tpu.enqueue_dma source(%arg7 : memref<128x256xf32, #tpu.memory_space<vmem>>) target(%dma_start3A_210 : memref<128x256xf32, #tpu.memory_space<hbm>>) target_semaphore(%run_scoped3A : memref<!tpu.dma_semaphore, #tpu.memory_space<semaphore_mem>>)
      %dma_wait3A_211 = arith.constant 0 : i32
      %dma_wait3A_212 = tpu.memref_slice %arg4[%add3A_197, %dma_wait3A_211] : memref<67848x256xf32, #tpu.memory_space<hbm>> -> memref<128x256xf32, #tpu.memory_space<hbm>>
      %dma_wait3A_213 = arith.constant 0 : i32
      %dma_wait3A_214 = tpu.memref_slice %arg4[%add3A_197, %dma_wait3A_213] : memref<67848x256xf32, #tpu.memory_space<hbm>> -> memref<128x256xf32, #tpu.memory_space<hbm>>
      tpu.wait_dma2 semaphore(%run_scoped3A : memref<!tpu.dma_semaphore, #tpu.memory_space<semaphore_mem>>) src(%arg7 : memref<128x256xf32, #tpu.memory_space<vmem>>) dst(%dma_wait3A_214 : memref<128x256xf32, #tpu.memory_space<hbm>>)
      tpu.yield
    }) : () -> ()
    %dma_wait3A_198 = arith.constant 1992 : i32
    %dma_wait3A_199 = tpu.memref_slice %arg5[%dma_wait3A_198] : memref<2120xi32, #tpu.memory_space<vmem>> -> memref<128xi32, #tpu.memory_space<vmem>>
    %dma_wait3A_200 = arith.constant 0 : i32
    %dma_wait3A_201 = arith.constant 0 : i32
    %dma_wait3A_202 = tpu.memref_slice %arg2[%dma_wait3A_200, %dma_wait3A_201] : memref<1474x256xf32, #tpu.memory_space<hbm>> -> memref<1474x256xf32, #tpu.memory_space<hbm>>
    tpu.wait_indirect_dma semaphore(%arg8 : memref<!tpu.dma_semaphore, #tpu.memory_space<semaphore_mem>>) src(%dma_wait3A_202 : memref<1474x256xf32, #tpu.memory_space<hbm>>) dst(%arg6 : memref<128x256xf32, #tpu.memory_space<vmem>>)
    %add3A_203 = arith.constant 1992 : i32
    %add3A_204 = arith.addi %mul3A_2, %add3A_203 : i32
    "tpu.region"() ({
      %run_scoped3A = tpu.sem_alloc : memref<!tpu.dma_semaphore, #tpu.memory_space<semaphore_mem>>
      %dma_start3A_207 = arith.constant 0 : i32
      %dma_start3A_208 = tpu.memref_slice %arg4[%add3A_204, %dma_start3A_207] : memref<67848x256xf32, #tpu.memory_space<hbm>> -> memref<128x256xf32, #tpu.memory_space<hbm>>
      %dma_start3A_209 = arith.constant 0 : i32
      %dma_start3A_210 = tpu.memref_slice %arg4[%add3A_204, %dma_start3A_209] : memref<67848x256xf32, #tpu.memory_space<hbm>> -> memref<128x256xf32, #tpu.memory_space<hbm>>
      tpu.enqueue_dma source(%arg6 : memref<128x256xf32, #tpu.memory_space<vmem>>) target(%dma_start3A_210 : memref<128x256xf32, #tpu.memory_space<hbm>>) target_semaphore(%run_scoped3A : memref<!tpu.dma_semaphore, #tpu.memory_space<semaphore_mem>>)
      %dma_wait3A_211 = arith.constant 0 : i32
      %dma_wait3A_212 = tpu.memref_slice %arg4[%add3A_204, %dma_wait3A_211] : memref<67848x256xf32, #tpu.memory_space<hbm>> -> memref<128x256xf32, #tpu.memory_space<hbm>>
      %dma_wait3A_213 = arith.constant 0 : i32
      %dma_wait3A_214 = tpu.memref_slice %arg4[%add3A_204, %dma_wait3A_213] : memref<67848x256xf32, #tpu.memory_space<hbm>> -> memref<128x256xf32, #tpu.memory_space<hbm>>
      tpu.wait_dma2 semaphore(%run_scoped3A : memref<!tpu.dma_semaphore, #tpu.memory_space<semaphore_mem>>) src(%arg6 : memref<128x256xf32, #tpu.memory_space<vmem>>) dst(%dma_wait3A_214 : memref<128x256xf32, #tpu.memory_space<hbm>>)
      tpu.yield
    }) : () -> ()
    %eq3A = arith.constant 31 : i32
    %eq3A_205 = arith.cmpi eq, %add3A, %eq3A : i32
    %convert_element_type3A = arith.extui %eq3A_205 : i1 to i32
    %cond3A = arith.constant 0 : i32
    %cond3A_206 = arith.cmpi ne, %convert_element_type3A, %cond3A : i32
    scf.if %cond3A_206 {
      "tpu.region"() ({
        %run_scoped3A = tpu.sem_alloc : memref<!tpu.dma_semaphore, #tpu.memory_space<semaphore_mem>>
        %dma_start3A_213 = arith.constant 67840 : i32
        %dma_start3A_214 = tpu.memref_slice %arg3[%dma_start3A_213] : memref<67848xi32, #tpu.memory_space<hbm>> -> memref<8xi32, #tpu.memory_space<hbm>>
        %dma_start3A_215 = arith.constant 67840 : i32
        %dma_start3A_216 = tpu.memref_slice %arg3[%dma_start3A_215] : memref<67848xi32, #tpu.memory_space<hbm>> -> memref<8xi32, #tpu.memory_space<hbm>>
        tpu.enqueue_dma source(%dma_start3A_216 : memref<8xi32, #tpu.memory_space<hbm>>) target(%arg10 : memref<8xi32, #tpu.memory_space<vmem>>) target_semaphore(%run_scoped3A : memref<!tpu.dma_semaphore, #tpu.memory_space<semaphore_mem>>)
        %dma_wait3A_217 = arith.constant 67840 : i32
        %dma_wait3A_218 = tpu.memref_slice %arg3[%dma_wait3A_217] : memref<67848xi32, #tpu.memory_space<hbm>> -> memref<8xi32, #tpu.memory_space<hbm>>
        %dma_wait3A_219 = arith.constant 67840 : i32
        %dma_wait3A_220 = tpu.memref_slice %arg3[%dma_wait3A_219] : memref<67848xi32, #tpu.memory_space<hbm>> -> memref<8xi32, #tpu.memory_space<hbm>>
        tpu.wait_dma2 semaphore(%run_scoped3A : memref<!tpu.dma_semaphore, #tpu.memory_space<semaphore_mem>>) src(%dma_wait3A_220 : memref<8xi32, #tpu.memory_space<hbm>>) dst(%arg10 : memref<8xi32, #tpu.memory_space<vmem>>)
        tpu.yield
      }) : () -> ()
      %dma_start3A_207 = arith.constant 0 : i32
      %dma_start3A_208 = arith.constant 0 : i32
      %dma_start3A_209 = tpu.memref_slice %arg2[%dma_start3A_207, %dma_start3A_208] : memref<1474x256xf32, #tpu.memory_space<hbm>> -> memref<1474x256xf32, #tpu.memory_space<hbm>>
      tpu.enqueue_indirect_dma source(%dma_start3A_209 : memref<1474x256xf32, #tpu.memory_space<hbm>>) target(%arg11 : memref<8x256xf32, #tpu.memory_space<vmem>>) offsets(%arg10 : memref<8xi32, #tpu.memory_space<vmem>>) semaphore(%arg8 : memref<!tpu.dma_semaphore, #tpu.memory_space<semaphore_mem>>)
      %dma_wait3A_210 = arith.constant 0 : i32
      %dma_wait3A_211 = arith.constant 0 : i32
      %dma_wait3A_212 = tpu.memref_slice %arg2[%dma_wait3A_210, %dma_wait3A_211] : memref<1474x256xf32, #tpu.memory_space<hbm>> -> memref<1474x256xf32, #tpu.memory_space<hbm>>
      tpu.wait_indirect_dma semaphore(%arg8 : memref<!tpu.dma_semaphore, #tpu.memory_space<semaphore_mem>>) src(%dma_wait3A_212 : memref<1474x256xf32, #tpu.memory_space<hbm>>) dst(%arg11 : memref<8x256xf32, #tpu.memory_space<vmem>>)
      "tpu.region"() ({
        %run_scoped3A = tpu.sem_alloc : memref<!tpu.dma_semaphore, #tpu.memory_space<semaphore_mem>>
        %dma_start3A_213 = arith.constant 0 : i32
        %dma_start3A_214 = arith.constant 0 : i32
        %dma_start3A_215 = tpu.memref_slice %arg11[%dma_start3A_213, %dma_start3A_214] : memref<8x256xf32, #tpu.memory_space<vmem>> -> memref<8x256xf32, #tpu.memory_space<vmem>>
        %dma_start3A_216 = arith.constant 67840 : i32
        %dma_start3A_217 = arith.constant 0 : i32
        %dma_start3A_218 = tpu.memref_slice %arg4[%dma_start3A_216, %dma_start3A_217] : memref<67848x256xf32, #tpu.memory_space<hbm>> -> memref<8x256xf32, #tpu.memory_space<hbm>>
        %dma_start3A_219 = arith.constant 67840 : i32
        %dma_start3A_220 = arith.constant 0 : i32
        %dma_start3A_221 = tpu.memref_slice %arg4[%dma_start3A_219, %dma_start3A_220] : memref<67848x256xf32, #tpu.memory_space<hbm>> -> memref<8x256xf32, #tpu.memory_space<hbm>>
        %dma_start3A_222 = arith.constant 0 : i32
        %dma_start3A_223 = arith.constant 0 : i32
        %dma_start3A_224 = tpu.memref_slice %arg11[%dma_start3A_222, %dma_start3A_223] : memref<8x256xf32, #tpu.memory_space<vmem>> -> memref<8x256xf32, #tpu.memory_space<vmem>>
        tpu.enqueue_dma source(%dma_start3A_224 : memref<8x256xf32, #tpu.memory_space<vmem>>) target(%dma_start3A_221 : memref<8x256xf32, #tpu.memory_space<hbm>>) target_semaphore(%run_scoped3A : memref<!tpu.dma_semaphore, #tpu.memory_space<semaphore_mem>>)
        %dma_wait3A_225 = arith.constant 0 : i32
        %dma_wait3A_226 = arith.constant 0 : i32
        %dma_wait3A_227 = tpu.memref_slice %arg11[%dma_wait3A_225, %dma_wait3A_226] : memref<8x256xf32, #tpu.memory_space<vmem>> -> memref<8x256xf32, #tpu.memory_space<vmem>>
        %dma_wait3A_228 = arith.constant 67840 : i32
        %dma_wait3A_229 = arith.constant 0 : i32
        %dma_wait3A_230 = tpu.memref_slice %arg4[%dma_wait3A_228, %dma_wait3A_229] : memref<67848x256xf32, #tpu.memory_space<hbm>> -> memref<8x256xf32, #tpu.memory_space<hbm>>
        %dma_wait3A_231 = arith.constant 67840 : i32
        %dma_wait3A_232 = arith.constant 0 : i32
        %dma_wait3A_233 = tpu.memref_slice %arg4[%dma_wait3A_231, %dma_wait3A_232] : memref<67848x256xf32, #tpu.memory_space<hbm>> -> memref<8x256xf32, #tpu.memory_space<hbm>>
        %dma_wait3A_234 = arith.constant 0 : i32
        %dma_wait3A_235 = arith.constant 0 : i32
        %dma_wait3A_236 = tpu.memref_slice %arg11[%dma_wait3A_234, %dma_wait3A_235] : memref<8x256xf32, #tpu.memory_space<vmem>> -> memref<8x256xf32, #tpu.memory_space<vmem>>
        tpu.wait_dma2 semaphore(%run_scoped3A : memref<!tpu.dma_semaphore, #tpu.memory_space<semaphore_mem>>) src(%dma_wait3A_236 : memref<8x256xf32, #tpu.memory_space<vmem>>) dst(%dma_wait3A_233 : memref<8x256xf32, #tpu.memory_space<hbm>>)
        tpu.yield
      }) : () -> ()
    } else {
    }
    return
  }
}

</mosaic_0001>

<sc_bundles>
// kernel: _gather_rows.3.cloned.1.call-start
scs
__scs_entry_jumppad:
0x0: {  	(pc) =	sbr.rel $0x88, $3  }
0x1: {  	(tag) =	ssettag $0x0;
	lr =	simm.s32 $0x1  }
0x2: {  	[smem:$0x3F9F] =	sst lr;
	_ =	strace $0xD0000000  }
0x3: {  	_ = 	snop  }
0x4: {  	_ = 	snop  }
0x5: {  	_ = 	snop  }
0x6: {  	_ = 	snop  }
0x7: {  	_ = 	snop  }
__scs_overlays_trampoline_lowered:
0x8: {  	[smem:$0x3FAE] =	sst s0  }
0x9: {  	[smem:$0x3FAF] =	sst s1  }
0xa: {  	[smem:$0x3FB0] =	sst s2  }
0xb: {  	[smem:$0x3FB1] =	sst s3  }
0xc: {  	[smem:$0x3FB2] =	sst s4  }
0xd: {  	[smem:$0x3FB3] =	sst s5  }
0xe: {  	[smem:$0x3FB4] =	sst s6  }
0xf: {  	[smem:$0x3FB5] =	sst s7  }
0x10: {  	[smem:$0x3FB6] =	sst s8  }
0x11: {  	[smem:$0x3FB7] =	sst s9;
	s0 =	simm.s32 @!p0 $0x0  }
0x12: {  	s1 =	sld [smem:$0x3F9D];
	s0 =	simm.s32 @p0 $0x1  }
0x13: {  	[smem:$0x3FB8] =	sst s0;
	s0 =	simm.s32 @!p1 $0x0  }
0x14: {  	s2 =	sld [smem:$0x3F9C];
	s0 =	simm.s32 @p1 $0x1  }
0x15: {  	[smem:$0x3FB9] =	sst s0;
	s0 =	simm.s32 @!p2 $0x0  }
0x16: {  	s3 =	sld [smem:$0x3FDB];
	s0 =	simm.s32 @p2 $0x1  }
0x17: {  	s4 =	simm.s32 $0x1BF5;
	[smem:$0x3FBB] =	sst s0  }
0x18: {  	s0 =	sld [smem:$0x3F9E];
	_ =	swait.ge [sflag:s4], $0x0  }
0x19: {  	s7 =	sld [smem:$0x3F9F]  }
0x1a: {  	s8 =	sadd.s32 $0xFFFFE003, lr  }
0x1b: {  	s9 =	sadd.s32 $0xFFFFFEF7, lr;
	s5 =	simm.s32 $0xFFFFFFFF;
	p2 =	slt.u32 s8, $0xFFFFF086  }
0x1c: {  	p1 =	slt.u32 s9, $0xF7A;
	s5 =	simm.s32 @!p2 $0x0  }
0x1d: {  	s5 =	simm.s32 @p1 $0x1;
	p0 =	seq.s32 s7, s2  }
0x1e: {  	s7 =	smul.u32 @!p0 $0xF7A, s2;
	p2 =	seq.s32 @!p0 s5, $0x0  }
0x1f: {  	s9 =	smul.u32 $0xF7A, s1;
	s8 =	simm.s32 @!p0 $0x1BF5;
	p2 =	por !p2, p0  }
0x20: {  	[sflag:s8] =	ssyncset.s32 @!p0 $0xFFFFF086;
	s6 =	sadd.s32 @!p0 s3, s7;
	s7 =	simm.s32 @!p0 $0x108  }
0x21: {  	s3 =	sadd.s32 s3, s9;
	s6 =	sadd.s32 @!p0 $0x88, s6;
	s7 =	simm.s32 @p2 $0x1082  }
0x22: {  	[simem:s7], [sflag:s8] =	dma.local @!p0 [hbm:s6], $0xF7A  }
0x23: {  	s9 =	sor.u32 $0xD0000000, s2;
	s6 =	simm.s32 $0x108;
	_ =	swait.ge @!p0 [sflag:s8], $0x0  }
0x24: {  	s3 =	sadd.s32 $0x88, s3;
	s6 =	simm.s32 @!p1 $0x1082;
	[sflag:s4] =	ssyncset.s32 $0xFFFFF086  }
0x25: {  	[simem:s6], [sflag:s4] =	dma.local [hbm:s3], $0xF7A  }
0x26: {  	[smem:$0x3F9F] =	sst s1;
	(tag) =	ssettag s2;
	_ =	strace s9  }
0x27: {  	s1 =	sld [smem:$0x3FAF]  }
0x28: {  	s2 =	sld [smem:$0x3FB0]  }
0x29: {  	s4 =	sld [smem:$0x3FB2]  }
0x2a: {  	p0 =	seq.s32 s5, $0x0;
	s5 =	sld [smem:$0x3FB3]  }
0x2b: {  	s6 =	sld [smem:$0x3FB4]  }
0x2c: {  	s7 =	sld [smem:$0x3FB5]  }
0x2d: {  	s3 =	simm.s32 $0x108;
	s8 =	sld [smem:$0x3FB6]  }
0x2e: {  	s3 =	simm.s32 @!p0 $0x1082;
	s9 =	sld [smem:$0x3FB7]  }
0x2f: {  	lr =	sadd.s32 s0, s3;
	s0 =	sld [smem:$0x3FAE]  }
0x30: {  	s3 =	sld [smem:$0x3FB1]  }
0x31: {  	[smem:$0x3FBA] =	sst s10  }
0x32: {  	s10 =	sld [smem:$0x3FB8];
	_ =	sdelay $0x3  }
0x33: {  	p0 =	seq.s32 s10, $0x1;
	s10 =	sld [smem:$0x3FBA];
	_ =	sdelay $0x3  }
0x34: {  	[smem:$0x3FBA] =	sst s10  }
0x35: {  	s10 =	sld [smem:$0x3FB9];
	_ =	sdelay $0x3  }
0x36: {  	p1 =	seq.s32 s10, $0x1;
	s10 =	sld [smem:$0x3FBA];
	_ =	sdelay $0x3  }
0x37: {  	[smem:$0x3FBA] =	sst s10  }
0x38: {  	s10 =	sld [smem:$0x3FBB]  }
0x39: {  	_ = 	snop;
	(pc) =	sbr.ind lr, $3  }
0x3a: {  	_ = 	snop  }
0x3b: {  	_ = 	snop  }
0x3c: {  	p2 =	seq.s32 s10, $0x1;
	s10 =	sld [smem:$0x3FBA]  }
0x3d: {  	_ =	shalt  }
0x3e: {  	_ =	shalt  }
0x3f: {  	_ =	shalt  }
0x40: {  	_ =	shalt  }
0x41: {  	_ =	shalt  }
0x42: {  	_ =	shalt  }
0x43: {  	_ =	shalt  }
0x44: {  	_ =	shalt  }
0x45: {  	_ =	shalt  }
0x46: {  	_ =	shalt  }
0x47: {  	_ =	shalt  }
0x48: {  	_ =	shalt  }
0x49: {  	_ =	shalt  }
0x4a: {  	_ =	shalt  }
0x4b: {  	_ =	shalt  }
0x4c: {  	_ =	shalt  }
0x4d: {  	_ =	shalt  }
0x4e: {  	_ =	shalt  }
0x4f: {  	_ =	shalt  }
0x50: {  	_ =	shalt  }
0x51: {  	_ =	shalt  }
0x52: {  	_ =	shalt  }
0x53: {  	_ =	shalt  }
0x54: {  	_ =	shalt  }
0x55: {  	_ =	shalt  }
0x56: {  	_ =	shalt  }
0x57: {  	_ =	shalt  }
0x58: {  	_ =	shalt  }
0x59: {  	_ =	shalt  }
0x5a: {  	_ =	shalt  }
0x5b: {  	_ =	shalt  }
0x5c: {  	_ =	shalt  }
0x5d: {  	_ =	shalt  }
0x5e: {  	_ =	shalt  }
0x5f: {  	_ =	shalt  }
0x60: {  	_ =	shalt  }
0x61: {  	_ =	shalt  }
0x62: {  	_ =	shalt  }
0x63: {  	_ =	shalt  }
0x64: {  	_ =	shalt  }
0x65: {  	_ =	shalt  }
0x66: {  	_ =	shalt  }
0x67: {  	_ =	shalt  }
0x68: {  	_ =	shalt  }
0x69: {  	_ =	shalt  }
0x6a: {  	_ =	shalt  }
0x6b: {  	_ =	shalt  }
0x6c: {  	_ =	shalt  }
0x6d: {  	_ =	shalt  }
0x6e: {  	_ =	shalt  }
0x6f: {  	_ =	shalt  }
0x70: {  	_ =	shalt  }
0x71: {  	_ =	shalt  }
0x72: {  	_ =	shalt  }
0x73: {  	_ =	shalt  }
0x74: {  	_ =	shalt  }
0x75: {  	_ =	shalt  }
0x76: {  	_ =	shalt  }
0x77: {  	_ =	shalt  }
0x78: {  	_ =	shalt  }
0x79: {  	_ =	shalt  }
0x7a: {  	_ =	shalt  }
0x7b: {  	_ =	shalt  }
0x7c: {  	_ =	shalt  }
0x7d: {  	_ =	shalt  }
0x7e: {  	_ =	shalt  }
0x7f: {  	_ =	shalt  }
0x80: {  	_ =	shalt  }
0x81: {  	_ =	shalt  }
0x82: {  	_ =	shalt  }
0x83: {  	_ =	shalt  }
0x84: {  	_ =	shalt  }
0x85: {  	_ =	shalt  }
0x86: {  	_ =	shalt  }
0x87: {  	_ =	shalt  }
.Lfunc_end0:
.L_simem_size_0:
called_computation_lowered:
.L_overlay_start_0:
0x88: {  	s2 =	sld [smem:$0x3FD9]  }
0x89: {  	s3 =	sld [smem:$0x3FFE];
	_ =	sdelay $0x1  }
0x8a: {  	s1 =	srdreg.scid  }
0x8b: {  	s0 =	sand.u32 $0x1, s1  }
0x8c: {  	s18 =	sshll.u32 s0, $0xA;
	s2 =	sadd.s32 s3, s2  }
0x8d: {  	s2 =	sadd.s32 s2, s18  }
0x8e: {  	[smem:$0x3FC6] =	sst s2  }
0x8f: {  	_ = 	snop  }
0x90: {  	s2 =	sld [smem:$0x3FC9]  }
0x91: {  	s19 =	sld [smem:$0x3FC8]  }
0x92: {  	s4 =	sld [smem:$0x3FD0];
	(tm) =	ssettm $0x1  }
0x93: {  	s5 =	sld [smem:$0x3FFB];
	_ =	sdelay $0x3  }
0x94: {  	_ =	strace s5  }
0x95: {  	s5 =	sld [smem:$0x3FFC];
	_ =	sdelay $0x3  }
0x96: {  	_ =	strace s5  }
0x97: {  	s5 =	sld [smem:$0x3FFD];
	_ =	sdelay $0x3  }
0x98: {  	_ =	strace s5  }
0x99: {  	_ =	strace $0x8FFFFFFF  }
0x9a: {  	s20 =	sld [smem:$0x3FDB];
	_ =	sdelay $0x1  }
0x9b: {  	s6 =	simm.s32 $_scs_section_size  }
0x9c: {  	s7 =	simm.s32 $_size__tile_overlayer_lowered;
	s8 =	simm.s32 $_tile_overlayer_lowered  }
0x9d: {  	s23 =	simm.s32 $0x1BFF;
	s22 =	sshll.u32 s8, $0x1;
	s5 =	sadd.s32 s6, s20  }
0x9e: {  	s9 =	simm.s32 $0x0;
	s21 =	sshll.u32 s7, $0x1;
	s7 =	sadd.s32 s22, s5  }
0x9f: {  	[timem:s9], [sflag:s23] =	dma.local [hbm:s7], s21  }
0xa0: {  	_ =	swait.ge [sflag:s23], s21  }
0xa1: {  	s6 =	ssub.s32 $0x0, s21;
	[sflag:s23] =	ssyncset.done $0x0  }
0xa2: {  	[sflag:s23] =	ssyncadd.s32 s6;
	_ =	sdelay $0x1  }
0xa3: {  	s24 =	simm.s32 $0x1B8B  }
0xa4: {  	_ =	swait.ge [sflag:s24], $0x1  }
0xa5: {  	[sflag:s24] =	ssyncset.done $0x0  }
0xa6: {  	s25 =	simm.s32 $0x1B8E;
	[sflag:s24] =	ssyncadd.s32 $0xFFFFFFFF  }
0xa7: {  	s26 =	simm.s32 $execute0_lowered;
	[smem:$0x3FD2] =	sst s25  }
0xa8: {  	s6 =	sshll.u32 s26, $0x1;
	_ =	strace $0x80000046;
	[dreg:$0x1] =	wrdreg $0xFFFFFFFF  }
0xa9: {  	s28 =	simm.s32 $_size_execute0_lowered;
	s5 =	sadd.s32 s5, s6;
	[dreg:$0x0] =	wrdreg $0x0  }
0xaa: {  	s6 =	sshll.u32 s28, $0x1;
	[dreg:$0x2] =	wrdreg s5  }
0xab: {  	[dreg:$0x3] =	wrdreg s6  }
0xac: {  	[dreg:$0x4] =	wrdreg $0xC0  }
0xad: {  	_ =	task [dreg:s9], $0x5FFFF  }
0xae: {  	[dreg:$0x1] =	wrdreg $0xFFFFFFFF  }
0xaf: {  	[dreg:$0x0] =	wrdreg $0x60  }
0xb0: {  	[dreg:$0x2] =	wrdreg s2  }
0xb1: {  	[dreg:$0x3] =	wrdreg s19  }
0xb2: {  	[dreg:$0x4] =	wrdreg s4  }
0xb3: {  	[dreg:$0x5] =	wrdreg $0x9  }
0xb4: {  	_ =	task.clear_ibuf [dreg:s9], $0x6FFFF;
	_ =	strace $0x90000046  }
0xb5: {  	s29 =	simm.s32 $0x9;
	_ =	strace $0x80000048  }
0xb6: {  	_ =	swait.ge [sflag:s29], $0x1  }
0xb7: {  	[sflag:s29] =	ssyncadd.s32 $0xFFFFFFFF  }
0xb8: {  	_ =	strace $0x90000048  }
0xb9: {  	_ =	sfence  }
0xba: {  	s30 =	sld [smem:$0x0];
	_ =	sdelay $0x2  }
0xbb: {  	s31 =	sshll.u32 s1, $0xD;
	s1 =	sshrl.u32 s1, $0x2  }
0xbc: {  	s3 =	sand.u32 $0x4000, s31;
	s1 =	sadd.s32 s1, s30  }
0xbd: {  	s0 =	sor.u32 s3, s0;
	s1 =	sshll.u32 s1, $0x11  }
0xbe: {  	s0 =	sor.u32 s1, s0  }
0xbf: {  	s0 =	sadd.s32 $0x8F2B, s0  }
0xc0: {  	[sflag:s0] =	ssyncadd.remote.s32 $0x1  }
0xc1: {  	_ =	sfence.sel $0xFFFF  }
0xc2: {  	[dreg:$0x0] =	wrdreg $0xFFFFFFFF;
	(pc) =	sbr.abs _section_cstart, $3  }
0xc3: {  	[dreg:$0x1] =	wrdreg $0xFFFFFFFF  }
0xc4: {  	_ =	task.clear_ibuf [dreg:s9], $0x2FFFF;
	_ =	strace $0x9FFFFFFF  }
0xc5: {  	(tm) =	ssettm $0x7FFFFFFF  }
tec
execute0_lowered:
.L_overlay_start_1:
0x0: {  	(tag) =	ssettag $0x1  }
0x1: {  	s0 =	srdreg.scid;
	s2 =	stileid.u32  }
0x2: {  	s0 =	sand.u32 $0x1, s0;
	s2 =	sshll.u32 s2, $0x1  }
0x3: {  	s1 =	rddreg [dreg:$0x0];
	s2 =	sor.u32 s0, s2  }
0x4: {  	s4 =	rddreg [dreg:$0x1];
	s6 =	smul.u32 $0x109, s2  }
0x5: {  	s5 =	rddreg [dreg:$0x2];
	s3 =	simm.s32 $0x0;
	s7 =	smul.u32 $0x84800, s2  }
0x6: {  	[smem:$0x7FF] =	sst s3;
	s30 =	sadd.s32 $0x212000, s5;
	s8 =	smul.u32 $0x10900, s2  }
0x7: {  	_ =	strace $0x80000047;
	[dreg:$0x17] =	wrdreg s30;
	s6 =	sadd.s32 s4, s6  }
0x8: {  	s7 =	sshrl.u32 s7, $0x3;
	s11 =	sadd.s32 s5, s8;
	[dreg:$0x4] =	wrdreg s6  }
0x9: {  	s4 =	sadd.s32 $0x2120, s4;
	s7 =	sadd.s32 s5, s7;
	[dreg:$0x5] =	wrdreg s11  }
0xa: {  	[dreg:$0x16] =	wrdreg s4;
	s12 =	sadd.s32 $0x1000, s7  }
0xb: {  	s13 =	sadd.s32 $0x2000, s7;
	[dreg:$0x6] =	wrdreg s12  }
0xc: {  	s14 =	sadd.s32 $0x3000, s7;
	[dreg:$0x7] =	wrdreg s13  }
0xd: {  	s15 =	sadd.s32 $0x4000, s7;
	[dreg:$0x8] =	wrdreg s14  }
0xe: {  	s16 =	sadd.s32 $0x5000, s7;
	[dreg:$0x9] =	wrdreg s15  }
0xf: {  	s17 =	sadd.s32 $0x6000, s7;
	[dreg:$0xa] =	wrdreg s16  }
0x10: {  	s18 =	sadd.s32 $0x7000, s7;
	[dreg:$0xb] =	wrdreg s17  }
0x11: {  	s19 =	sadd.s32 $0x8000, s7;
	[dreg:$0xc] =	wrdreg s18  }
0x12: {  	s31 =	simm.s32 $0x2;
	s20 =	sadd.s32 $0x9000, s7;
	[dreg:$0xd] =	wrdreg s19  }
0x13: {  	s0 =	ssub.s32 $0x2, s0;
	s21 =	sadd.s32 $0xA000, s7;
	[dreg:$0xe] =	wrdreg s20  }
0x14: {  	s29 =	sshrl.u32 s0, $0x1;
	s22 =	sadd.s32 $0xB000, s7;
	[dreg:$0xf] =	wrdreg s21  }
0x15: {  	p0 =	sne.s32 s2, $0x1F;
	s23 =	sadd.s32 $0xC000, s7;
	[dreg:$0x10] =	wrdreg s22  }
0x16: {  	s0 =	ssub.s32 s0, s29;
	s24 =	sadd.s32 $0xD000, s7;
	[dreg:$0x11] =	wrdreg s23  }
0x17: {  	s0 =	smax.u32 s0, $0x1;
	s25 =	sadd.s32 $0xE000, s7;
	[dreg:$0x12] =	wrdreg s24  }
0x18: {  	v2 =	vlaneseq.u32;
	s5 =	simm.s32 $0x3;
	s26 =	sadd.s32 $0xF000, s7;
	[dreg:$0x13] =	wrdreg s25  }
0x19: {  	vm0 =	vmmov $0xffff;
	v1 =	vshrl.u32 v2, $0x3;
	v0 =	vand.u32 $0x7, v2;
	s6 =	simm.s32 $0x880;
	s28 =	sadd.s32 $0xF900, s7;
	[dreg:$0x14] =	wrdreg s26  }
0x1a: {  	v2 =	vor.u32 $0x8, v2;
	v1 =	vmul.u32 $0x8, v1;
	vm1 =	vmmov @!p0 $0xffff;
	[dreg:$0x15] =	wrdreg s28;
	s22 =	simm.s32 $0x1;
	s12 =	simm.s32 $0x8880  }
.LBB2_1:
0x1b: {  	[dreg:$0x18] =	wrdreg s0  }
0x1c: {  	s2 =	rddreg [dreg:$0x4]  }
0x1d: {  	[tilespmem:s3], [sflag:$0x3] =	stream.linear.gather [hbm4b:s2+s3], $0x848, $0x38;
	[tilespmem:$0x11100] =	vst v63  }
0x1e: {  	_ =	swait.ge [sflag:s5], $0x848  }
0x1f: {  	[sflag:s5] =	ssyncset.done $0x0  }
0x20: {  	[sflag:s5] =	ssyncadd.s32 $0xFFFFF7B8  }
0x21: {  	v3 =	vld [tilespmem:$0x0];
	_ =	sdelay $0x4  }
0x22: {  	v4 =	vshll.u32 v3, $0x1  }
0x23: {  	v3 =	vand.u32 $0x7, v3;
	v4 =	vand.u32 $0xFFFFFFF0, v4  }
0x24: {  	v3 =	vor.u32 v3, v4  }
0x25: {  	v4 =	vperm.xlane v3, v0;
	_ =	sdelay $0x1  }
0x26: {  	v3 =	vperm.xlane v3, v2;
	v4 =	vadd.s32 v1, v4;
	_ =	sdelay $0x1  }
0x27: {  	v3 =	vadd.s32 v1, v3;
	_ =	sdelay $0x2  }
0x28: {  	[tilespmem:s6], [sflag:$0x1] =	stream.indirect_vreg.gather [hbm4b:s1+s3], $0x80, v4, vm0, $0xb8;
	[tilespmem:$0x11100] =	vst v63  }
0x29: {  	s28 =	simm.s32 $0x1080  }
0x2a: {  	[tilespmem:s28], [sflag:$0x1] =	stream.indirect_vreg.gather [hbm4b:s1+s3], $0x80, v3, vm0, $0xb8;
	[tilespmem:$0x11100] =	vst v63  }
0x2b: {  	v3 =	vld [tilespmem:$0x10];
	_ =	sdelay $0x4  }
0x2c: {  	v41 =	vshll.u32 v3, $0x1  }
0x2d: {  	v3 =	vand.u32 $0x7, v3;
	v4 =	vand.u32 $0xFFFFFFF0, v41  }
0x2e: {  	v3 =	vor.u32 v3, v4  }
0x2f: {  	v4 =	vperm.xlane v3, v0;
	_ =	sdelay $0x1  }
0x30: {  	v3 =	vperm.xlane v3, v2;
	v4 =	vadd.s32 v1, v4;
	_ =	sdelay $0x1  }
0x31: {  	v3 =	vadd.s32 v1, v3;
	_ =	sdelay $0x1  }
0x32: {  	s29 =	simm.s32 $0x1880  }
0x33: {  	[tilespmem:s29], [sflag:$0x1] =	stream.indirect_vreg.gather [hbm4b:s1+s3], $0x80, v4, vm0, $0xb8;
	[tilespmem:$0x11100] =	vst v63  }
0x34: {  	s30 =	simm.s32 $0x2080  }
0x35: {  	[tilespmem:s30], [sflag:$0x1] =	stream.indirect_vreg.gather [hbm4b:s1+s3], $0x80, v3, vm0, $0xb8;
	[tilespmem:$0x11100] =	vst v63  }
0x36: {  	v3 =	vld [tilespmem:$0x20];
	_ =	sdelay $0x4  }
0x37: {  	v42 =	vshll.u32 v3, $0x1  }
0x38: {  	v3 =	vand.u32 $0x7, v3;
	v4 =	vand.u32 $0xFFFFFFF0, v42  }
0x39: {  	v3 =	vor.u32 v3, v4  }
0x3a: {  	v4 =	vperm.xlane v3, v0;
	_ =	sdelay $0x1  }
0x3b: {  	v3 =	vperm.xlane v3, v2;
	v4 =	vadd.s32 v1, v4;
	_ =	sdelay $0x1  }
0x3c: {  	v3 =	vadd.s32 v1, v3;
	_ =	sdelay $0x1  }
0x3d: {  	s2 =	simm.s32 $0x2880  }
0x3e: {  	[tilespmem:s2], [sflag:$0x1] =	stream.indirect_vreg.gather [hbm4b:s1+s3], $0x80, v4, vm0, $0xb8;
	[tilespmem:$0x11100] =	vst v63  }
0x3f: {  	s7 =	simm.s32 $0x3080  }
0x40: {  	[tilespmem:s7], [sflag:$0x1] =	stream.indirect_vreg.gather [hbm4b:s1+s3], $0x80, v3, vm0, $0xb8;
	[tilespmem:$0x11100] =	vst v63  }
0x41: {  	v3 =	vld [tilespmem:$0x30];
	_ =	sdelay $0x4  }
0x42: {  	v43 =	vshll.u32 v3, $0x1  }
0x43: {  	v3 =	vand.u32 $0x7, v3;
	v4 =	vand.u32 $0xFFFFFFF0, v43  }
0x44: {  	v3 =	vor.u32 v3, v4  }
0x45: {  	v4 =	vperm.xlane v3, v0;
	_ =	sdelay $0x1  }
0x46: {  	v3 =	vperm.xlane v3, v2;
	v4 =	vadd.s32 v1, v4;
	_ =	sdelay $0x1  }
0x47: {  	v3 =	vadd.s32 v1, v3;
	_ =	sdelay $0x1  }
0x48: {  	s8 =	simm.s32 $0x3880  }
0x49: {  	[tilespmem:s8], [sflag:$0x1] =	stream.indirect_vreg.gather [hbm4b:s1+s3], $0x80, v4, vm0, $0xb8;
	[tilespmem:$0x11100] =	vst v63  }
0x4a: {  	s9 =	simm.s32 $0x4080  }
0x4b: {  	[tilespmem:s9], [sflag:$0x1] =	stream.indirect_vreg.gather [hbm4b:s1+s3], $0x80, v3, vm0, $0xb8;
	[tilespmem:$0x11100] =	vst v63  }
0x4c: {  	v3 =	vld [tilespmem:$0x40];
	_ =	sdelay $0x4  }
0x4d: {  	v44 =	vshll.u32 v3, $0x1  }
0x4e: {  	v3 =	vand.u32 $0x7, v3;
	v4 =	vand.u32 $0xFFFFFFF0, v44  }
0x4f: {  	v3 =	vor.u32 v3, v4  }
0x50: {  	v4 =	vperm.xlane v3, v0;
	_ =	sdelay $0x1  }
0x51: {  	v3 =	vperm.xlane v3, v2;
	v4 =	vadd.s32 v1, v4;
	_ =	sdelay $0x1  }
0x52: {  	v3 =	vadd.s32 v1, v3;
	_ =	sdelay $0x1  }
0x53: {  	s10 =	simm.s32 $0x4880  }
0x54: {  	[tilespmem:s10], [sflag:$0x1] =	stream.indirect_vreg.gather [hbm4b:s1+s3], $0x80, v4, vm0, $0xb8;
	[tilespmem:$0x11100] =	vst v63  }
0x55: {  	s11 =	simm.s32 $0x5080  }
0x56: {  	[tilespmem:s11], [sflag:$0x1] =	stream.indirect_vreg.gather [hbm4b:s1+s3], $0x80, v3, vm0, $0xb8;
	[tilespmem:$0x11100] =	vst v63  }
0x57: {  	v3 =	vld [tilespmem:$0x50];
	_ =	sdelay $0x4  }
0x58: {  	v45 =	vshll.u32 v3, $0x1  }
0x59: {  	v3 =	vand.u32 $0x7, v3;
	v4 =	vand.u32 $0xFFFFFFF0, v45  }
0x5a: {  	v3 =	vor.u32 v3, v4  }
0x5b: {  	v4 =	vperm.xlane v3, v0;
	_ =	sdelay $0x1  }
0x5c: {  	v3 =	vperm.xlane v3, v2;
	v4 =	vadd.s32 v1, v4;
	_ =	sdelay $0x1  }
0x5d: {  	v3 =	vadd.s32 v1, v3;
	_ =	sdelay $0x1  }
0x5e: {  	s13 =	simm.s32 $0x5880  }
0x5f: {  	[tilespmem:s13], [sflag:$0x1] =	stream.indirect_vreg.gather [hbm4b:s1+s3], $0x80, v4, vm0, $0xb8;
	[tilespmem:$0x11100] =	vst v63  }
0x60: {  	s14 =	simm.s32 $0x6080  }
0x61: {  	[tilespmem:s14], [sflag:$0x1] =	stream.indirect_vreg.gather [hbm4b:s1+s3], $0x80, v3, vm0, $0xb8;
	[tilespmem:$0x11100] =	vst v63  }
0x62: {  	v3 =	vld [tilespmem:$0x60];
	_ =	sdelay $0x4  }
0x63: {  	v46 =	vshll.u32 v3, $0x1  }
0x64: {  	v3 =	vand.u32 $0x7, v3;
	v4 =	vand.u32 $0xFFFFFFF0, v46  }
0x65: {  	v3 =	vor.u32 v3, v4  }
0x66: {  	v4 =	vperm.xlane v3, v0;
	_ =	sdelay $0x1  }
0x67: {  	v3 =	vperm.xlane v3, v2;
	v4 =	vadd.s32 v1, v4;
	_ =	sdelay $0x1  }
0x68: {  	v3 =	vadd.s32 v1, v3;
	_ =	sdelay $0x1  }
0x69: {  	s15 =	simm.s32 $0x6880  }
0x6a: {  	[tilespmem:s15], [sflag:$0x1] =	stream.indirect_vreg.gather [hbm4b:s1+s3], $0x80, v4, vm0, $0xb8;
	[tilespmem:$0x11100] =	vst v63  }
0x6b: {  	s21 =	simm.s32 $0x7080  }
0x6c: {  	[tilespmem:s21], [sflag:$0x1] =	stream.indirect_vreg.gather [hbm4b:s1+s3], $0x80, v3, vm0, $0xb8;
	[tilespmem:$0x11100] =	vst v63  }
0x6d: {  	v3 =	vld [tilespmem:$0x70];
	_ =	sdelay $0x4  }
0x6e: {  	v47 =	vshll.u32 v3, $0x1  }
0x6f: {  	v3 =	vand.u32 $0x7, v3;
	v4 =	vand.u32 $0xFFFFFFF0, v47  }
0x70: {  	v3 =	vor.u32 v3, v4  }
0x71: {  	v4 =	vperm.xlane v3, v0;
	_ =	sdelay $0x1  }
0x72: {  	v3 =	vperm.xlane v3, v2;
	v4 =	vadd.s32 v1, v4;
	_ =	sdelay $0x1  }
0x73: {  	v3 =	vadd.s32 v1, v3;
	_ =	sdelay $0x1  }
0x74: {  	s23 =	simm.s32 $0x7880  }
0x75: {  	[tilespmem:s23], [sflag:$0x1] =	stream.indirect_vreg.gather [hbm4b:s1+s3], $0x80, v4, vm0, $0xb8;
	[tilespmem:$0x11100] =	vst v63  }
0x76: {  	s24 =	simm.s32 $0x8080  }
0x77: {  	[tilespmem:s24], [sflag:$0x1] =	stream.indirect_vreg.gather [hbm4b:s1+s3], $0x80, v3, vm0, $0xb8;
	[tilespmem:$0x11100] =	vst v63  }
0x78: {  	_ =	swait.ge [sflag:s22], $0x8000  }
0x79: {  	[sflag:s22] =	ssyncset.done $0x0  }
0x7a: {  	[sflag:s22] =	ssyncadd.s32 $0xFFFF8000  }
0x7b: {  	v3 =	vld [tilespmem:$0x80];
	_ =	sdelay $0x4  }
0x7c: {  	v48 =	vshll.u32 v3, $0x1  }
0x7d: {  	v3 =	vand.u32 $0x7, v3;
	v4 =	vand.u32 $0xFFFFFFF0, v48  }
0x7e: {  	v3 =	vor.u32 v3, v4  }
0x7f: {  	v4 =	vperm.xlane v3, v0;
	_ =	sdelay $0x1  }
0x80: {  	v3 =	vperm.xlane v3, v2;
	v4 =	vadd.s32 v1, v4;
	_ =	sdelay $0x1  }
0x81: {  	v3 =	vadd.s32 v1, v3;
	_ =	sdelay $0x2  }
0x82: {  	[tilespmem:s12], [sflag:$0x2] =	stream.indirect_vreg.gather [hbm4b:s1+s3], $0x80, v4, vm0, $0xb8;
	[tilespmem:$0x11100] =	vst v63  }
0x83: {  	s25 =	simm.s32 $0x9080  }
0x84: {  	[tilespmem:s25], [sflag:$0x2] =	stream.indirect_vreg.gather [hbm4b:s1+s3], $0x80, v3, vm0, $0xb8;
	[tilespmem:$0x11100] =	vst v63  }
0x85: {  	v3 =	vld [tilespmem:$0x90];
	_ =	sdelay $0x4  }
0x86: {  	v49 =	vshll.u32 v3, $0x1  }
0x87: {  	v3 =	vand.u32 $0x7, v3;
	v4 =	vand.u32 $0xFFFFFFF0, v49  }
0x88: {  	v3 =	vor.u32 v3, v4  }
0x89: {  	v4 =	vperm.xlane v3, v0;
	_ =	sdelay $0x1  }
0x8a: {  	v3 =	vperm.xlane v3, v2;
	v4 =	vadd.s32 v1, v4;
	_ =	sdelay $0x1  }
0x8b: {  	v3 =	vadd.s32 v1, v3;
	_ =	sdelay $0x1  }
0x8c: {  	s26 =	simm.s32 $0x9880  }
0x8d: {  	[tilespmem:s26], [sflag:$0x2] =	stream.indirect_vreg.gather [hbm4b:s1+s3], $0x80, v4, vm0, $0xb8;
	[tilespmem:$0x11100] =	vst v63  }
0x8e: {  	s28 =	simm.s32 $0xA080  }
0x8f: {  	[tilespmem:s28], [sflag:$0x2] =	stream.indirect_vreg.gather [hbm4b:s1+s3], $0x80, v3, vm0, $0xb8;
	[tilespmem:$0x11100] =	vst v63  }
0x90: {  	v3 =	vld [tilespmem:$0xA0];
	_ =	sdelay $0x4  }
0x91: {  	v50 =	vshll.u32 v3, $0x1  }
0x92: {  	v3 =	vand.u32 $0x7, v3;
	v4 =	vand.u32 $0xFFFFFFF0, v50  }
0x93: {  	v3 =	vor.u32 v3, v4  }
0x94: {  	v4 =	vperm.xlane v3, v0;
	_ =	sdelay $0x1  }
0x95: {  	v3 =	vperm.xlane v3, v2;
	v4 =	vadd.s32 v1, v4;
	_ =	sdelay $0x1  }
0x96: {  	v3 =	vadd.s32 v1, v3;
	_ =	sdelay $0x1  }
0x97: {  	s30 =	simm.s32 $0xA880  }
0x98: {  	[tilespmem:s30], [sflag:$0x2] =	stream.indirect_vreg.gather [hbm4b:s1+s3], $0x80, v4, vm0, $0xb8;
	[tilespmem:$0x11100] =	vst v63  }
0x99: {  	s7 =	simm.s32 $0xB080  }
0x9a: {  	[tilespmem:s7], [sflag:$0x2] =	stream.indirect_vreg.gather [hbm4b:s1+s3], $0x80, v3, vm0, $0xb8;
	[tilespmem:$0x11100] =	vst v63  }
0x9b: {  	v3 =	vld [tilespmem:$0xB0];
	_ =	sdelay $0x4  }
0x9c: {  	v51 =	vshll.u32 v3, $0x1  }
0x9d: {  	v3 =	vand.u32 $0x7, v3;
	v4 =	vand.u32 $0xFFFFFFF0, v51  }
0x9e: {  	v3 =	vor.u32 v3, v4  }
0x9f: {  	v4 =	vperm.xlane v3, v0;
	_ =	sdelay $0x1  }
0xa0: {  	v3 =	vperm.xlane v3, v2;
	v4 =	vadd.s32 v1, v4;
	_ =	sdelay $0x1  }
0xa1: {  	v3 =	vadd.s32 v1, v3;
	_ =	sdelay $0x1  }
0xa2: {  	s8 =	simm.s32 $0xB880  }
0xa3: {  	[tilespmem:s8], [sflag:$0x2] =	stream.indirect_vreg.gather [hbm4b:s1+s3], $0x80, v4, vm0, $0xb8;
	[tilespmem:$0x11100] =	vst v63  }
0xa4: {  	s11 =	simm.s32 $0xC080  }
0xa5: {  	[tilespmem:s11], [sflag:$0x2] =	stream.indirect_vreg.gather [hbm4b:s1+s3], $0x80, v3, vm0, $0xb8;
	[tilespmem:$0x11100] =	vst v63  }
0xa6: {  	v3 =	vld [tilespmem:$0xC0];
	_ =	sdelay $0x4  }
0xa7: {  	v52 =	vshll.u32 v3, $0x1  }
0xa8: {  	v3 =	vand.u32 $0x7, v3;
	v4 =	vand.u32 $0xFFFFFFF0, v52  }
0xa9: {  	v3 =	vor.u32 v3, v4  }
0xaa: {  	v4 =	vperm.xlane v3, v0;
	_ =	sdelay $0x1  }
0xab: {  	v3 =	vperm.xlane v3, v2;
	v4 =	vadd.s32 v1, v4;
	_ =	sdelay $0x1  }
0xac: {  	v3 =	vadd.s32 v1, v3;
	_ =	sdelay $0x1  }
0xad: {  	s13 =	simm.s32 $0xC880  }
0xae: {  	[tilespmem:s13], [sflag:$0x2] =	stream.indirect_vreg.gather [hbm4b:s1+s3], $0x80, v4, vm0, $0xb8;
	[tilespmem:$0x11100] =	vst v63  }
0xaf: {  	s14 =	simm.s32 $0xD080  }
0xb0: {  	[tilespmem:s14], [sflag:$0x2] =	stream.indirect_vreg.gather [hbm4b:s1+s3], $0x80, v3, vm0, $0xb8;
	[tilespmem:$0x11100] =	vst v63  }
0xb1: {  	v3 =	vld [tilespmem:$0xD0];
	_ =	sdelay $0x4  }
0xb2: {  	v53 =	vshll.u32 v3, $0x1  }
0xb3: {  	v3 =	vand.u32 $0x7, v3;
	v4 =	vand.u32 $0xFFFFFFF0, v53  }
0xb4: {  	v3 =	vor.u32 v3, v4  }
0xb5: {  	v4 =	vperm.xlane v3, v0;
	_ =	sdelay $0x1  }
0xb6: {  	v3 =	vperm.xlane v3, v2;
	v4 =	vadd.s32 v1, v4;
	_ =	sdelay $0x1  }
0xb7: {  	v3 =	vadd.s32 v1, v3;
	_ =	sdelay $0x1  }
0xb8: {  	s15 =	simm.s32 $0xD880  }
0xb9: {  	[tilespmem:s15], [sflag:$0x2] =	stream.indirect_vreg.gather [hbm4b:s1+s3], $0x80, v4, vm0, $0xb8;
	[tilespmem:$0x11100] =	vst v63  }
0xba: {  	s23 =	simm.s32 $0xE080  }
0xbb: {  	[tilespmem:s23], [sflag:$0x2] =	stream.indirect_vreg.gather [hbm4b:s1+s3], $0x80, v3, vm0, $0xb8;
	[tilespmem:$0x11100] =	vst v63  }
0xbc: {  	v3 =	vld [tilespmem:$0xE0];
	_ =	sdelay $0x4  }
0xbd: {  	v54 =	vshll.u32 v3, $0x1  }
0xbe: {  	v3 =	vand.u32 $0x7, v3;
	v4 =	vand.u32 $0xFFFFFFF0, v54  }
0xbf: {  	v3 =	vor.u32 v3, v4  }
0xc0: {  	v4 =	vperm.xlane v3, v0;
	_ =	sdelay $0x1  }
0xc1: {  	v3 =	vperm.xlane v3, v2;
	v4 =	vadd.s32 v1, v4;
	_ =	sdelay $0x1  }
0xc2: {  	v3 =	vadd.s32 v1, v3;
	_ =	sdelay $0x1  }
0xc3: {  	s24 =	simm.s32 $0xE880  }
0xc4: {  	[tilespmem:s24], [sflag:$0x2] =	stream.indirect_vreg.gather [hbm4b:s1+s3], $0x80, v4, vm0, $0xb8;
	[tilespmem:$0x11100] =	vst v63  }
0xc5: {  	s25 =	simm.s32 $0xF080  }
0xc6: {  	[tilespmem:s25], [sflag:$0x2] =	stream.indirect_vreg.gather [hbm4b:s1+s3], $0x80, v3, vm0, $0xb8;
	[tilespmem:$0x11100] =	vst v63  }
0xc7: {  	v3 =	vld [tilespmem:$0xF0];
	_ =	sdelay $0x4  }
0xc8: {  	v55 =	vshll.u32 v3, $0x1  }
0xc9: {  	v3 =	vand.u32 $0x7, v3;
	v4 =	vand.u32 $0xFFFFFFF0, v55  }
0xca: {  	v3 =	vor.u32 v3, v4  }
0xcb: {  	v4 =	vperm.xlane v3, v0;
	_ =	sdelay $0x1  }
0xcc: {  	v3 =	vperm.xlane v3, v2;
	v4 =	vadd.s32 v1, v4;
	_ =	sdelay $0x1  }
0xcd: {  	v3 =	vadd.s32 v1, v3;
	_ =	sdelay $0x1  }
0xce: {  	s26 =	simm.s32 $0xF880  }
0xcf: {  	[tilespmem:s26], [sflag:$0x2] =	stream.indirect_vreg.gather [hbm4b:s1+s3], $0x80, v4, vm0, $0xb8;
	[tilespmem:$0x11100] =	vst v63  }
0xd0: {  	s8 =	simm.s32 $0x10080  }
0xd1: {  	[tilespmem:s8], [sflag:$0x2] =	stream.indirect_vreg.gather [hbm4b:s1+s3], $0x80, v3, vm0, $0xb8;
	[tilespmem:$0x11100] =	vst v63  }
0xd2: {  	s28 =	rddreg [dreg:$0x5]  }
0xd3: {  	[hbm4b:s28+s3] =	stream.linear.scatter [tilespmem:s6], [sflag:$0x3], $0x8000, $0x38;
	[tilespmem:$0x11100] =	vst v63  }
0xd4: {  	_ =	swait.ge [sflag:s5], $0x8000  }
0xd5: {  	[sflag:s5] =	ssyncset.done $0x0  }
0xd6: {  	[sflag:s5] =	ssyncadd.s32 $0xFFFF8000  }
0xd7: {  	_ =	swait.ge [sflag:s31], $0x8000  }
0xd8: {  	[sflag:s31] =	ssyncset.done $0x0  }
0xd9: {  	[sflag:s31] =	ssyncadd.s32 $0xFFFF8000  }
0xda: {  	v3 =	vld [tilespmem:$0x100];
	_ =	sdelay $0x4  }
0xdb: {  	v56 =	vshll.u32 v3, $0x1  }
0xdc: {  	v3 =	vand.u32 $0x7, v3;
	v4 =	vand.u32 $0xFFFFFFF0, v56  }
0xdd: {  	v3 =	vor.u32 v3, v4  }
0xde: {  	v4 =	vperm.xlane v3, v0;
	_ =	sdelay $0x1  }
0xdf: {  	v3 =	vperm.xlane v3, v2;
	v4 =	vadd.s32 v1, v4;
	_ =	sdelay $0x1  }
0xe0: {  	v3 =	vadd.s32 v1, v3;
	_ =	sdelay $0x2  }
0xe1: {  	[tilespmem:s6], [sflag:$0x1] =	stream.indirect_vreg.gather [hbm4b:s1+s3], $0x80, v4, vm0, $0xb8;
	[tilespmem:$0x11100] =	vst v63  }
0xe2: {  	s4 =	simm.s32 $0x1080  }
0xe3: {  	[tilespmem:s4], [sflag:$0x1] =	stream.indirect_vreg.gather [hbm4b:s1+s3], $0x80, v3, vm0, $0xb8;
	[tilespmem:$0x11100] =	vst v63  }
0xe4: {  	v3 =	vld [tilespmem:$0x110];
	_ =	sdelay $0x4  }
0xe5: {  	v57 =	vshll.u32 v3, $0x1  }
0xe6: {  	v3 =	vand.u32 $0x7, v3;
	v4 =	vand.u32 $0xFFFFFFF0, v57  }
0xe7: {  	v3 =	vor.u32 v3, v4  }
0xe8: {  	v4 =	vperm.xlane v3, v0;
	_ =	sdelay $0x1  }
0xe9: {  	v3 =	vperm.xlane v3, v2;
	v4 =	vadd.s32 v1, v4;
	_ =	sdelay $0x1  }
0xea: {  	v3 =	vadd.s32 v1, v3;
	_ =	sdelay $0x1  }
0xeb: {  	s4 =	simm.s32 $0x1880  }
0xec: {  	[tilespmem:s4], [sflag:$0x1] =	stream.indirect_vreg.gather [hbm4b:s1+s3], $0x80, v4, vm0, $0xb8;
	[tilespmem:$0x11100] =	vst v63  }
0xed: {  	s16 =	simm.s32 $0x2080  }
0xee: {  	[tilespmem:s16], [sflag:$0x1] =	stream.indirect_vreg.gather [hbm4b:s1+s3], $0x80, v3, vm0, $0xb8;
	[tilespmem:$0x11100] =	vst v63  }
0xef: {  	v3 =	vld [tilespmem:$0x120];
	_ =	sdelay $0x4  }
0xf0: {  	v58 =	vshll.u32 v3, $0x1  }
0xf1: {  	v3 =	vand.u32 $0x7, v3;
	v4 =	vand.u32 $0xFFFFFFF0, v58  }
0xf2: {  	v3 =	vor.u32 v3, v4  }
0xf3: {  	v4 =	vperm.xlane v3, v0;
	_ =	sdelay $0x1  }
0xf4: {  	v3 =	vperm.xlane v3, v2;
	v4 =	vadd.s32 v1, v4;
	_ =	sdelay $0x1  }
0xf5: {  	v3 =	vadd.s32 v1, v3;
	_ =	sdelay $0x1  }
0xf6: {  	s16 =	simm.s32 $0x2880  }
0xf7: {  	[tilespmem:s16], [sflag:$0x1] =	stream.indirect_vreg.gather [hbm4b:s1+s3], $0x80, v4, vm0, $0xb8;
	[tilespmem:$0x11100] =	vst v63  }
0xf8: {  	s17 =	simm.s32 $0x3080  }
0xf9: {  	[tilespmem:s17], [sflag:$0x1] =	stream.indirect_vreg.gather [hbm4b:s1+s3], $0x80, v3, vm0, $0xb8;
	[tilespmem:$0x11100] =	vst v63  }
0xfa: {  	v3 =	vld [tilespmem:$0x130];
	_ =	sdelay $0x4  }
0xfb: {  	v59 =	vshll.u32 v3, $0x1  }
0xfc: {  	v3 =	vand.u32 $0x7, v3;
	v4 =	vand.u32 $0xFFFFFFF0, v59  }
0xfd: {  	v3 =	vor.u32 v3, v4  }
0xfe: {  	v4 =	vperm.xlane v3, v0;
	_ =	sdelay $0x1  }
0xff: {  	v3 =	vperm.xlane v3, v2;
	v4 =	vadd.s32 v1, v4;
	_ =	sdelay $0x1  }
0x100: {  	v3 =	vadd.s32 v1, v3;
	_ =	sdelay $0x1  }
0x101: {  	s17 =	simm.s32 $0x3880  }
0x102: {  	[tilespmem:s17], [sflag:$0x1] =	stream.indirect_vreg.gather [hbm4b:s1+s3], $0x80, v4, vm0, $0xb8;
	[tilespmem:$0x11100] =	vst v63  }
0x103: {  	s18 =	simm.s32 $0x4080  }
0x104: {  	[tilespmem:s18], [sflag:$0x1] =	stream.indirect_vreg.gather [hbm4b:s1+s3], $0x80, v3, vm0, $0xb8;
	[tilespmem:$0x11100] =	vst v63  }
0x105: {  	v3 =	vld [tilespmem:$0x140];
	_ =	sdelay $0x4  }
0x106: {  	v60 =	vshll.u32 v3, $0x1  }
0x107: {  	v3 =	vand.u32 $0x7, v3;
	v4 =	vand.u32 $0xFFFFFFF0, v60  }
0x108: {  	v3 =	vor.u32 v3, v4  }
0x109: {  	v4 =	vperm.xlane v3, v0;
	_ =	sdelay $0x1  }
0x10a: {  	v3 =	vperm.xlane v3, v2;
	v4 =	vadd.s32 v1, v4;
	_ =	sdelay $0x1  }
0x10b: {  	v3 =	vadd.s32 v1, v3;
	_ =	sdelay $0x1  }
0x10c: {  	s18 =	simm.s32 $0x4880  }
0x10d: {  	[tilespmem:s18], [sflag:$0x1] =	stream.indirect_vreg.gather [hbm4b:s1+s3], $0x80, v4, vm0, $0xb8;
	[tilespmem:$0x11100] =	vst v63  }
0x10e: {  	s19 =	simm.s32 $0x5080  }
0x10f: {  	[tilespmem:s19], [sflag:$0x1] =	stream.indirect_vreg.gather [hbm4b:s1+s3], $0x80, v3, vm0, $0xb8;
	[tilespmem:$0x11100] =	vst v63  }
0x110: {  	v3 =	vld [tilespmem:$0x150];
	_ =	sdelay $0x4  }
0x111: {  	v61 =	vshll.u32 v3, $0x1  }
0x112: {  	v3 =	vand.u32 $0x7, v3;
	v4 =	vand.u32 $0xFFFFFFF0, v61  }
0x113: {  	v3 =	vor.u32 v3, v4  }
0x114: {  	v4 =	vperm.xlane v3, v0;
	_ =	sdelay $0x1  }
0x115: {  	v3 =	vperm.xlane v3, v2;
	v4 =	vadd.s32 v1, v4;
	_ =	sdelay $0x1  }
0x116: {  	v3 =	vadd.s32 v1, v3;
	_ =	sdelay $0x1  }
0x117: {  	s19 =	simm.s32 $0x5880  }
0x118: {  	[tilespmem:s19], [sflag:$0x1] =	stream.indirect_vreg.gather [hbm4b:s1+s3], $0x80, v4, vm0, $0xb8;
	[tilespmem:$0x11100] =	vst v63  }
0x119: {  	s20 =	simm.s32 $0x6080  }
0x11a: {  	[tilespmem:s20], [sflag:$0x1] =	stream.indirect_vreg.gather [hbm4b:s1+s3], $0x80, v3, vm0, $0xb8;
	[tilespmem:$0x11100] =	vst v63  }
0x11b: {  	v3 =	vld [tilespmem:$0x160];
	_ =	sdelay $0x4  }
0x11c: {  	v62 =	vshll.u32 v3, $0x1  }
0x11d: {  	v3 =	vand.u32 $0x7, v3;
	v4 =	vand.u32 $0xFFFFFFF0, v62  }
0x11e: {  	v3 =	vor.u32 v3, v4  }
0x11f: {  	v4 =	vperm.xlane v3, v0;
	_ =	sdelay $0x1  }
0x120: {  	v3 =	vperm.xlane v3, v2;
	v4 =	vadd.s32 v1, v4;
	_ =	sdelay $0x1  }
0x121: {  	v3 =	vadd.s32 v1, v3;
	_ =	sdelay $0x1  }
0x122: {  	s20 =	simm.s32 $0x6880  }
0x123: {  	[tilespmem:s20], [sflag:$0x1] =	stream.indirect_vreg.gather [hbm4b:s1+s3], $0x80, v4, vm0, $0xb8;
	[tilespmem:$0x11100] =	vst v63  }
0x124: {  	s21 =	simm.s32 $0x7080  }
0x125: {  	[tilespmem:s21], [sflag:$0x1] =	stream.indirect_vreg.gather [hbm4b:s1+s3], $0x80, v3, vm0, $0xb8;
	[tilespmem:$0x11100] =	vst v63  }
0x126: {  	v3 =	vld [tilespmem:$0x170];
	_ =	sdelay $0x4  }
0x127: {  	v63 =	vshll.u32 v3, $0x1  }
0x128: {  	v3 =	vand.u32 $0x7, v3;
	v4 =	vand.u32 $0xFFFFFFF0, v63  }
0x129: {  	v3 =	vor.u32 v3, v4  }
0x12a: {  	v4 =	vperm.xlane v3, v0;
	_ =	sdelay $0x1  }
0x12b: {  	v3 =	vperm.xlane v3, v2;
	v4 =	vadd.s32 v1, v4;
	_ =	sdelay $0x1  }
0x12c: {  	v3 =	vadd.s32 v1, v3;
	_ =	sdelay $0x1  }
0x12d: {  	s21 =	simm.s32 $0x7880  }
0x12e: {  	[tilespmem:s21], [sflag:$0x1] =	stream.indirect_vreg.gather [hbm4b:s1+s3], $0x80, v4, vm0, $0xb8;
	[tilespmem:$0x11100] =	vst v63  }
0x12f: {  	s0 =	simm.s32 $0x8080  }
0x130: {  	[tilespmem:s0], [sflag:$0x1] =	stream.indirect_vreg.gather [hbm4b:s1+s3], $0x80, v3, vm0, $0xb8;
	[tilespmem:$0x11100] =	vst v63  }
0x131: {  	s11 =	rddreg [dreg:$0x6]  }
0x132: {  	[hbm4b:s11+s3] =	stream.linear.scatter [tilespmem:s12], [sflag:$0x3], $0x8000, $0x38;
	[tilespmem:$0x11100] =	vst v63  }
0x133: {  	_ =	swait.ge [sflag:s5], $0x8000  }
0x134: {  	[sflag:s5] =	ssyncset.done $0x0  }
0x135: {  	[sflag:s5] =	ssyncadd.s32 $0xFFFF8000  }
0x136: {  	_ =	swait.ge [sflag:s22], $0x8000  }
0x137: {  	[sflag:s22] =	ssyncset.done $0x0  }
0x138: {  	[sflag:s22] =	ssyncadd.s32 $0xFFFF8000  }
0x139: {  	v3 =	vld [tilespmem:$0x180];
	_ =	sdelay $0x4  }
0x13a: {  	v8 =	vshll.u32 v3, $0x1  }
0x13b: {  	v3 =	vand.u32 $0x7, v3;
	v4 =	vand.u32 $0xFFFFFFF0, v8  }
0x13c: {  	v3 =	vor.u32 v3, v4  }
0x13d: {  	v4 =	vperm.xlane v3, v0;
	_ =	sdelay $0x1  }
0x13e: {  	v3 =	vperm.xlane v3, v2;
	v4 =	vadd.s32 v1, v4;
	_ =	sdelay $0x1  }
0x13f: {  	v3 =	vadd.s32 v1, v3;
	_ =	sdelay $0x2  }
0x140: {  	[tilespmem:s12], [sflag:$0x2] =	stream.indirect_vreg.gather [hbm4b:s1+s3], $0x80, v4, vm0, $0xb8;
	[tilespmem:$0x11100] =	vst v63  }
0x141: {  	s11 =	simm.s32 $0x9080  }
0x142: {  	[tilespmem:s11], [sflag:$0x2] =	stream.indirect_vreg.gather [hbm4b:s1+s3], $0x80, v3, vm0, $0xb8;
	[tilespmem:$0x11100] =	vst v63  }
0x143: {  	v3 =	vld [tilespmem:$0x190];
	_ =	sdelay $0x4  }
0x144: {  	v9 =	vshll.u32 v3, $0x1  }
0x145: {  	v3 =	vand.u32 $0x7, v3;
	v4 =	vand.u32 $0xFFFFFFF0, v9  }
0x146: {  	v3 =	vor.u32 v3, v4  }
0x147: {  	v4 =	vperm.xlane v3, v0;
	_ =	sdelay $0x1  }
0x148: {  	v3 =	vperm.xlane v3, v2;
	v4 =	vadd.s32 v1, v4;
	_ =	sdelay $0x1  }
0x149: {  	v3 =	vadd.s32 v1, v3;
	_ =	sdelay $0x1  }
0x14a: {  	s29 =	simm.s32 $0x9880  }
0x14b: {  	[tilespmem:s29], [sflag:$0x2] =	stream.indirect_vreg.gather [hbm4b:s1+s3], $0x80, v4, vm0, $0xb8;
	[tilespmem:$0x11100] =	vst v63  }
0x14c: {  	s10 =	simm.s32 $0xA080  }
0x14d: {  	[tilespmem:s10], [sflag:$0x2] =	stream.indirect_vreg.gather [hbm4b:s1+s3], $0x80, v3, vm0, $0xb8;
	[tilespmem:$0x11100] =	vst v63  }
0x14e: {  	v3 =	vld [tilespmem:$0x1A0];
	_ =	sdelay $0x4  }
0x14f: {  	v10 =	vshll.u32 v3, $0x1  }
0x150: {  	v3 =	vand.u32 $0x7, v3;
	v4 =	vand.u32 $0xFFFFFFF0, v10  }
0x151: {  	v3 =	vor.u32 v3, v4  }
0x152: {  	v4 =	vperm.xlane v3, v0;
	_ =	sdelay $0x1  }
0x153: {  	v3 =	vperm.xlane v3, v2;
	v4 =	vadd.s32 v1, v4;
	_ =	sdelay $0x1  }
0x154: {  	v3 =	vadd.s32 v1, v3;
	_ =	sdelay $0x1  }
0x155: {  	s9 =	simm.s32 $0xA880  }
0x156: {  	[tilespmem:s9], [sflag:$0x2] =	stream.indirect_vreg.gather [hbm4b:s1+s3], $0x80, v4, vm0, $0xb8;
	[tilespmem:$0x11100] =	vst v63  }
0x157: {  	s9 =	simm.s32 $0xB080  }
0x158: {  	[tilespmem:s9], [sflag:$0x2] =	stream.indirect_vreg.gather [hbm4b:s1+s3], $0x80, v3, vm0, $0xb8;
	[tilespmem:$0x11100] =	vst v63  }
0x159: {  	v3 =	vld [tilespmem:$0x1B0];
	_ =	sdelay $0x4  }
0x15a: {  	v11 =	vshll.u32 v3, $0x1  }
0x15b: {  	v3 =	vand.u32 $0x7, v3;
	v4 =	vand.u32 $0xFFFFFFF0, v11  }
0x15c: {  	v3 =	vor.u32 v3, v4  }
0x15d: {  	v4 =	vperm.xlane v3, v0;
	_ =	sdelay $0x1  }
0x15e: {  	v3 =	vperm.xlane v3, v2;
	v4 =	vadd.s32 v1, v4;
	_ =	sdelay $0x1  }
0x15f: {  	v3 =	vadd.s32 v1, v3;
	_ =	sdelay $0x1  }
0x160: {  	s29 =	simm.s32 $0xB880  }
0x161: {  	[tilespmem:s29], [sflag:$0x2] =	stream.indirect_vreg.gather [hbm4b:s1+s3], $0x80, v4, vm0, $0xb8;
	[tilespmem:$0x11100] =	vst v63  }
0x162: {  	s10 =	simm.s32 $0xC080  }
0x163: {  	[tilespmem:s10], [sflag:$0x2] =	stream.indirect_vreg.gather [hbm4b:s1+s3], $0x80, v3, vm0, $0xb8;
	[tilespmem:$0x11100] =	vst v63  }
0x164: {  	v3 =	vld [tilespmem:$0x1C0];
	_ =	sdelay $0x4  }
0x165: {  	v12 =	vshll.u32 v3, $0x1  }
0x166: {  	v3 =	vand.u32 $0x7, v3;
	v4 =	vand.u32 $0xFFFFFFF0, v12  }
0x167: {  	v3 =	vor.u32 v3, v4  }
0x168: {  	v4 =	vperm.xlane v3, v0;
	_ =	sdelay $0x1  }
0x169: {  	v3 =	vperm.xlane v3, v2;
	v4 =	vadd.s32 v1, v4;
	_ =	sdelay $0x1  }
0x16a: {  	v3 =	vadd.s32 v1, v3;
	_ =	sdelay $0x1  }
0x16b: {  	s7 =	simm.s32 $0xC880  }
0x16c: {  	[tilespmem:s7], [sflag:$0x2] =	stream.indirect_vreg.gather [hbm4b:s1+s3], $0x80, v4, vm0, $0xb8;
	[tilespmem:$0x11100] =	vst v63  }
0x16d: {  	s7 =	simm.s32 $0xD080  }
0x16e: {  	[tilespmem:s7], [sflag:$0x2] =	stream.indirect_vreg.gather [hbm4b:s1+s3], $0x80, v3, vm0, $0xb8;
	[tilespmem:$0x11100] =	vst v63  }
0x16f: {  	v3 =	vld [tilespmem:$0x1D0];
	_ =	sdelay $0x4  }
0x170: {  	v13 =	vshll.u32 v3, $0x1  }
0x171: {  	v3 =	vand.u32 $0x7, v3;
	v4 =	vand.u32 $0xFFFFFFF0, v13  }
0x172: {  	v3 =	vor.u32 v3, v4  }
0x173: {  	v4 =	vperm.xlane v3, v0;
	_ =	sdelay $0x1  }
0x174: {  	v3 =	vperm.xlane v3, v2;
	v4 =	vadd.s32 v1, v4;
	_ =	sdelay $0x1  }
0x175: {  	v3 =	vadd.s32 v1, v3;
	_ =	sdelay $0x1  }
0x176: {  	s30 =	simm.s32 $0xD880  }
0x177: {  	[tilespmem:s30], [sflag:$0x2] =	stream.indirect_vreg.gather [hbm4b:s1+s3], $0x80, v4, vm0, $0xb8;
	[tilespmem:$0x11100] =	vst v63  }
0x178: {  	s30 =	simm.s32 $0xE080  }
0x179: {  	[tilespmem:s30], [sflag:$0x2] =	stream.indirect_vreg.gather [hbm4b:s1+s3], $0x80, v3, vm0, $0xb8;
	[tilespmem:$0x11100] =	vst v63  }
0x17a: {  	v3 =	vld [tilespmem:$0x1E0];
	_ =	sdelay $0x4  }
0x17b: {  	v14 =	vshll.u32 v3, $0x1  }
0x17c: {  	v3 =	vand.u32 $0x7, v3;
	v4 =	vand.u32 $0xFFFFFFF0, v14  }
0x17d: {  	v3 =	vor.u32 v3, v4  }
0x17e: {  	v4 =	vperm.xlane v3, v0;
	_ =	sdelay $0x1  }
0x17f: {  	v3 =	vperm.xlane v3, v2;
	v4 =	vadd.s32 v1, v4;
	_ =	sdelay $0x1  }
0x180: {  	v3 =	vadd.s32 v1, v3;
	_ =	sdelay $0x1  }
0x181: {  	s23 =	simm.s32 $0xE880  }
0x182: {  	[tilespmem:s23], [sflag:$0x2] =	stream.indirect_vreg.gather [hbm4b:s1+s3], $0x80, v4, vm0, $0xb8;
	[tilespmem:$0x11100] =	vst v63  }
0x183: {  	s0 =	simm.s32 $0xF080  }
0x184: {  	[tilespmem:s0], [sflag:$0x2] =	stream.indirect_vreg.gather [hbm4b:s1+s3], $0x80, v3, vm0, $0xb8;
	[tilespmem:$0x11100] =	vst v63  }
0x185: {  	v3 =	vld [tilespmem:$0x1F0];
	_ =	sdelay $0x4  }
0x186: {  	v15 =	vshll.u32 v3, $0x1  }
0x187: {  	v3 =	vand.u32 $0x7, v3;
	v4 =	vand.u32 $0xFFFFFFF0, v15  }
0x188: {  	v3 =	vor.u32 v3, v4  }
0x189: {  	v4 =	vperm.xlane v3, v0;
	_ =	sdelay $0x1  }
0x18a: {  	v3 =	vperm.xlane v3, v2;
	v4 =	vadd.s32 v1, v4;
	_ =	sdelay $0x1  }
0x18b: {  	v3 =	vadd.s32 v1, v3;
	_ =	sdelay $0x1  }
0x18c: {  	s23 =	simm.s32 $0xF880  }
0x18d: {  	[tilespmem:s23], [sflag:$0x2] =	stream.indirect_vreg.gather [hbm4b:s1+s3], $0x80, v4, vm0, $0xb8;
	[tilespmem:$0x11100] =	vst v63  }
0x18e: {  	s24 =	simm.s32 $0x10080  }
0x18f: {  	[tilespmem:s24], [sflag:$0x2] =	stream.indirect_vreg.gather [hbm4b:s1+s3], $0x80, v3, vm0, $0xb8;
	[tilespmem:$0x11100] =	vst v63  }
0x190: {  	s2 =	rddreg [dreg:$0x7]  }
0x191: {  	[hbm4b:s2+s3] =	stream.linear.scatter [tilespmem:s6], [sflag:$0x3], $0x8000, $0x38;
	[tilespmem:$0x11100] =	vst v63  }
0x192: {  	_ =	swait.ge [sflag:s5], $0x8000  }
0x193: {  	[sflag:s5] =	ssyncset.done $0x0  }
0x194: {  	[sflag:s5] =	ssyncadd.s32 $0xFFFF8000  }
0x195: {  	_ =	swait.ge [sflag:s31], $0x8000  }
0x196: {  	[sflag:s31] =	ssyncset.done $0x0  }
0x197: {  	[sflag:s31] =	ssyncadd.s32 $0xFFFF8000  }
0x198: {  	v3 =	vld [tilespmem:$0x200];
	_ =	sdelay $0x4  }
0x199: {  	v16 =	vshll.u32 v3, $0x1  }
0x19a: {  	v3 =	vand.u32 $0x7, v3;
	v4 =	vand.u32 $0xFFFFFFF0, v16  }
0x19b: {  	v3 =	vor.u32 v3, v4  }
0x19c: {  	v4 =	vperm.xlane v3, v0;
	_ =	sdelay $0x1  }
0x19d: {  	v3 =	vperm.xlane v3, v2;
	v4 =	vadd.s32 v1, v4;
	_ =	sdelay $0x1  }
0x19e: {  	v3 =	vadd.s32 v1, v3;
	_ =	sdelay $0x2  }
0x19f: {  	[tilespmem:s6], [sflag:$0x1] =	stream.indirect_vreg.gather [hbm4b:s1+s3], $0x80, v4, vm0, $0xb8;
	[tilespmem:$0x11100] =	vst v63  }
0x1a0: {  	s8 =	simm.s32 $0x1080  }
0x1a1: {  	[tilespmem:s8], [sflag:$0x1] =	stream.indirect_vreg.gather [hbm4b:s1+s3], $0x80, v3, vm0, $0xb8;
	[tilespmem:$0x11100] =	vst v63  }
0x1a2: {  	v3 =	vld [tilespmem:$0x210];
	_ =	sdelay $0x4  }
0x1a3: {  	v17 =	vshll.u32 v3, $0x1  }
0x1a4: {  	v3 =	vand.u32 $0x7, v3;
	v4 =	vand.u32 $0xFFFFFFF0, v17  }
0x1a5: {  	v3 =	vor.u32 v3, v4  }
0x1a6: {  	v4 =	vperm.xlane v3, v0;
	_ =	sdelay $0x1  }
0x1a7: {  	v3 =	vperm.xlane v3, v2;
	v4 =	vadd.s32 v1, v4;
	_ =	sdelay $0x1  }
0x1a8: {  	v3 =	vadd.s32 v1, v3;
	_ =	sdelay $0x2  }
0x1a9: {  	[tilespmem:s4], [sflag:$0x1] =	stream.indirect_vreg.gather [hbm4b:s1+s3], $0x80, v4, vm0, $0xb8;
	[tilespmem:$0x11100] =	vst v63  }
0x1aa: {  	s26 =	simm.s32 $0x2080  }
0x1ab: {  	[tilespmem:s26], [sflag:$0x1] =	stream.indirect_vreg.gather [hbm4b:s1+s3], $0x80, v3, vm0, $0xb8;
	[tilespmem:$0x11100] =	vst v63  }
0x1ac: {  	v3 =	vld [tilespmem:$0x220];
	_ =	sdelay $0x4  }
0x1ad: {  	v18 =	vshll.u32 v3, $0x1  }
0x1ae: {  	v3 =	vand.u32 $0x7, v3;
	v4 =	vand.u32 $0xFFFFFFF0, v18  }
0x1af: {  	v3 =	vor.u32 v3, v4  }
0x1b0: {  	v4 =	vperm.xlane v3, v0;
	_ =	sdelay $0x1  }
0x1b1: {  	v3 =	vperm.xlane v3, v2;
	v4 =	vadd.s32 v1, v4;
	_ =	sdelay $0x1  }
0x1b2: {  	v3 =	vadd.s32 v1, v3;
	_ =	sdelay $0x2  }
0x1b3: {  	[tilespmem:s16], [sflag:$0x1] =	stream.indirect_vreg.gather [hbm4b:s1+s3], $0x80, v4, vm0, $0xb8;
	[tilespmem:$0x11100] =	vst v63  }
0x1b4: {  	s16 =	simm.s32 $0x3080  }
0x1b5: {  	[tilespmem:s16], [sflag:$0x1] =	stream.indirect_vreg.gather [hbm4b:s1+s3], $0x80, v3, vm0, $0xb8;
	[tilespmem:$0x11100] =	vst v63  }
0x1b6: {  	v3 =	vld [tilespmem:$0x230];
	_ =	sdelay $0x4  }
0x1b7: {  	v19 =	vshll.u32 v3, $0x1  }
0x1b8: {  	v3 =	vand.u32 $0x7, v3;
	v4 =	vand.u32 $0xFFFFFFF0, v19  }
0x1b9: {  	v3 =	vor.u32 v3, v4  }
0x1ba: {  	v4 =	vperm.xlane v3, v0;
	_ =	sdelay $0x1  }
0x1bb: {  	v3 =	vperm.xlane v3, v2;
	v4 =	vadd.s32 v1, v4;
	_ =	sdelay $0x1  }
0x1bc: {  	v3 =	vadd.s32 v1, v3;
	_ =	sdelay $0x2  }
0x1bd: {  	[tilespmem:s17], [sflag:$0x1] =	stream.indirect_vreg.gather [hbm4b:s1+s3], $0x80, v4, vm0, $0xb8;
	[tilespmem:$0x11100] =	vst v63  }
0x1be: {  	s13 =	simm.s32 $0x4080  }
0x1bf: {  	[tilespmem:s13], [sflag:$0x1] =	stream.indirect_vreg.gather [hbm4b:s1+s3], $0x80, v3, vm0, $0xb8;
	[tilespmem:$0x11100] =	vst v63  }
0x1c0: {  	v3 =	vld [tilespmem:$0x240];
	_ =	sdelay $0x4  }
0x1c1: {  	v20 =	vshll.u32 v3, $0x1  }
0x1c2: {  	v3 =	vand.u32 $0x7, v3;
	v4 =	vand.u32 $0xFFFFFFF0, v20  }
0x1c3: {  	v3 =	vor.u32 v3, v4  }
0x1c4: {  	v4 =	vperm.xlane v3, v0;
	_ =	sdelay $0x1  }
0x1c5: {  	v3 =	vperm.xlane v3, v2;
	v4 =	vadd.s32 v1, v4;
	_ =	sdelay $0x1  }
0x1c6: {  	v3 =	vadd.s32 v1, v3;
	_ =	sdelay $0x2  }
0x1c7: {  	[tilespmem:s18], [sflag:$0x1] =	stream.indirect_vreg.gather [hbm4b:s1+s3], $0x80, v4, vm0, $0xb8;
	[tilespmem:$0x11100] =	vst v63  }
0x1c8: {  	s14 =	simm.s32 $0x5080  }
0x1c9: {  	[tilespmem:s14], [sflag:$0x1] =	stream.indirect_vreg.gather [hbm4b:s1+s3], $0x80, v3, vm0, $0xb8;
	[tilespmem:$0x11100] =	vst v63  }
0x1ca: {  	v3 =	vld [tilespmem:$0x250];
	_ =	sdelay $0x4  }
0x1cb: {  	v21 =	vshll.u32 v3, $0x1  }
0x1cc: {  	v3 =	vand.u32 $0x7, v3;
	v4 =	vand.u32 $0xFFFFFFF0, v21  }
0x1cd: {  	v3 =	vor.u32 v3, v4  }
0x1ce: {  	v4 =	vperm.xlane v3, v0;
	_ =	sdelay $0x1  }
0x1cf: {  	v3 =	vperm.xlane v3, v2;
	v4 =	vadd.s32 v1, v4;
	_ =	sdelay $0x1  }
0x1d0: {  	v3 =	vadd.s32 v1, v3;
	_ =	sdelay $0x2  }
0x1d1: {  	[tilespmem:s19], [sflag:$0x1] =	stream.indirect_vreg.gather [hbm4b:s1+s3], $0x80, v4, vm0, $0xb8;
	[tilespmem:$0x11100] =	vst v63  }
0x1d2: {  	s15 =	simm.s32 $0x6080  }
0x1d3: {  	[tilespmem:s15], [sflag:$0x1] =	stream.indirect_vreg.gather [hbm4b:s1+s3], $0x80, v3, vm0, $0xb8;
	[tilespmem:$0x11100] =	vst v63  }
0x1d4: {  	v3 =	vld [tilespmem:$0x260];
	_ =	sdelay $0x4  }
0x1d5: {  	v22 =	vshll.u32 v3, $0x1  }
0x1d6: {  	v3 =	vand.u32 $0x7, v3;
	v4 =	vand.u32 $0xFFFFFFF0, v22  }
0x1d7: {  	v3 =	vor.u32 v3, v4  }
0x1d8: {  	v4 =	vperm.xlane v3, v0;
	_ =	sdelay $0x1  }
0x1d9: {  	v3 =	vperm.xlane v3, v2;
	v4 =	vadd.s32 v1, v4;
	_ =	sdelay $0x1  }
0x1da: {  	v3 =	vadd.s32 v1, v3;
	_ =	sdelay $0x2  }
0x1db: {  	[tilespmem:s20], [sflag:$0x1] =	stream.indirect_vreg.gather [hbm4b:s1+s3], $0x80, v4, vm0, $0xb8;
	[tilespmem:$0x11100] =	vst v63  }
0x1dc: {  	s28 =	simm.s32 $0x7080  }
0x1dd: {  	[tilespmem:s28], [sflag:$0x1] =	stream.indirect_vreg.gather [hbm4b:s1+s3], $0x80, v3, vm0, $0xb8;
	[tilespmem:$0x11100] =	vst v63  }
0x1de: {  	v3 =	vld [tilespmem:$0x270];
	_ =	sdelay $0x4  }
0x1df: {  	v23 =	vshll.u32 v3, $0x1  }
0x1e0: {  	v3 =	vand.u32 $0x7, v3;
	v4 =	vand.u32 $0xFFFFFFF0, v23  }
0x1e1: {  	v3 =	vor.u32 v3, v4  }
0x1e2: {  	v4 =	vperm.xlane v3, v0;
	_ =	sdelay $0x1  }
0x1e3: {  	v3 =	vperm.xlane v3, v2;
	v4 =	vadd.s32 v1, v4;
	_ =	sdelay $0x1  }
0x1e4: {  	v3 =	vadd.s32 v1, v3;
	_ =	sdelay $0x2  }
0x1e5: {  	[tilespmem:s21], [sflag:$0x1] =	stream.indirect_vreg.gather [hbm4b:s1+s3], $0x80, v4, vm0, $0xb8;
	[tilespmem:$0x11100] =	vst v63  }
0x1e6: {  	s25 =	simm.s32 $0x8080  }
0x1e7: {  	[tilespmem:s25], [sflag:$0x1] =	stream.indirect_vreg.gather [hbm4b:s1+s3], $0x80, v3, vm0, $0xb8;
	[tilespmem:$0x11100] =	vst v63  }
0x1e8: {  	s21 =	rddreg [dreg:$0x8]  }
0x1e9: {  	[hbm4b:s21+s3] =	stream.linear.scatter [tilespmem:s12], [sflag:$0x3], $0x8000, $0x38;
	[tilespmem:$0x11100] =	vst v63  }
0x1ea: {  	_ =	swait.ge [sflag:s5], $0x8000  }
0x1eb: {  	[sflag:s5] =	ssyncset.done $0x0  }
0x1ec: {  	[sflag:s5] =	ssyncadd.s32 $0xFFFF8000  }
0x1ed: {  	_ =	swait.ge [sflag:s22], $0x8000  }
0x1ee: {  	[sflag:s22] =	ssyncset.done $0x0  }
0x1ef: {  	[sflag:s22] =	ssyncadd.s32 $0xFFFF8000  }
0x1f0: {  	v3 =	vld [tilespmem:$0x280];
	_ =	sdelay $0x4  }
0x1f1: {  	v24 =	vshll.u32 v3, $0x1  }
0x1f2: {  	v3 =	vand.u32 $0x7, v3;
	v4 =	vand.u32 $0xFFFFFFF0, v24  }
0x1f3: {  	v3 =	vor.u32 v3, v4  }
0x1f4: {  	v4 =	vperm.xlane v3, v0;
	_ =	sdelay $0x1  }
0x1f5: {  	v3 =	vperm.xlane v3, v2;
	v4 =	vadd.s32 v1, v4;
	_ =	sdelay $0x1  }
0x1f6: {  	v3 =	vadd.s32 v1, v3;
	_ =	sdelay $0x2  }
0x1f7: {  	[tilespmem:s12], [sflag:$0x2] =	stream.indirect_vreg.gather [hbm4b:s1+s3], $0x80, v4, vm0, $0xb8;
	[tilespmem:$0x11100] =	vst v63  }
0x1f8: {  	_ = 	snop  }
0x1f9: {  	[tilespmem:s11], [sflag:$0x2] =	stream.indirect_vreg.gather [hbm4b:s1+s3], $0x80, v3, vm0, $0xb8;
	[tilespmem:$0x11100] =	vst v63  }
0x1fa: {  	v3 =	vld [tilespmem:$0x290];
	_ =	sdelay $0x4  }
0x1fb: {  	v25 =	vshll.u32 v3, $0x1  }
0x1fc: {  	v3 =	vand.u32 $0x7, v3;
	v4 =	vand.u32 $0xFFFFFFF0, v25  }
0x1fd: {  	v3 =	vor.u32 v3, v4  }
0x1fe: {  	v4 =	vperm.xlane v3, v0;
	_ =	sdelay $0x1  }
0x1ff: {  	v3 =	vperm.xlane v3, v2;
	v4 =	vadd.s32 v1, v4;
	_ =	sdelay $0x1  }
0x200: {  	v3 =	vadd.s32 v1, v3;
	_ =	sdelay $0x1  }
0x201: {  	s25 =	simm.s32 $0x9880  }
0x202: {  	[tilespmem:s25], [sflag:$0x2] =	stream.indirect_vreg.gather [hbm4b:s1+s3], $0x80, v4, vm0, $0xb8;
	[tilespmem:$0x11100] =	vst v63  }
0x203: {  	s28 =	simm.s32 $0xA080  }
0x204: {  	[tilespmem:s28], [sflag:$0x2] =	stream.indirect_vreg.gather [hbm4b:s1+s3], $0x80, v3, vm0, $0xb8;
	[tilespmem:$0x11100] =	vst v63  }
0x205: {  	v3 =	vld [tilespmem:$0x2A0];
	_ =	sdelay $0x4  }
0x206: {  	v26 =	vshll.u32 v3, $0x1  }
0x207: {  	v3 =	vand.u32 $0x7, v3;
	v4 =	vand.u32 $0xFFFFFFF0, v26  }
0x208: {  	v3 =	vor.u32 v3, v4  }
0x209: {  	v4 =	vperm.xlane v3, v0;
	_ =	sdelay $0x1  }
0x20a: {  	v3 =	vperm.xlane v3, v2;
	v4 =	vadd.s32 v1, v4;
	_ =	sdelay $0x1  }
0x20b: {  	v3 =	vadd.s32 v1, v3;
	_ =	sdelay $0x1  }
0x20c: {  	s11 =	simm.s32 $0xA880  }
0x20d: {  	[tilespmem:s11], [sflag:$0x2] =	stream.indirect_vreg.gather [hbm4b:s1+s3], $0x80, v4, vm0, $0xb8;
	[tilespmem:$0x11100] =	vst v63  }
0x20e: {  	_ = 	snop  }
0x20f: {  	[tilespmem:s9], [sflag:$0x2] =	stream.indirect_vreg.gather [hbm4b:s1+s3], $0x80, v3, vm0, $0xb8;
	[tilespmem:$0x11100] =	vst v63  }
0x210: {  	v3 =	vld [tilespmem:$0x2B0];
	_ =	sdelay $0x4  }
0x211: {  	v27 =	vshll.u32 v3, $0x1  }
0x212: {  	v3 =	vand.u32 $0x7, v3;
	v4 =	vand.u32 $0xFFFFFFF0, v27  }
0x213: {  	v3 =	vor.u32 v3, v4  }
0x214: {  	v4 =	vperm.xlane v3, v0;
	_ =	sdelay $0x1  }
0x215: {  	v3 =	vperm.xlane v3, v2;
	v4 =	vadd.s32 v1, v4;
	_ =	sdelay $0x1  }
0x216: {  	v3 =	vadd.s32 v1, v3;
	_ =	sdelay $0x2  }
0x217: {  	[tilespmem:s29], [sflag:$0x2] =	stream.indirect_vreg.gather [hbm4b:s1+s3], $0x80, v4, vm0, $0xb8;
	[tilespmem:$0x11100] =	vst v63  }
0x218: {  	_ = 	snop  }
0x219: {  	[tilespmem:s10], [sflag:$0x2] =	stream.indirect_vreg.gather [hbm4b:s1+s3], $0x80, v3, vm0, $0xb8;
	[tilespmem:$0x11100] =	vst v63  }
0x21a: {  	v3 =	vld [tilespmem:$0x2C0];
	_ =	sdelay $0x4  }
0x21b: {  	v28 =	vshll.u32 v3, $0x1  }
0x21c: {  	v3 =	vand.u32 $0x7, v3;
	v4 =	vand.u32 $0xFFFFFFF0, v28  }
0x21d: {  	v3 =	vor.u32 v3, v4  }
0x21e: {  	v4 =	vperm.xlane v3, v0;
	_ =	sdelay $0x1  }
0x21f: {  	v3 =	vperm.xlane v3, v2;
	v4 =	vadd.s32 v1, v4;
	_ =	sdelay $0x1  }
0x220: {  	v3 =	vadd.s32 v1, v3;
	_ =	sdelay $0x1  }
0x221: {  	s25 =	simm.s32 $0xC880  }
0x222: {  	[tilespmem:s25], [sflag:$0x2] =	stream.indirect_vreg.gather [hbm4b:s1+s3], $0x80, v4, vm0, $0xb8;
	[tilespmem:$0x11100] =	vst v63  }
0x223: {  	_ = 	snop  }
0x224: {  	[tilespmem:s7], [sflag:$0x2] =	stream.indirect_vreg.gather [hbm4b:s1+s3], $0x80, v3, vm0, $0xb8;
	[tilespmem:$0x11100] =	vst v63  }
0x225: {  	v3 =	vld [tilespmem:$0x2D0];
	_ =	sdelay $0x4  }
0x226: {  	v29 =	vshll.u32 v3, $0x1  }
0x227: {  	v3 =	vand.u32 $0x7, v3;
	v4 =	vand.u32 $0xFFFFFFF0, v29  }
0x228: {  	v3 =	vor.u32 v3, v4  }
0x229: {  	v4 =	vperm.xlane v3, v0;
	_ =	sdelay $0x1  }
0x22a: {  	v3 =	vperm.xlane v3, v2;
	v4 =	vadd.s32 v1, v4;
	_ =	sdelay $0x1  }
0x22b: {  	v3 =	vadd.s32 v1, v3;
	_ =	sdelay $0x1  }
0x22c: {  	s29 =	simm.s32 $0xD880  }
0x22d: {  	[tilespmem:s29], [sflag:$0x2] =	stream.indirect_vreg.gather [hbm4b:s1+s3], $0x80, v4, vm0, $0xb8;
	[tilespmem:$0x11100] =	vst v63  }
0x22e: {  	_ = 	snop  }
0x22f: {  	[tilespmem:s30], [sflag:$0x2] =	stream.indirect_vreg.gather [hbm4b:s1+s3], $0x80, v3, vm0, $0xb8;
	[tilespmem:$0x11100] =	vst v63  }
0x230: {  	v3 =	vld [tilespmem:$0x2E0];
	_ =	sdelay $0x4  }
0x231: {  	v30 =	vshll.u32 v3, $0x1  }
0x232: {  	v3 =	vand.u32 $0x7, v3;
	v4 =	vand.u32 $0xFFFFFFF0, v30  }
0x233: {  	v3 =	vor.u32 v3, v4  }
0x234: {  	v4 =	vperm.xlane v3, v0;
	_ =	sdelay $0x1  }
0x235: {  	v3 =	vperm.xlane v3, v2;
	v4 =	vadd.s32 v1, v4;
	_ =	sdelay $0x1  }
0x236: {  	v3 =	vadd.s32 v1, v3;
	_ =	sdelay $0x1  }
0x237: {  	s30 =	simm.s32 $0xE880  }
0x238: {  	[tilespmem:s30], [sflag:$0x2] =	stream.indirect_vreg.gather [hbm4b:s1+s3], $0x80, v4, vm0, $0xb8;
	[tilespmem:$0x11100] =	vst v63  }
0x239: {  	_ = 	snop  }
0x23a: {  	[tilespmem:s0], [sflag:$0x2] =	stream.indirect_vreg.gather [hbm4b:s1+s3], $0x80, v3, vm0, $0xb8;
	[tilespmem:$0x11100] =	vst v63  }
0x23b: {  	v3 =	vld [tilespmem:$0x2F0];
	_ =	sdelay $0x4  }
0x23c: {  	v31 =	vshll.u32 v3, $0x1  }
0x23d: {  	v3 =	vand.u32 $0x7, v3;
	v4 =	vand.u32 $0xFFFFFFF0, v31  }
0x23e: {  	v3 =	vor.u32 v3, v4  }
0x23f: {  	v4 =	vperm.xlane v3, v0;
	_ =	sdelay $0x1  }
0x240: {  	v3 =	vperm.xlane v3, v2;
	v4 =	vadd.s32 v1, v4;
	_ =	sdelay $0x1  }
0x241: {  	v3 =	vadd.s32 v1, v3;
	_ =	sdelay $0x2  }
0x242: {  	[tilespmem:s23], [sflag:$0x2] =	stream.indirect_vreg.gather [hbm4b:s1+s3], $0x80, v4, vm0, $0xb8;
	[tilespmem:$0x11100] =	vst v63  }
0x243: {  	s23 =	simm.s32 $0x10080  }
0x244: {  	[tilespmem:s23], [sflag:$0x2] =	stream.indirect_vreg.gather [hbm4b:s1+s3], $0x80, v3, vm0, $0xb8;
	[tilespmem:$0x11100] =	vst v63  }
0x245: {  	s2 =	rddreg [dreg:$0x9]  }
0x246: {  	[hbm4b:s2+s3] =	stream.linear.scatter [tilespmem:s6], [sflag:$0x3], $0x8000, $0x38;
	[tilespmem:$0x11100] =	vst v63  }
0x247: {  	_ =	swait.ge [sflag:s5], $0x8000  }
0x248: {  	[sflag:s5] =	ssyncset.done $0x0  }
0x249: {  	[sflag:s5] =	ssyncadd.s32 $0xFFFF8000  }
0x24a: {  	_ =	swait.ge [sflag:s31], $0x8000  }
0x24b: {  	[sflag:s31] =	ssyncset.done $0x0  }
0x24c: {  	[sflag:s31] =	ssyncadd.s32 $0xFFFF8000  }
0x24d: {  	v3 =	vld [tilespmem:$0x300];
	_ =	sdelay $0x4  }
0x24e: {  	v32 =	vshll.u32 v3, $0x1  }
0x24f: {  	v3 =	vand.u32 $0x7, v3;
	v4 =	vand.u32 $0xFFFFFFF0, v32  }
0x250: {  	v3 =	vor.u32 v3, v4  }
0x251: {  	v4 =	vperm.xlane v3, v0;
	_ =	sdelay $0x1  }
0x252: {  	v3 =	vperm.xlane v3, v2;
	v4 =	vadd.s32 v1, v4;
	_ =	sdelay $0x1  }
0x253: {  	v3 =	vadd.s32 v1, v3;
	_ =	sdelay $0x2  }
0x254: {  	[tilespmem:s6], [sflag:$0x1] =	stream.indirect_vreg.gather [hbm4b:s1+s3], $0x80, v4, vm0, $0xb8;
	[tilespmem:$0x11100] =	vst v63  }
0x255: {  	s24 =	simm.s32 $0x1080  }
0x256: {  	[tilespmem:s24], [sflag:$0x1] =	stream.indirect_vreg.gather [hbm4b:s1+s3], $0x80, v3, vm0, $0xb8;
	[tilespmem:$0x11100] =	vst v63  }
0x257: {  	v3 =	vld [tilespmem:$0x310];
	_ =	sdelay $0x4  }
0x258: {  	v33 =	vshll.u32 v3, $0x1  }
0x259: {  	v3 =	vand.u32 $0x7, v3;
	v4 =	vand.u32 $0xFFFFFFF0, v33  }
0x25a: {  	v3 =	vor.u32 v3, v4  }
0x25b: {  	v4 =	vperm.xlane v3, v0;
	_ =	sdelay $0x1  }
0x25c: {  	v3 =	vperm.xlane v3, v2;
	v4 =	vadd.s32 v1, v4;
	_ =	sdelay $0x1  }
0x25d: {  	v3 =	vadd.s32 v1, v3;
	_ =	sdelay $0x1  }
0x25e: {  	s4 =	simm.s32 $0x1880  }
0x25f: {  	[tilespmem:s4], [sflag:$0x1] =	stream.indirect_vreg.gather [hbm4b:s1+s3], $0x80, v4, vm0, $0xb8;
	[tilespmem:$0x11100] =	vst v63  }
0x260: {  	s26 =	simm.s32 $0x2080  }
0x261: {  	[tilespmem:s26], [sflag:$0x1] =	stream.indirect_vreg.gather [hbm4b:s1+s3], $0x80, v3, vm0, $0xb8;
	[tilespmem:$0x11100] =	vst v63  }
0x262: {  	v3 =	vld [tilespmem:$0x320];
	_ =	sdelay $0x4  }
0x263: {  	v34 =	vshll.u32 v3, $0x1  }
0x264: {  	v3 =	vand.u32 $0x7, v3;
	v4 =	vand.u32 $0xFFFFFFF0, v34  }
0x265: {  	v3 =	vor.u32 v3, v4  }
0x266: {  	v4 =	vperm.xlane v3, v0;
	_ =	sdelay $0x1  }
0x267: {  	v3 =	vperm.xlane v3, v2;
	v4 =	vadd.s32 v1, v4;
	_ =	sdelay $0x1  }
0x268: {  	v3 =	vadd.s32 v1, v3;
	_ =	sdelay $0x1  }
0x269: {  	s8 =	simm.s32 $0x2880  }
0x26a: {  	[tilespmem:s8], [sflag:$0x1] =	stream.indirect_vreg.gather [hbm4b:s1+s3], $0x80, v4, vm0, $0xb8;
	[tilespmem:$0x11100] =	vst v63  }
0x26b: {  	s26 =	simm.s32 $0x3080  }
0x26c: {  	[tilespmem:s26], [sflag:$0x1] =	stream.indirect_vreg.gather [hbm4b:s1+s3], $0x80, v3, vm0, $0xb8;
	[tilespmem:$0x11100] =	vst v63  }
0x26d: {  	v3 =	vld [tilespmem:$0x330];
	_ =	sdelay $0x4  }
0x26e: {  	v35 =	vshll.u32 v3, $0x1  }
0x26f: {  	v3 =	vand.u32 $0x7, v3;
	v4 =	vand.u32 $0xFFFFFFF0, v35  }
0x270: {  	v3 =	vor.u32 v3, v4  }
0x271: {  	v4 =	vperm.xlane v3, v0;
	_ =	sdelay $0x1  }
0x272: {  	v3 =	vperm.xlane v3, v2;
	v4 =	vadd.s32 v1, v4;
	_ =	sdelay $0x1  }
0x273: {  	v3 =	vadd.s32 v1, v3;
	_ =	sdelay $0x1  }
0x274: {  	s16 =	simm.s32 $0x3880  }
0x275: {  	[tilespmem:s16], [sflag:$0x1] =	stream.indirect_vreg.gather [hbm4b:s1+s3], $0x80, v4, vm0, $0xb8;
	[tilespmem:$0x11100] =	vst v63  }
0x276: {  	s2 =	simm.s32 $0x4080  }
0x277: {  	[tilespmem:s2], [sflag:$0x1] =	stream.indirect_vreg.gather [hbm4b:s1+s3], $0x80, v3, vm0, $0xb8;
	[tilespmem:$0x11100] =	vst v63  }
0x278: {  	v3 =	vld [tilespmem:$0x340];
	_ =	sdelay $0x4  }
0x279: {  	v36 =	vshll.u32 v3, $0x1  }
0x27a: {  	v3 =	vand.u32 $0x7, v3;
	v4 =	vand.u32 $0xFFFFFFF0, v36  }
0x27b: {  	v3 =	vor.u32 v3, v4  }
0x27c: {  	v4 =	vperm.xlane v3, v0;
	_ =	sdelay $0x1  }
0x27d: {  	v3 =	vperm.xlane v3, v2;
	v4 =	vadd.s32 v1, v4;
	_ =	sdelay $0x1  }
0x27e: {  	v3 =	vadd.s32 v1, v3;
	_ =	sdelay $0x1  }
0x27f: {  	s13 =	simm.s32 $0x4880  }
0x280: {  	[tilespmem:s13], [sflag:$0x1] =	stream.indirect_vreg.gather [hbm4b:s1+s3], $0x80, v4, vm0, $0xb8;
	[tilespmem:$0x11100] =	vst v63  }
0x281: {  	s2 =	simm.s32 $0x5080  }
0x282: {  	[tilespmem:s2], [sflag:$0x1] =	stream.indirect_vreg.gather [hbm4b:s1+s3], $0x80, v3, vm0, $0xb8;
	[tilespmem:$0x11100] =	vst v63  }
0x283: {  	v3 =	vld [tilespmem:$0x350];
	_ =	sdelay $0x4  }
0x284: {  	v37 =	vshll.u32 v3, $0x1  }
0x285: {  	v3 =	vand.u32 $0x7, v3;
	v4 =	vand.u32 $0xFFFFFFF0, v37  }
0x286: {  	v3 =	vor.u32 v3, v4  }
0x287: {  	v4 =	vperm.xlane v3, v0;
	_ =	sdelay $0x1  }
0x288: {  	v3 =	vperm.xlane v3, v2;
	v4 =	vadd.s32 v1, v4;
	_ =	sdelay $0x1  }
0x289: {  	v3 =	vadd.s32 v1, v3;
	_ =	sdelay $0x1  }
0x28a: {  	s14 =	simm.s32 $0x5880  }
0x28b: {  	[tilespmem:s14], [sflag:$0x1] =	stream.indirect_vreg.gather [hbm4b:s1+s3], $0x80, v4, vm0, $0xb8;
	[tilespmem:$0x11100] =	vst v63  }
0x28c: {  	s19 =	simm.s32 $0x6080  }
0x28d: {  	[tilespmem:s19], [sflag:$0x1] =	stream.indirect_vreg.gather [hbm4b:s1+s3], $0x80, v3, vm0, $0xb8;
	[tilespmem:$0x11100] =	vst v63  }
0x28e: {  	v3 =	vld [tilespmem:$0x360];
	_ =	sdelay $0x4  }
0x28f: {  	v38 =	vshll.u32 v3, $0x1  }
0x290: {  	v3 =	vand.u32 $0x7, v3;
	v4 =	vand.u32 $0xFFFFFFF0, v38  }
0x291: {  	v3 =	vor.u32 v3, v4  }
0x292: {  	v4 =	vperm.xlane v3, v0;
	_ =	sdelay $0x1  }
0x293: {  	v3 =	vperm.xlane v3, v2;
	v4 =	vadd.s32 v1, v4;
	_ =	sdelay $0x1  }
0x294: {  	v3 =	vadd.s32 v1, v3;
	_ =	sdelay $0x1  }
0x295: {  	s15 =	simm.s32 $0x6880  }
0x296: {  	[tilespmem:s15], [sflag:$0x1] =	stream.indirect_vreg.gather [hbm4b:s1+s3], $0x80, v4, vm0, $0xb8;
	[tilespmem:$0x11100] =	vst v63  }
0x297: {  	s20 =	simm.s32 $0x7080  }
0x298: {  	[tilespmem:s20], [sflag:$0x1] =	stream.indirect_vreg.gather [hbm4b:s1+s3], $0x80, v3, vm0, $0xb8;
	[tilespmem:$0x11100] =	vst v63  }
0x299: {  	v3 =	vld [tilespmem:$0x370];
	_ =	sdelay $0x4  }
0x29a: {  	v39 =	vshll.u32 v3, $0x1  }
0x29b: {  	v3 =	vand.u32 $0x7, v3;
	v4 =	vand.u32 $0xFFFFFFF0, v39  }
0x29c: {  	v3 =	vor.u32 v3, v4  }
0x29d: {  	v4 =	vperm.xlane v3, v0;
	_ =	sdelay $0x1  }
0x29e: {  	v3 =	vperm.xlane v3, v2;
	v4 =	vadd.s32 v1, v4;
	_ =	sdelay $0x1  }
0x29f: {  	v3 =	vadd.s32 v1, v3;
	_ =	sdelay $0x1  }
0x2a0: {  	s17 =	simm.s32 $0x7880  }
0x2a1: {  	[tilespmem:s17], [sflag:$0x1] =	stream.indirect_vreg.gather [hbm4b:s1+s3], $0x80, v4, vm0, $0xb8;
	[tilespmem:$0x11100] =	vst v63  }
0x2a2: {  	s18 =	simm.s32 $0x8080  }
0x2a3: {  	[tilespmem:s18], [sflag:$0x1] =	stream.indirect_vreg.gather [hbm4b:s1+s3], $0x80, v3, vm0, $0xb8;
	[tilespmem:$0x11100] =	vst v63  }
0x2a4: {  	s2 =	rddreg [dreg:$0xa]  }
0x2a5: {  	[hbm4b:s2+s3] =	stream.linear.scatter [tilespmem:s12], [sflag:$0x3], $0x8000, $0x38;
	[tilespmem:$0x11100] =	vst v63  }
0x2a6: {  	_ =	swait.ge [sflag:s5], $0x8000  }
0x2a7: {  	[sflag:s5] =	ssyncset.done $0x0  }
0x2a8: {  	[sflag:s5] =	ssyncadd.s32 $0xFFFF8000  }
0x2a9: {  	_ =	swait.ge [sflag:s22], $0x8000  }
0x2aa: {  	[sflag:s22] =	ssyncset.done $0x0  }
0x2ab: {  	[sflag:s22] =	ssyncadd.s32 $0xFFFF8000  }
0x2ac: {  	v3 =	vld [tilespmem:$0x380];
	_ =	sdelay $0x4  }
0x2ad: {  	v40 =	vshll.u32 v3, $0x1  }
0x2ae: {  	v3 =	vand.u32 $0x7, v3;
	v4 =	vand.u32 $0xFFFFFFF0, v40  }
0x2af: {  	v3 =	vor.u32 v3, v4  }
0x2b0: {  	v4 =	vperm.xlane v3, v0;
	_ =	sdelay $0x1  }
0x2b1: {  	v3 =	vperm.xlane v3, v2;
	v4 =	vadd.s32 v1, v4;
	_ =	sdelay $0x1  }
0x2b2: {  	v3 =	vadd.s32 v1, v3;
	_ =	sdelay $0x2  }
0x2b3: {  	[tilespmem:s12], [sflag:$0x2] =	stream.indirect_vreg.gather [hbm4b:s1+s3], $0x80, v4, vm0, $0xb8;
	[tilespmem:$0x11100] =	vst v63  }
0x2b4: {  	s21 =	simm.s32 $0x9080  }
0x2b5: {  	[tilespmem:s21], [sflag:$0x2] =	stream.indirect_vreg.gather [hbm4b:s1+s3], $0x80, v3, vm0, $0xb8;
	[tilespmem:$0x11100] =	vst v63  }
0x2b6: {  	v3 =	vld [tilespmem:$0x390];
	_ =	sdelay $0x4  }
0x2b7: {  	v41 =	vshll.u32 v3, $0x1  }
0x2b8: {  	v3 =	vand.u32 $0x7, v3;
	v4 =	vand.u32 $0xFFFFFFF0, v41  }
0x2b9: {  	v3 =	vor.u32 v3, v4  }
0x2ba: {  	v4 =	vperm.xlane v3, v0;
	_ =	sdelay $0x1  }
0x2bb: {  	v3 =	vperm.xlane v3, v2;
	v4 =	vadd.s32 v1, v4;
	_ =	sdelay $0x1  }
0x2bc: {  	v3 =	vadd.s32 v1, v3;
	_ =	sdelay $0x1  }
0x2bd: {  	s21 =	simm.s32 $0x9880  }
0x2be: {  	[tilespmem:s21], [sflag:$0x2] =	stream.indirect_vreg.gather [hbm4b:s1+s3], $0x80, v4, vm0, $0xb8;
	[tilespmem:$0x11100] =	vst v63  }
0x2bf: {  	s21 =	simm.s32 $0xA080  }
0x2c0: {  	[tilespmem:s21], [sflag:$0x2] =	stream.indirect_vreg.gather [hbm4b:s1+s3], $0x80, v3, vm0, $0xb8;
	[tilespmem:$0x11100] =	vst v63  }
0x2c1: {  	v3 =	vld [tilespmem:$0x3A0];
	_ =	sdelay $0x4  }
0x2c2: {  	v42 =	vshll.u32 v3, $0x1  }
0x2c3: {  	v3 =	vand.u32 $0x7, v3;
	v4 =	vand.u32 $0xFFFFFFF0, v42  }
0x2c4: {  	v3 =	vor.u32 v3, v4  }
0x2c5: {  	v4 =	vperm.xlane v3, v0;
	_ =	sdelay $0x1  }
0x2c6: {  	v3 =	vperm.xlane v3, v2;
	v4 =	vadd.s32 v1, v4;
	_ =	sdelay $0x1  }
0x2c7: {  	v3 =	vadd.s32 v1, v3;
	_ =	sdelay $0x1  }
0x2c8: {  	s28 =	simm.s32 $0xA880  }
0x2c9: {  	[tilespmem:s28], [sflag:$0x2] =	stream.indirect_vreg.gather [hbm4b:s1+s3], $0x80, v4, vm0, $0xb8;
	[tilespmem:$0x11100] =	vst v63  }
0x2ca: {  	s11 =	simm.s32 $0xB080  }
0x2cb: {  	[tilespmem:s11], [sflag:$0x2] =	stream.indirect_vreg.gather [hbm4b:s1+s3], $0x80, v3, vm0, $0xb8;
	[tilespmem:$0x11100] =	vst v63  }
0x2cc: {  	v3 =	vld [tilespmem:$0x3B0];
	_ =	sdelay $0x4  }
0x2cd: {  	v43 =	vshll.u32 v3, $0x1  }
0x2ce: {  	v3 =	vand.u32 $0x7, v3;
	v4 =	vand.u32 $0xFFFFFFF0, v43  }
0x2cf: {  	v3 =	vor.u32 v3, v4  }
0x2d0: {  	v4 =	vperm.xlane v3, v0;
	_ =	sdelay $0x1  }
0x2d1: {  	v3 =	vperm.xlane v3, v2;
	v4 =	vadd.s32 v1, v4;
	_ =	sdelay $0x1  }
0x2d2: {  	v3 =	vadd.s32 v1, v3;
	_ =	sdelay $0x1  }
0x2d3: {  	s21 =	simm.s32 $0xB880  }
0x2d4: {  	[tilespmem:s21], [sflag:$0x2] =	stream.indirect_vreg.gather [hbm4b:s1+s3], $0x80, v4, vm0, $0xb8;
	[tilespmem:$0x11100] =	vst v63  }
0x2d5: {  	s10 =	simm.s32 $0xC080  }
0x2d6: {  	[tilespmem:s10], [sflag:$0x2] =	stream.indirect_vreg.gather [hbm4b:s1+s3], $0x80, v3, vm0, $0xb8;
	[tilespmem:$0x11100] =	vst v63  }
0x2d7: {  	v3 =	vld [tilespmem:$0x3C0];
	_ =	sdelay $0x4  }
0x2d8: {  	v44 =	vshll.u32 v3, $0x1  }
0x2d9: {  	v3 =	vand.u32 $0x7, v3;
	v4 =	vand.u32 $0xFFFFFFF0, v44  }
0x2da: {  	v3 =	vor.u32 v3, v4  }
0x2db: {  	v4 =	vperm.xlane v3, v0;
	_ =	sdelay $0x1  }
0x2dc: {  	v3 =	vperm.xlane v3, v2;
	v4 =	vadd.s32 v1, v4;
	_ =	sdelay $0x1  }
0x2dd: {  	v3 =	vadd.s32 v1, v3;
	_ =	sdelay $0x1  }
0x2de: {  	s25 =	simm.s32 $0xC880  }
0x2df: {  	[tilespmem:s25], [sflag:$0x2] =	stream.indirect_vreg.gather [hbm4b:s1+s3], $0x80, v4, vm0, $0xb8;
	[tilespmem:$0x11100] =	vst v63  }
0x2e0: {  	s7 =	simm.s32 $0xD080  }
0x2e1: {  	[tilespmem:s7], [sflag:$0x2] =	stream.indirect_vreg.gather [hbm4b:s1+s3], $0x80, v3, vm0, $0xb8;
	[tilespmem:$0x11100] =	vst v63  }
0x2e2: {  	v3 =	vld [tilespmem:$0x3D0];
	_ =	sdelay $0x4  }
0x2e3: {  	v45 =	vshll.u32 v3, $0x1  }
0x2e4: {  	v3 =	vand.u32 $0x7, v3;
	v4 =	vand.u32 $0xFFFFFFF0, v45  }
0x2e5: {  	v3 =	vor.u32 v3, v4  }
0x2e6: {  	v4 =	vperm.xlane v3, v0;
	_ =	sdelay $0x1  }
0x2e7: {  	v3 =	vperm.xlane v3, v2;
	v4 =	vadd.s32 v1, v4;
	_ =	sdelay $0x1  }
0x2e8: {  	v3 =	vadd.s32 v1, v3;
	_ =	sdelay $0x1  }
0x2e9: {  	s25 =	simm.s32 $0xD880  }
0x2ea: {  	[tilespmem:s25], [sflag:$0x2] =	stream.indirect_vreg.gather [hbm4b:s1+s3], $0x80, v4, vm0, $0xb8;
	[tilespmem:$0x11100] =	vst v63  }
0x2eb: {  	s9 =	simm.s32 $0xE080  }
0x2ec: {  	[tilespmem:s9], [sflag:$0x2] =	stream.indirect_vreg.gather [hbm4b:s1+s3], $0x80, v3, vm0, $0xb8;
	[tilespmem:$0x11100] =	vst v63  }
0x2ed: {  	v3 =	vld [tilespmem:$0x3E0];
	_ =	sdelay $0x4  }
0x2ee: {  	v46 =	vshll.u32 v3, $0x1  }
0x2ef: {  	v3 =	vand.u32 $0x7, v3;
	v4 =	vand.u32 $0xFFFFFFF0, v46  }
0x2f0: {  	v3 =	vor.u32 v3, v4  }
0x2f1: {  	v4 =	vperm.xlane v3, v0;
	_ =	sdelay $0x1  }
0x2f2: {  	v3 =	vperm.xlane v3, v2;
	v4 =	vadd.s32 v1, v4;
	_ =	sdelay $0x1  }
0x2f3: {  	v3 =	vadd.s32 v1, v3;
	_ =	sdelay $0x1  }
0x2f4: {  	s30 =	simm.s32 $0xE880  }
0x2f5: {  	[tilespmem:s30], [sflag:$0x2] =	stream.indirect_vreg.gather [hbm4b:s1+s3], $0x80, v4, vm0, $0xb8;
	[tilespmem:$0x11100] =	vst v63  }
0x2f6: {  	s29 =	simm.s32 $0xF080  }
0x2f7: {  	[tilespmem:s29], [sflag:$0x2] =	stream.indirect_vreg.gather [hbm4b:s1+s3], $0x80, v3, vm0, $0xb8;
	[tilespmem:$0x11100] =	vst v63  }
0x2f8: {  	v3 =	vld [tilespmem:$0x3F0];
	_ =	sdelay $0x4  }
0x2f9: {  	v47 =	vshll.u32 v3, $0x1  }
0x2fa: {  	v3 =	vand.u32 $0x7, v3;
	v4 =	vand.u32 $0xFFFFFFF0, v47  }
0x2fb: {  	v3 =	vor.u32 v3, v4  }
0x2fc: {  	v4 =	vperm.xlane v3, v0;
	_ =	sdelay $0x1  }
0x2fd: {  	v3 =	vperm.xlane v3, v2;
	v4 =	vadd.s32 v1, v4;
	_ =	sdelay $0x1  }
0x2fe: {  	v3 =	vadd.s32 v1, v3;
	_ =	sdelay $0x1  }
0x2ff: {  	s0 =	simm.s32 $0xF880  }
0x300: {  	[tilespmem:s0], [sflag:$0x2] =	stream.indirect_vreg.gather [hbm4b:s1+s3], $0x80, v4, vm0, $0xb8;
	[tilespmem:$0x11100] =	vst v63  }
0x301: {  	s0 =	simm.s32 $0x10080  }
0x302: {  	[tilespmem:s0], [sflag:$0x2] =	stream.indirect_vreg.gather [hbm4b:s1+s3], $0x80, v3, vm0, $0xb8;
	[tilespmem:$0x11100] =	vst v63  }
0x303: {  	s2 =	rddreg [dreg:$0xb]  }
0x304: {  	[hbm4b:s2+s3] =	stream.linear.scatter [tilespmem:s6], [sflag:$0x3], $0x8000, $0x38;
	[tilespmem:$0x11100] =	vst v63  }
0x305: {  	_ =	swait.ge [sflag:s5], $0x8000  }
0x306: {  	[sflag:s5] =	ssyncset.done $0x0  }
0x307: {  	[sflag:s5] =	ssyncadd.s32 $0xFFFF8000  }
0x308: {  	_ =	swait.ge [sflag:s31], $0x8000  }
0x309: {  	[sflag:s31] =	ssyncset.done $0x0  }
0x30a: {  	[sflag:s31] =	ssyncadd.s32 $0xFFFF8000  }
0x30b: {  	v3 =	vld [tilespmem:$0x400];
	_ =	sdelay $0x4  }
0x30c: {  	v48 =	vshll.u32 v3, $0x1  }
0x30d: {  	v3 =	vand.u32 $0x7, v3;
	v4 =	vand.u32 $0xFFFFFFF0, v48  }
0x30e: {  	v3 =	vor.u32 v3, v4  }
0x30f: {  	v4 =	vperm.xlane v3, v0;
	_ =	sdelay $0x1  }
0x310: {  	v3 =	vperm.xlane v3, v2;
	v4 =	vadd.s32 v1, v4;
	_ =	sdelay $0x1  }
0x311: {  	v3 =	vadd.s32 v1, v3;
	_ =	sdelay $0x2  }
0x312: {  	[tilespmem:s6], [sflag:$0x1] =	stream.indirect_vreg.gather [hbm4b:s1+s3], $0x80, v4, vm0, $0xb8;
	[tilespmem:$0x11100] =	vst v63  }
0x313: {  	s23 =	simm.s32 $0x1080  }
0x314: {  	[tilespmem:s23], [sflag:$0x1] =	stream.indirect_vreg.gather [hbm4b:s1+s3], $0x80, v3, vm0, $0xb8;
	[tilespmem:$0x11100] =	vst v63  }
0x315: {  	v3 =	vld [tilespmem:$0x410];
	_ =	sdelay $0x4  }
0x316: {  	v49 =	vshll.u32 v3, $0x1  }
0x317: {  	v3 =	vand.u32 $0x7, v3;
	v4 =	vand.u32 $0xFFFFFFF0, v49  }
0x318: {  	v3 =	vor.u32 v3, v4  }
0x319: {  	v4 =	vperm.xlane v3, v0;
	_ =	sdelay $0x1  }
0x31a: {  	v3 =	vperm.xlane v3, v2;
	v4 =	vadd.s32 v1, v4;
	_ =	sdelay $0x1  }
0x31b: {  	v3 =	vadd.s32 v1, v3;
	_ =	sdelay $0x1  }
0x31c: {  	s4 =	simm.s32 $0x1880  }
0x31d: {  	[tilespmem:s4], [sflag:$0x1] =	stream.indirect_vreg.gather [hbm4b:s1+s3], $0x80, v4, vm0, $0xb8;
	[tilespmem:$0x11100] =	vst v63  }
0x31e: {  	s24 =	simm.s32 $0x2080  }
0x31f: {  	[tilespmem:s24], [sflag:$0x1] =	stream.indirect_vreg.gather [hbm4b:s1+s3], $0x80, v3, vm0, $0xb8;
	[tilespmem:$0x11100] =	vst v63  }
0x320: {  	v3 =	vld [tilespmem:$0x420];
	_ =	sdelay $0x4  }
0x321: {  	v50 =	vshll.u32 v3, $0x1  }
0x322: {  	v3 =	vand.u32 $0x7, v3;
	v4 =	vand.u32 $0xFFFFFFF0, v50  }
0x323: {  	v3 =	vor.u32 v3, v4  }
0x324: {  	v4 =	vperm.xlane v3, v0;
	_ =	sdelay $0x1  }
0x325: {  	v3 =	vperm.xlane v3, v2;
	v4 =	vadd.s32 v1, v4;
	_ =	sdelay $0x1  }
0x326: {  	v3 =	vadd.s32 v1, v3;
	_ =	sdelay $0x1  }
0x327: {  	s8 =	simm.s32 $0x2880  }
0x328: {  	[tilespmem:s8], [sflag:$0x1] =	stream.indirect_vreg.gather [hbm4b:s1+s3], $0x80, v4, vm0, $0xb8;
	[tilespmem:$0x11100] =	vst v63  }
0x329: {  	s26 =	simm.s32 $0x3080  }
0x32a: {  	[tilespmem:s26], [sflag:$0x1] =	stream.indirect_vreg.gather [hbm4b:s1+s3], $0x80, v3, vm0, $0xb8;
	[tilespmem:$0x11100] =	vst v63  }
0x32b: {  	v3 =	vld [tilespmem:$0x430];
	_ =	sdelay $0x4  }
0x32c: {  	v51 =	vshll.u32 v3, $0x1  }
0x32d: {  	v3 =	vand.u32 $0x7, v3;
	v4 =	vand.u32 $0xFFFFFFF0, v51  }
0x32e: {  	v3 =	vor.u32 v3, v4  }
0x32f: {  	v4 =	vperm.xlane v3, v0;
	_ =	sdelay $0x1  }
0x330: {  	v3 =	vperm.xlane v3, v2;
	v4 =	vadd.s32 v1, v4;
	_ =	sdelay $0x1  }
0x331: {  	v3 =	vadd.s32 v1, v3;
	_ =	sdelay $0x1  }
0x332: {  	s16 =	simm.s32 $0x3880  }
0x333: {  	[tilespmem:s16], [sflag:$0x1] =	stream.indirect_vreg.gather [hbm4b:s1+s3], $0x80, v4, vm0, $0xb8;
	[tilespmem:$0x11100] =	vst v63  }
0x334: {  	s0 =	simm.s32 $0x4080  }
0x335: {  	[tilespmem:s0], [sflag:$0x1] =	stream.indirect_vreg.gather [hbm4b:s1+s3], $0x80, v3, vm0, $0xb8;
	[tilespmem:$0x11100] =	vst v63  }
0x336: {  	v3 =	vld [tilespmem:$0x440];
	_ =	sdelay $0x4  }
0x337: {  	v52 =	vshll.u32 v3, $0x1  }
0x338: {  	v3 =	vand.u32 $0x7, v3;
	v4 =	vand.u32 $0xFFFFFFF0, v52  }
0x339: {  	v3 =	vor.u32 v3, v4  }
0x33a: {  	v4 =	vperm.xlane v3, v0;
	_ =	sdelay $0x1  }
0x33b: {  	v3 =	vperm.xlane v3, v2;
	v4 =	vadd.s32 v1, v4;
	_ =	sdelay $0x1  }
0x33c: {  	v3 =	vadd.s32 v1, v3;
	_ =	sdelay $0x1  }
0x33d: {  	s13 =	simm.s32 $0x4880  }
0x33e: {  	[tilespmem:s13], [sflag:$0x1] =	stream.indirect_vreg.gather [hbm4b:s1+s3], $0x80, v4, vm0, $0xb8;
	[tilespmem:$0x11100] =	vst v63  }
0x33f: {  	s0 =	simm.s32 $0x5080  }
0x340: {  	[tilespmem:s0], [sflag:$0x1] =	stream.indirect_vreg.gather [hbm4b:s1+s3], $0x80, v3, vm0, $0xb8;
	[tilespmem:$0x11100] =	vst v63  }
0x341: {  	v3 =	vld [tilespmem:$0x450];
	_ =	sdelay $0x4  }
0x342: {  	v53 =	vshll.u32 v3, $0x1  }
0x343: {  	v3 =	vand.u32 $0x7, v3;
	v4 =	vand.u32 $0xFFFFFFF0, v53  }
0x344: {  	v3 =	vor.u32 v3, v4  }
0x345: {  	v4 =	vperm.xlane v3, v0;
	_ =	sdelay $0x1  }
0x346: {  	v3 =	vperm.xlane v3, v2;
	v4 =	vadd.s32 v1, v4;
	_ =	sdelay $0x1  }
0x347: {  	v3 =	vadd.s32 v1, v3;
	_ =	sdelay $0x1  }
0x348: {  	s14 =	simm.s32 $0x5880  }
0x349: {  	[tilespmem:s14], [sflag:$0x1] =	stream.indirect_vreg.gather [hbm4b:s1+s3], $0x80, v4, vm0, $0xb8;
	[tilespmem:$0x11100] =	vst v63  }
0x34a: {  	s19 =	simm.s32 $0x6080  }
0x34b: {  	[tilespmem:s19], [sflag:$0x1] =	stream.indirect_vreg.gather [hbm4b:s1+s3], $0x80, v3, vm0, $0xb8;
	[tilespmem:$0x11100] =	vst v63  }
0x34c: {  	v3 =	vld [tilespmem:$0x460];
	_ =	sdelay $0x4  }
0x34d: {  	v54 =	vshll.u32 v3, $0x1  }
0x34e: {  	v3 =	vand.u32 $0x7, v3;
	v4 =	vand.u32 $0xFFFFFFF0, v54  }
0x34f: {  	v3 =	vor.u32 v3, v4  }
0x350: {  	v4 =	vperm.xlane v3, v0;
	_ =	sdelay $0x1  }
0x351: {  	v3 =	vperm.xlane v3, v2;
	v4 =	vadd.s32 v1, v4;
	_ =	sdelay $0x1  }
0x352: {  	v3 =	vadd.s32 v1, v3;
	_ =	sdelay $0x1  }
0x353: {  	s15 =	simm.s32 $0x6880  }
0x354: {  	[tilespmem:s15], [sflag:$0x1] =	stream.indirect_vreg.gather [hbm4b:s1+s3], $0x80, v4, vm0, $0xb8;
	[tilespmem:$0x11100] =	vst v63  }
0x355: {  	s20 =	simm.s32 $0x7080  }
0x356: {  	[tilespmem:s20], [sflag:$0x1] =	stream.indirect_vreg.gather [hbm4b:s1+s3], $0x80, v3, vm0, $0xb8;
	[tilespmem:$0x11100] =	vst v63  }
0x357: {  	v3 =	vld [tilespmem:$0x470];
	_ =	sdelay $0x4  }
0x358: {  	v55 =	vshll.u32 v3, $0x1  }
0x359: {  	v3 =	vand.u32 $0x7, v3;
	v4 =	vand.u32 $0xFFFFFFF0, v55  }
0x35a: {  	v3 =	vor.u32 v3, v4  }
0x35b: {  	v4 =	vperm.xlane v3, v0;
	_ =	sdelay $0x1  }
0x35c: {  	v3 =	vperm.xlane v3, v2;
	v4 =	vadd.s32 v1, v4;
	_ =	sdelay $0x1  }
0x35d: {  	v3 =	vadd.s32 v1, v3;
	_ =	sdelay $0x1  }
0x35e: {  	s17 =	simm.s32 $0x7880  }
0x35f: {  	[tilespmem:s17], [sflag:$0x1] =	stream.indirect_vreg.gather [hbm4b:s1+s3], $0x80, v4, vm0, $0xb8;
	[tilespmem:$0x11100] =	vst v63  }
0x360: {  	s18 =	simm.s32 $0x8080  }
0x361: {  	[tilespmem:s18], [sflag:$0x1] =	stream.indirect_vreg.gather [hbm4b:s1+s3], $0x80, v3, vm0, $0xb8;
	[tilespmem:$0x11100] =	vst v63  }
0x362: {  	s0 =	rddreg [dreg:$0xc]  }
0x363: {  	[hbm4b:s0+s3] =	stream.linear.scatter [tilespmem:s12], [sflag:$0x3], $0x8000, $0x38;
	[tilespmem:$0x11100] =	vst v63  }
0x364: {  	_ =	swait.ge [sflag:s5], $0x8000  }
0x365: {  	[sflag:s5] =	ssyncset.done $0x0  }
0x366: {  	[sflag:s5] =	ssyncadd.s32 $0xFFFF8000  }
0x367: {  	_ =	swait.ge [sflag:s22], $0x8000  }
0x368: {  	[sflag:s22] =	ssyncset.done $0x0  }
0x369: {  	[sflag:s22] =	ssyncadd.s32 $0xFFFF8000  }
0x36a: {  	v3 =	vld [tilespmem:$0x480];
	_ =	sdelay $0x4  }
0x36b: {  	v56 =	vshll.u32 v3, $0x1  }
0x36c: {  	v3 =	vand.u32 $0x7, v3;
	v4 =	vand.u32 $0xFFFFFFF0, v56  }
0x36d: {  	v3 =	vor.u32 v3, v4  }
0x36e: {  	v4 =	vperm.xlane v3, v0;
	_ =	sdelay $0x1  }
0x36f: {  	v3 =	vperm.xlane v3, v2;
	v4 =	vadd.s32 v1, v4;
	_ =	sdelay $0x1  }
0x370: {  	v3 =	vadd.s32 v1, v3;
	_ =	sdelay $0x2  }
0x371: {  	[tilespmem:s12], [sflag:$0x2] =	stream.indirect_vreg.gather [hbm4b:s1+s3], $0x80, v4, vm0, $0xb8;
	[tilespmem:$0x11100] =	vst v63  }
0x372: {  	s2 =	simm.s32 $0x9080  }
0x373: {  	[tilespmem:s2], [sflag:$0x2] =	stream.indirect_vreg.gather [hbm4b:s1+s3], $0x80, v3, vm0, $0xb8;
	[tilespmem:$0x11100] =	vst v63  }
0x374: {  	v3 =	vld [tilespmem:$0x490];
	_ =	sdelay $0x4  }
0x375: {  	v57 =	vshll.u32 v3, $0x1  }
0x376: {  	v3 =	vand.u32 $0x7, v3;
	v4 =	vand.u32 $0xFFFFFFF0, v57  }
0x377: {  	v3 =	vor.u32 v3, v4  }
0x378: {  	v4 =	vperm.xlane v3, v0;
	_ =	sdelay $0x1  }
0x379: {  	v3 =	vperm.xlane v3, v2;
	v4 =	vadd.s32 v1, v4;
	_ =	sdelay $0x1  }
0x37a: {  	v3 =	vadd.s32 v1, v3;
	_ =	sdelay $0x1  }
0x37b: {  	s2 =	simm.s32 $0x9880  }
0x37c: {  	[tilespmem:s2], [sflag:$0x2] =	stream.indirect_vreg.gather [hbm4b:s1+s3], $0x80, v4, vm0, $0xb8;
	[tilespmem:$0x11100] =	vst v63  }
0x37d: {  	s2 =	simm.s32 $0xA080  }
0x37e: {  	[tilespmem:s2], [sflag:$0x2] =	stream.indirect_vreg.gather [hbm4b:s1+s3], $0x80, v3, vm0, $0xb8;
	[tilespmem:$0x11100] =	vst v63  }
0x37f: {  	v3 =	vld [tilespmem:$0x4A0];
	_ =	sdelay $0x4  }
0x380: {  	v58 =	vshll.u32 v3, $0x1  }
0x381: {  	v3 =	vand.u32 $0x7, v3;
	v4 =	vand.u32 $0xFFFFFFF0, v58  }
0x382: {  	v3 =	vor.u32 v3, v4  }
0x383: {  	v4 =	vperm.xlane v3, v0;
	_ =	sdelay $0x1  }
0x384: {  	v3 =	vperm.xlane v3, v2;
	v4 =	vadd.s32 v1, v4;
	_ =	sdelay $0x1  }
0x385: {  	v3 =	vadd.s32 v1, v3;
	_ =	sdelay $0x1  }
0x386: {  	s28 =	simm.s32 $0xA880  }
0x387: {  	[tilespmem:s28], [sflag:$0x2] =	stream.indirect_vreg.gather [hbm4b:s1+s3], $0x80, v4, vm0, $0xb8;
	[tilespmem:$0x11100] =	vst v63  }
0x388: {  	s11 =	simm.s32 $0xB080  }
0x389: {  	[tilespmem:s11], [sflag:$0x2] =	stream.indirect_vreg.gather [hbm4b:s1+s3], $0x80, v3, vm0, $0xb8;
	[tilespmem:$0x11100] =	vst v63  }
0x38a: {  	v3 =	vld [tilespmem:$0x4B0];
	_ =	sdelay $0x4  }
0x38b: {  	v59 =	vshll.u32 v3, $0x1  }
0x38c: {  	v3 =	vand.u32 $0x7, v3;
	v4 =	vand.u32 $0xFFFFFFF0, v59  }
0x38d: {  	v3 =	vor.u32 v3, v4  }
0x38e: {  	v4 =	vperm.xlane v3, v0;
	_ =	sdelay $0x1  }
0x38f: {  	v3 =	vperm.xlane v3, v2;
	v4 =	vadd.s32 v1, v4;
	_ =	sdelay $0x1  }
0x390: {  	v3 =	vadd.s32 v1, v3;
	_ =	sdelay $0x1  }
0x391: {  	s2 =	simm.s32 $0xB880  }
0x392: {  	[tilespmem:s2], [sflag:$0x2] =	stream.indirect_vreg.gather [hbm4b:s1+s3], $0x80, v4, vm0, $0xb8;
	[tilespmem:$0x11100] =	vst v63  }
0x393: {  	s10 =	simm.s32 $0xC080  }
0x394: {  	[tilespmem:s10], [sflag:$0x2] =	stream.indirect_vreg.gather [hbm4b:s1+s3], $0x80, v3, vm0, $0xb8;
	[tilespmem:$0x11100] =	vst v63  }
0x395: {  	v3 =	vld [tilespmem:$0x4C0];
	_ =	sdelay $0x4  }
0x396: {  	v60 =	vshll.u32 v3, $0x1  }
0x397: {  	v3 =	vand.u32 $0x7, v3;
	v4 =	vand.u32 $0xFFFFFFF0, v60  }
0x398: {  	v3 =	vor.u32 v3, v4  }
0x399: {  	v4 =	vperm.xlane v3, v0;
	_ =	sdelay $0x1  }
0x39a: {  	v3 =	vperm.xlane v3, v2;
	v4 =	vadd.s32 v1, v4;
	_ =	sdelay $0x1  }
0x39b: {  	v3 =	vadd.s32 v1, v3;
	_ =	sdelay $0x1  }
0x39c: {  	s21 =	simm.s32 $0xC880  }
0x39d: {  	[tilespmem:s21], [sflag:$0x2] =	stream.indirect_vreg.gather [hbm4b:s1+s3], $0x80, v4, vm0, $0xb8;
	[tilespmem:$0x11100] =	vst v63  }
0x39e: {  	s7 =	simm.s32 $0xD080  }
0x39f: {  	[tilespmem:s7], [sflag:$0x2] =	stream.indirect_vreg.gather [hbm4b:s1+s3], $0x80, v3, vm0, $0xb8;
	[tilespmem:$0x11100] =	vst v63  }
0x3a0: {  	v3 =	vld [tilespmem:$0x4D0];
	_ =	sdelay $0x4  }
0x3a1: {  	v61 =	vshll.u32 v3, $0x1  }
0x3a2: {  	v3 =	vand.u32 $0x7, v3;
	v4 =	vand.u32 $0xFFFFFFF0, v61  }
0x3a3: {  	v3 =	vor.u32 v3, v4  }
0x3a4: {  	v4 =	vperm.xlane v3, v0;
	_ =	sdelay $0x1  }
0x3a5: {  	v3 =	vperm.xlane v3, v2;
	v4 =	vadd.s32 v1, v4;
	_ =	sdelay $0x1  }
0x3a6: {  	v3 =	vadd.s32 v1, v3;
	_ =	sdelay $0x1  }
0x3a7: {  	s25 =	simm.s32 $0xD880  }
0x3a8: {  	[tilespmem:s25], [sflag:$0x2] =	stream.indirect_vreg.gather [hbm4b:s1+s3], $0x80, v4, vm0, $0xb8;
	[tilespmem:$0x11100] =	vst v63  }
0x3a9: {  	s9 =	simm.s32 $0xE080  }
0x3aa: {  	[tilespmem:s9], [sflag:$0x2] =	stream.indirect_vreg.gather [hbm4b:s1+s3], $0x80, v3, vm0, $0xb8;
	[tilespmem:$0x11100] =	vst v63  }
0x3ab: {  	v3 =	vld [tilespmem:$0x4E0];
	_ =	sdelay $0x4  }
0x3ac: {  	v62 =	vshll.u32 v3, $0x1  }
0x3ad: {  	v3 =	vand.u32 $0x7, v3;
	v4 =	vand.u32 $0xFFFFFFF0, v62  }
0x3ae: {  	v3 =	vor.u32 v3, v4  }
0x3af: {  	v4 =	vperm.xlane v3, v0;
	_ =	sdelay $0x1  }
0x3b0: {  	v3 =	vperm.xlane v3, v2;
	v4 =	vadd.s32 v1, v4;
	_ =	sdelay $0x1  }
0x3b1: {  	v3 =	vadd.s32 v1, v3;
	_ =	sdelay $0x1  }
0x3b2: {  	s30 =	simm.s32 $0xE880  }
0x3b3: {  	[tilespmem:s30], [sflag:$0x2] =	stream.indirect_vreg.gather [hbm4b:s1+s3], $0x80, v4, vm0, $0xb8;
	[tilespmem:$0x11100] =	vst v63  }
0x3b4: {  	s29 =	simm.s32 $0xF080  }
0x3b5: {  	[tilespmem:s29], [sflag:$0x2] =	stream.indirect_vreg.gather [hbm4b:s1+s3], $0x80, v3, vm0, $0xb8;
	[tilespmem:$0x11100] =	vst v63  }
0x3b6: {  	v3 =	vld [tilespmem:$0x4F0];
	_ =	sdelay $0x4  }
0x3b7: {  	v63 =	vshll.u32 v3, $0x1  }
0x3b8: {  	v3 =	vand.u32 $0x7, v3;
	v4 =	vand.u32 $0xFFFFFFF0, v63  }
0x3b9: {  	v3 =	vor.u32 v3, v4  }
0x3ba: {  	v4 =	vperm.xlane v3, v0;
	_ =	sdelay $0x1  }
0x3bb: {  	v3 =	vperm.xlane v3, v2;
	v4 =	vadd.s32 v1, v4;
	_ =	sdelay $0x1  }
0x3bc: {  	v3 =	vadd.s32 v1, v3;
	_ =	sdelay $0x1  }
0x3bd: {  	s2 =	simm.s32 $0xF880  }
0x3be: {  	[tilespmem:s2], [sflag:$0x2] =	stream.indirect_vreg.gather [hbm4b:s1+s3], $0x80, v4, vm0, $0xb8;
	[tilespmem:$0x11100] =	vst v63  }
0x3bf: {  	s0 =	simm.s32 $0x10080  }
0x3c0: {  	[tilespmem:s0], [sflag:$0x2] =	stream.indirect_vreg.gather [hbm4b:s1+s3], $0x80, v3, vm0, $0xb8;
	[tilespmem:$0x11100] =	vst v63  }
0x3c1: {  	s2 =	rddreg [dreg:$0xd]  }
0x3c2: {  	[hbm4b:s2+s3] =	stream.linear.scatter [tilespmem:s6], [sflag:$0x3], $0x8000, $0x38;
	[tilespmem:$0x11100] =	vst v63  }
0x3c3: {  	_ =	swait.ge [sflag:s5], $0x8000  }
0x3c4: {  	[sflag:s5] =	ssyncset.done $0x0  }
0x3c5: {  	[sflag:s5] =	ssyncadd.s32 $0xFFFF8000  }
0x3c6: {  	_ =	swait.ge [sflag:s31], $0x8000  }
0x3c7: {  	[sflag:s31] =	ssyncset.done $0x0  }
0x3c8: {  	[sflag:s31] =	ssyncadd.s32 $0xFFFF8000  }
0x3c9: {  	v3 =	vld [tilespmem:$0x500];
	_ =	sdelay $0x4  }
0x3ca: {  	v8 =	vshll.u32 v3, $0x1  }
0x3cb: {  	v3 =	vand.u32 $0x7, v3;
	v4 =	vand.u32 $0xFFFFFFF0, v8  }
0x3cc: {  	v3 =	vor.u32 v3, v4  }
0x3cd: {  	v4 =	vperm.xlane v3, v0;
	_ =	sdelay $0x1  }
0x3ce: {  	v3 =	vperm.xlane v3, v2;
	v4 =	vadd.s32 v1, v4;
	_ =	sdelay $0x1  }
0x3cf: {  	v3 =	vadd.s32 v1, v3;
	_ =	sdelay $0x2  }
0x3d0: {  	[tilespmem:s6], [sflag:$0x1] =	stream.indirect_vreg.gather [hbm4b:s1+s3], $0x80, v4, vm0, $0xb8;
	[tilespmem:$0x11100] =	vst v63  }
0x3d1: {  	s23 =	simm.s32 $0x1080  }
0x3d2: {  	[tilespmem:s23], [sflag:$0x1] =	stream.indirect_vreg.gather [hbm4b:s1+s3], $0x80, v3, vm0, $0xb8;
	[tilespmem:$0x11100] =	vst v63  }
0x3d3: {  	v3 =	vld [tilespmem:$0x510];
	_ =	sdelay $0x4  }
0x3d4: {  	v9 =	vshll.u32 v3, $0x1  }
0x3d5: {  	v3 =	vand.u32 $0x7, v3;
	v4 =	vand.u32 $0xFFFFFFF0, v9  }
0x3d6: {  	v3 =	vor.u32 v3, v4  }
0x3d7: {  	v4 =	vperm.xlane v3, v0;
	_ =	sdelay $0x1  }
0x3d8: {  	v3 =	vperm.xlane v3, v2;
	v4 =	vadd.s32 v1, v4;
	_ =	sdelay $0x1  }
0x3d9: {  	v3 =	vadd.s32 v1, v3;
	_ =	sdelay $0x1  }
0x3da: {  	s4 =	simm.s32 $0x1880  }
0x3db: {  	[tilespmem:s4], [sflag:$0x1] =	stream.indirect_vreg.gather [hbm4b:s1+s3], $0x80, v4, vm0, $0xb8;
	[tilespmem:$0x11100] =	vst v63  }
0x3dc: {  	s24 =	simm.s32 $0x2080  }
0x3dd: {  	[tilespmem:s24], [sflag:$0x1] =	stream.indirect_vreg.gather [hbm4b:s1+s3], $0x80, v3, vm0, $0xb8;
	[tilespmem:$0x11100] =	vst v63  }
0x3de: {  	v3 =	vld [tilespmem:$0x520];
	_ =	sdelay $0x4  }
0x3df: {  	v10 =	vshll.u32 v3, $0x1  }
0x3e0: {  	v3 =	vand.u32 $0x7, v3;
	v4 =	vand.u32 $0xFFFFFFF0, v10  }
0x3e1: {  	v3 =	vor.u32 v3, v4  }
0x3e2: {  	v4 =	vperm.xlane v3, v0;
	_ =	sdelay $0x1  }
0x3e3: {  	v3 =	vperm.xlane v3, v2;
	v4 =	vadd.s32 v1, v4;
	_ =	sdelay $0x1  }
0x3e4: {  	v3 =	vadd.s32 v1, v3;
	_ =	sdelay $0x1  }
0x3e5: {  	s8 =	simm.s32 $0x2880  }
0x3e6: {  	[tilespmem:s8], [sflag:$0x1] =	stream.indirect_vreg.gather [hbm4b:s1+s3], $0x80, v4, vm0, $0xb8;
	[tilespmem:$0x11100] =	vst v63  }
0x3e7: {  	s26 =	simm.s32 $0x3080  }
0x3e8: {  	[tilespmem:s26], [sflag:$0x1] =	stream.indirect_vreg.gather [hbm4b:s1+s3], $0x80, v3, vm0, $0xb8;
	[tilespmem:$0x11100] =	vst v63  }
0x3e9: {  	v3 =	vld [tilespmem:$0x530];
	_ =	sdelay $0x4  }
0x3ea: {  	v11 =	vshll.u32 v3, $0x1  }
0x3eb: {  	v3 =	vand.u32 $0x7, v3;
	v4 =	vand.u32 $0xFFFFFFF0, v11  }
0x3ec: {  	v3 =	vor.u32 v3, v4  }
0x3ed: {  	v4 =	vperm.xlane v3, v0;
	_ =	sdelay $0x1  }
0x3ee: {  	v3 =	vperm.xlane v3, v2;
	v4 =	vadd.s32 v1, v4;
	_ =	sdelay $0x1  }
0x3ef: {  	v3 =	vadd.s32 v1, v3;
	_ =	sdelay $0x1  }
0x3f0: {  	s16 =	simm.s32 $0x3880  }
0x3f1: {  	[tilespmem:s16], [sflag:$0x1] =	stream.indirect_vreg.gather [hbm4b:s1+s3], $0x80, v4, vm0, $0xb8;
	[tilespmem:$0x11100] =	vst v63  }
0x3f2: {  	s0 =	simm.s32 $0x4080  }
0x3f3: {  	[tilespmem:s0], [sflag:$0x1] =	stream.indirect_vreg.gather [hbm4b:s1+s3], $0x80, v3, vm0, $0xb8;
	[tilespmem:$0x11100] =	vst v63  }
0x3f4: {  	v3 =	vld [tilespmem:$0x540];
	_ =	sdelay $0x4  }
0x3f5: {  	v12 =	vshll.u32 v3, $0x1  }
0x3f6: {  	v3 =	vand.u32 $0x7, v3;
	v4 =	vand.u32 $0xFFFFFFF0, v12  }
0x3f7: {  	v3 =	vor.u32 v3, v4  }
0x3f8: {  	v4 =	vperm.xlane v3, v0;
	_ =	sdelay $0x1  }
0x3f9: {  	v3 =	vperm.xlane v3, v2;
	v4 =	vadd.s32 v1, v4;
	_ =	sdelay $0x1  }
0x3fa: {  	v3 =	vadd.s32 v1, v3;
	_ =	sdelay $0x1  }
0x3fb: {  	s13 =	simm.s32 $0x4880  }
0x3fc: {  	[tilespmem:s13], [sflag:$0x1] =	stream.indirect_vreg.gather [hbm4b:s1+s3], $0x80, v4, vm0, $0xb8;
	[tilespmem:$0x11100] =	vst v63  }
0x3fd: {  	s0 =	simm.s32 $0x5080  }
0x3fe: {  	[tilespmem:s0], [sflag:$0x1] =	stream.indirect_vreg.gather [hbm4b:s1+s3], $0x80, v3, vm0, $0xb8;
	[tilespmem:$0x11100] =	vst v63  }
0x3ff: {  	v3 =	vld [tilespmem:$0x550];
	_ =	sdelay $0x4  }
0x400: {  	v13 =	vshll.u32 v3, $0x1  }
0x401: {  	v3 =	vand.u32 $0x7, v3;
	v4 =	vand.u32 $0xFFFFFFF0, v13  }
0x402: {  	v3 =	vor.u32 v3, v4  }
0x403: {  	v4 =	vperm.xlane v3, v0;
	_ =	sdelay $0x1  }
0x404: {  	v3 =	vperm.xlane v3, v2;
	v4 =	vadd.s32 v1, v4;
	_ =	sdelay $0x1  }
0x405: {  	v3 =	vadd.s32 v1, v3;
	_ =	sdelay $0x1  }
0x406: {  	s14 =	simm.s32 $0x5880  }
0x407: {  	[tilespmem:s14], [sflag:$0x1] =	stream.indirect_vreg.gather [hbm4b:s1+s3], $0x80, v4, vm0, $0xb8;
	[tilespmem:$0x11100] =	vst v63  }
0x408: {  	s19 =	simm.s32 $0x6080  }
0x409: {  	[tilespmem:s19], [sflag:$0x1] =	stream.indirect_vreg.gather [hbm4b:s1+s3], $0x80, v3, vm0, $0xb8;
	[tilespmem:$0x11100] =	vst v63  }
0x40a: {  	v3 =	vld [tilespmem:$0x560];
	_ =	sdelay $0x4  }
0x40b: {  	v14 =	vshll.u32 v3, $0x1  }
0x40c: {  	v3 =	vand.u32 $0x7, v3;
	v4 =	vand.u32 $0xFFFFFFF0, v14  }
0x40d: {  	v3 =	vor.u32 v3, v4  }
0x40e: {  	v4 =	vperm.xlane v3, v0;
	_ =	sdelay $0x1  }
0x40f: {  	v3 =	vperm.xlane v3, v2;
	v4 =	vadd.s32 v1, v4;
	_ =	sdelay $0x1  }
0x410: {  	v3 =	vadd.s32 v1, v3;
	_ =	sdelay $0x1  }
0x411: {  	s15 =	simm.s32 $0x6880  }
0x412: {  	[tilespmem:s15], [sflag:$0x1] =	stream.indirect_vreg.gather [hbm4b:s1+s3], $0x80, v4, vm0, $0xb8;
	[tilespmem:$0x11100] =	vst v63  }
0x413: {  	s20 =	simm.s32 $0x7080  }
0x414: {  	[tilespmem:s20], [sflag:$0x1] =	stream.indirect_vreg.gather [hbm4b:s1+s3], $0x80, v3, vm0, $0xb8;
	[tilespmem:$0x11100] =	vst v63  }
0x415: {  	v3 =	vld [tilespmem:$0x570];
	_ =	sdelay $0x4  }
0x416: {  	v15 =	vshll.u32 v3, $0x1  }
0x417: {  	v3 =	vand.u32 $0x7, v3;
	v4 =	vand.u32 $0xFFFFFFF0, v15  }
0x418: {  	v3 =	vor.u32 v3, v4  }
0x419: {  	v4 =	vperm.xlane v3, v0;
	_ =	sdelay $0x1  }
0x41a: {  	v3 =	vperm.xlane v3, v2;
	v4 =	vadd.s32 v1, v4;
	_ =	sdelay $0x1  }
0x41b: {  	v3 =	vadd.s32 v1, v3;
	_ =	sdelay $0x1  }
0x41c: {  	s17 =	simm.s32 $0x7880  }
0x41d: {  	[tilespmem:s17], [sflag:$0x1] =	stream.indirect_vreg.gather [hbm4b:s1+s3], $0x80, v4, vm0, $0xb8;
	[tilespmem:$0x11100] =	vst v63  }
0x41e: {  	s18 =	simm.s32 $0x8080  }
0x41f: {  	[tilespmem:s18], [sflag:$0x1] =	stream.indirect_vreg.gather [hbm4b:s1+s3], $0x80, v3, vm0, $0xb8;
	[tilespmem:$0x11100] =	vst v63  }
0x420: {  	s0 =	rddreg [dreg:$0xe]  }
0x421: {  	[hbm4b:s0+s3] =	stream.linear.scatter [tilespmem:s12], [sflag:$0x3], $0x8000, $0x38;
	[tilespmem:$0x11100] =	vst v63  }
0x422: {  	_ =	swait.ge [sflag:s5], $0x8000  }
0x423: {  	[sflag:s5] =	ssyncset.done $0x0  }
0x424: {  	[sflag:s5] =	ssyncadd.s32 $0xFFFF8000  }
0x425: {  	_ =	swait.ge [sflag:s22], $0x8000  }
0x426: {  	[sflag:s22] =	ssyncset.done $0x0  }
0x427: {  	[sflag:s22] =	ssyncadd.s32 $0xFFFF8000  }
0x428: {  	v3 =	vld [tilespmem:$0x580];
	_ =	sdelay $0x4  }
0x429: {  	v16 =	vshll.u32 v3, $0x1  }
0x42a: {  	v3 =	vand.u32 $0x7, v3;
	v4 =	vand.u32 $0xFFFFFFF0, v16  }
0x42b: {  	v3 =	vor.u32 v3, v4  }
0x42c: {  	v4 =	vperm.xlane v3, v0;
	_ =	sdelay $0x1  }
0x42d: {  	v3 =	vperm.xlane v3, v2;
	v4 =	vadd.s32 v1, v4;
	_ =	sdelay $0x1  }
0x42e: {  	v3 =	vadd.s32 v1, v3;
	_ =	sdelay $0x2  }
0x42f: {  	[tilespmem:s12], [sflag:$0x2] =	stream.indirect_vreg.gather [hbm4b:s1+s3], $0x80, v4, vm0, $0xb8;
	[tilespmem:$0x11100] =	vst v63  }
0x430: {  	s2 =	simm.s32 $0x9080  }
0x431: {  	[tilespmem:s2], [sflag:$0x2] =	stream.indirect_vreg.gather [hbm4b:s1+s3], $0x80, v3, vm0, $0xb8;
	[tilespmem:$0x11100] =	vst v63  }
0x432: {  	v3 =	vld [tilespmem:$0x590];
	_ =	sdelay $0x4  }
0x433: {  	v17 =	vshll.u32 v3, $0x1  }
0x434: {  	v3 =	vand.u32 $0x7, v3;
	v4 =	vand.u32 $0xFFFFFFF0, v17  }
0x435: {  	v3 =	vor.u32 v3, v4  }
0x436: {  	v4 =	vperm.xlane v3, v0;
	_ =	sdelay $0x1  }
0x437: {  	v3 =	vperm.xlane v3, v2;
	v4 =	vadd.s32 v1, v4;
	_ =	sdelay $0x1  }
0x438: {  	v3 =	vadd.s32 v1, v3;
	_ =	sdelay $0x1  }
0x439: {  	s2 =	simm.s32 $0x9880  }
0x43a: {  	[tilespmem:s2], [sflag:$0x2] =	stream.indirect_vreg.gather [hbm4b:s1+s3], $0x80, v4, vm0, $0xb8;
	[tilespmem:$0x11100] =	vst v63  }
0x43b: {  	s2 =	simm.s32 $0xA080  }
0x43c: {  	[tilespmem:s2], [sflag:$0x2] =	stream.indirect_vreg.gather [hbm4b:s1+s3], $0x80, v3, vm0, $0xb8;
	[tilespmem:$0x11100] =	vst v63  }
0x43d: {  	v3 =	vld [tilespmem:$0x5A0];
	_ =	sdelay $0x4  }
0x43e: {  	v18 =	vshll.u32 v3, $0x1  }
0x43f: {  	v3 =	vand.u32 $0x7, v3;
	v4 =	vand.u32 $0xFFFFFFF0, v18  }
0x440: {  	v3 =	vor.u32 v3, v4  }
0x441: {  	v4 =	vperm.xlane v3, v0;
	_ =	sdelay $0x1  }
0x442: {  	v3 =	vperm.xlane v3, v2;
	v4 =	vadd.s32 v1, v4;
	_ =	sdelay $0x1  }
0x443: {  	v3 =	vadd.s32 v1, v3;
	_ =	sdelay $0x1  }
0x444: {  	s28 =	simm.s32 $0xA880  }
0x445: {  	[tilespmem:s28], [sflag:$0x2] =	stream.indirect_vreg.gather [hbm4b:s1+s3], $0x80, v4, vm0, $0xb8;
	[tilespmem:$0x11100] =	vst v63  }
0x446: {  	s11 =	simm.s32 $0xB080  }
0x447: {  	[tilespmem:s11], [sflag:$0x2] =	stream.indirect_vreg.gather [hbm4b:s1+s3], $0x80, v3, vm0, $0xb8;
	[tilespmem:$0x11100] =	vst v63  }
0x448: {  	v3 =	vld [tilespmem:$0x5B0];
	_ =	sdelay $0x4  }
0x449: {  	v19 =	vshll.u32 v3, $0x1  }
0x44a: {  	v3 =	vand.u32 $0x7, v3;
	v4 =	vand.u32 $0xFFFFFFF0, v19  }
0x44b: {  	v3 =	vor.u32 v3, v4  }
0x44c: {  	v4 =	vperm.xlane v3, v0;
	_ =	sdelay $0x1  }
0x44d: {  	v3 =	vperm.xlane v3, v2;
	v4 =	vadd.s32 v1, v4;
	_ =	sdelay $0x1  }
0x44e: {  	v3 =	vadd.s32 v1, v3;
	_ =	sdelay $0x1  }
0x44f: {  	s2 =	simm.s32 $0xB880  }
0x450: {  	[tilespmem:s2], [sflag:$0x2] =	stream.indirect_vreg.gather [hbm4b:s1+s3], $0x80, v4, vm0, $0xb8;
	[tilespmem:$0x11100] =	vst v63  }
0x451: {  	s10 =	simm.s32 $0xC080  }
0x452: {  	[tilespmem:s10], [sflag:$0x2] =	stream.indirect_vreg.gather [hbm4b:s1+s3], $0x80, v3, vm0, $0xb8;
	[tilespmem:$0x11100] =	vst v63  }
0x453: {  	v3 =	vld [tilespmem:$0x5C0];
	_ =	sdelay $0x4  }
0x454: {  	v20 =	vshll.u32 v3, $0x1  }
0x455: {  	v3 =	vand.u32 $0x7, v3;
	v4 =	vand.u32 $0xFFFFFFF0, v20  }
0x456: {  	v3 =	vor.u32 v3, v4  }
0x457: {  	v4 =	vperm.xlane v3, v0;
	_ =	sdelay $0x1  }
0x458: {  	v3 =	vperm.xlane v3, v2;
	v4 =	vadd.s32 v1, v4;
	_ =	sdelay $0x1  }
0x459: {  	v3 =	vadd.s32 v1, v3;
	_ =	sdelay $0x1  }
0x45a: {  	s21 =	simm.s32 $0xC880  }
0x45b: {  	[tilespmem:s21], [sflag:$0x2] =	stream.indirect_vreg.gather [hbm4b:s1+s3], $0x80, v4, vm0, $0xb8;
	[tilespmem:$0x11100] =	vst v63  }
0x45c: {  	s7 =	simm.s32 $0xD080  }
0x45d: {  	[tilespmem:s7], [sflag:$0x2] =	stream.indirect_vreg.gather [hbm4b:s1+s3], $0x80, v3, vm0, $0xb8;
	[tilespmem:$0x11100] =	vst v63  }
0x45e: {  	v3 =	vld [tilespmem:$0x5D0];
	_ =	sdelay $0x4  }
0x45f: {  	v21 =	vshll.u32 v3, $0x1  }
0x460: {  	v3 =	vand.u32 $0x7, v3;
	v4 =	vand.u32 $0xFFFFFFF0, v21  }
0x461: {  	v3 =	vor.u32 v3, v4  }
0x462: {  	v4 =	vperm.xlane v3, v0;
	_ =	sdelay $0x1  }
0x463: {  	v3 =	vperm.xlane v3, v2;
	v4 =	vadd.s32 v1, v4;
	_ =	sdelay $0x1  }
0x464: {  	v3 =	vadd.s32 v1, v3;
	_ =	sdelay $0x1  }
0x465: {  	s25 =	simm.s32 $0xD880  }
0x466: {  	[tilespmem:s25], [sflag:$0x2] =	stream.indirect_vreg.gather [hbm4b:s1+s3], $0x80, v4, vm0, $0xb8;
	[tilespmem:$0x11100] =	vst v63  }
0x467: {  	s9 =	simm.s32 $0xE080  }
0x468: {  	[tilespmem:s9], [sflag:$0x2] =	stream.indirect_vreg.gather [hbm4b:s1+s3], $0x80, v3, vm0, $0xb8;
	[tilespmem:$0x11100] =	vst v63  }
0x469: {  	v3 =	vld [tilespmem:$0x5E0];
	_ =	sdelay $0x4  }
0x46a: {  	v22 =	vshll.u32 v3, $0x1  }
0x46b: {  	v3 =	vand.u32 $0x7, v3;
	v4 =	vand.u32 $0xFFFFFFF0, v22  }
0x46c: {  	v3 =	vor.u32 v3, v4  }
0x46d: {  	v4 =	vperm.xlane v3, v0;
	_ =	sdelay $0x1  }
0x46e: {  	v3 =	vperm.xlane v3, v2;
	v4 =	vadd.s32 v1, v4;
	_ =	sdelay $0x1  }
0x46f: {  	v3 =	vadd.s32 v1, v3;
	_ =	sdelay $0x1  }
0x470: {  	s30 =	simm.s32 $0xE880  }
0x471: {  	[tilespmem:s30], [sflag:$0x2] =	stream.indirect_vreg.gather [hbm4b:s1+s3], $0x80, v4, vm0, $0xb8;
	[tilespmem:$0x11100] =	vst v63  }
0x472: {  	s29 =	simm.s32 $0xF080  }
0x473: {  	[tilespmem:s29], [sflag:$0x2] =	stream.indirect_vreg.gather [hbm4b:s1+s3], $0x80, v3, vm0, $0xb8;
	[tilespmem:$0x11100] =	vst v63  }
0x474: {  	v3 =	vld [tilespmem:$0x5F0];
	_ =	sdelay $0x4  }
0x475: {  	v23 =	vshll.u32 v3, $0x1  }
0x476: {  	v3 =	vand.u32 $0x7, v3;
	v4 =	vand.u32 $0xFFFFFFF0, v23  }
0x477: {  	v3 =	vor.u32 v3, v4  }
0x478: {  	v4 =	vperm.xlane v3, v0;
	_ =	sdelay $0x1  }
0x479: {  	v3 =	vperm.xlane v3, v2;
	v4 =	vadd.s32 v1, v4;
	_ =	sdelay $0x1  }
0x47a: {  	v3 =	vadd.s32 v1, v3;
	_ =	sdelay $0x1  }
0x47b: {  	s2 =	simm.s32 $0xF880  }
0x47c: {  	[tilespmem:s2], [sflag:$0x2] =	stream.indirect_vreg.gather [hbm4b:s1+s3], $0x80, v4, vm0, $0xb8;
	[tilespmem:$0x11100] =	vst v63  }
0x47d: {  	s30 =	simm.s32 $0x10080  }
0x47e: {  	[tilespmem:s30], [sflag:$0x2] =	stream.indirect_vreg.gather [hbm4b:s1+s3], $0x80, v3, vm0, $0xb8;
	[tilespmem:$0x11100] =	vst v63  }
0x47f: {  	s2 =	rddreg [dreg:$0xf]  }
0x480: {  	[hbm4b:s2+s3] =	stream.linear.scatter [tilespmem:s6], [sflag:$0x3], $0x8000, $0x38;
	[tilespmem:$0x11100] =	vst v63  }
0x481: {  	_ =	swait.ge [sflag:s5], $0x8000  }
0x482: {  	[sflag:s5] =	ssyncset.done $0x0  }
0x483: {  	[sflag:s5] =	ssyncadd.s32 $0xFFFF8000  }
0x484: {  	_ =	swait.ge [sflag:s31], $0x8000  }
0x485: {  	[sflag:s31] =	ssyncset.done $0x0  }
0x486: {  	[sflag:s31] =	ssyncadd.s32 $0xFFFF8000  }
0x487: {  	v3 =	vld [tilespmem:$0x600];
	_ =	sdelay $0x4  }
0x488: {  	v24 =	vshll.u32 v3, $0x1  }
0x489: {  	v3 =	vand.u32 $0x7, v3;
	v4 =	vand.u32 $0xFFFFFFF0, v24  }
0x48a: {  	v3 =	vor.u32 v3, v4  }
0x48b: {  	v4 =	vperm.xlane v3, v0;
	_ =	sdelay $0x1  }
0x48c: {  	v3 =	vperm.xlane v3, v2;
	v4 =	vadd.s32 v1, v4;
	_ =	sdelay $0x1  }
0x48d: {  	v3 =	vadd.s32 v1, v3;
	_ =	sdelay $0x2  }
0x48e: {  	[tilespmem:s6], [sflag:$0x1] =	stream.indirect_vreg.gather [hbm4b:s1+s3], $0x80, v4, vm0, $0xb8;
	[tilespmem:$0x11100] =	vst v63  }
0x48f: {  	s23 =	simm.s32 $0x1080  }
0x490: {  	[tilespmem:s23], [sflag:$0x1] =	stream.indirect_vreg.gather [hbm4b:s1+s3], $0x80, v3, vm0, $0xb8;
	[tilespmem:$0x11100] =	vst v63  }
0x491: {  	v3 =	vld [tilespmem:$0x610];
	_ =	sdelay $0x4  }
0x492: {  	v25 =	vshll.u32 v3, $0x1  }
0x493: {  	v3 =	vand.u32 $0x7, v3;
	v4 =	vand.u32 $0xFFFFFFF0, v25  }
0x494: {  	v3 =	vor.u32 v3, v4  }
0x495: {  	v4 =	vperm.xlane v3, v0;
	_ =	sdelay $0x1  }
0x496: {  	v3 =	vperm.xlane v3, v2;
	v4 =	vadd.s32 v1, v4;
	_ =	sdelay $0x1  }
0x497: {  	v3 =	vadd.s32 v1, v3;
	_ =	sdelay $0x1  }
0x498: {  	s4 =	simm.s32 $0x1880  }
0x499: {  	[tilespmem:s4], [sflag:$0x1] =	stream.indirect_vreg.gather [hbm4b:s1+s3], $0x80, v4, vm0, $0xb8;
	[tilespmem:$0x11100] =	vst v63  }
0x49a: {  	s24 =	simm.s32 $0x2080  }
0x49b: {  	[tilespmem:s24], [sflag:$0x1] =	stream.indirect_vreg.gather [hbm4b:s1+s3], $0x80, v3, vm0, $0xb8;
	[tilespmem:$0x11100] =	vst v63  }
0x49c: {  	v3 =	vld [tilespmem:$0x620];
	_ =	sdelay $0x4  }
0x49d: {  	v26 =	vshll.u32 v3, $0x1  }
0x49e: {  	v3 =	vand.u32 $0x7, v3;
	v4 =	vand.u32 $0xFFFFFFF0, v26  }
0x49f: {  	v3 =	vor.u32 v3, v4  }
0x4a0: {  	v4 =	vperm.xlane v3, v0;
	_ =	sdelay $0x1  }
0x4a1: {  	v3 =	vperm.xlane v3, v2;
	v4 =	vadd.s32 v1, v4;
	_ =	sdelay $0x1  }
0x4a2: {  	v3 =	vadd.s32 v1, v3;
	_ =	sdelay $0x1  }
0x4a3: {  	s8 =	simm.s32 $0x2880  }
0x4a4: {  	[tilespmem:s8], [sflag:$0x1] =	stream.indirect_vreg.gather [hbm4b:s1+s3], $0x80, v4, vm0, $0xb8;
	[tilespmem:$0x11100] =	vst v63  }
0x4a5: {  	s26 =	simm.s32 $0x3080  }
0x4a6: {  	[tilespmem:s26], [sflag:$0x1] =	stream.indirect_vreg.gather [hbm4b:s1+s3], $0x80, v3, vm0, $0xb8;
	[tilespmem:$0x11100] =	vst v63  }
0x4a7: {  	v3 =	vld [tilespmem:$0x630];
	_ =	sdelay $0x4  }
0x4a8: {  	v27 =	vshll.u32 v3, $0x1  }
0x4a9: {  	v3 =	vand.u32 $0x7, v3;
	v4 =	vand.u32 $0xFFFFFFF0, v27  }
0x4aa: {  	v3 =	vor.u32 v3, v4  }
0x4ab: {  	v4 =	vperm.xlane v3, v0;
	_ =	sdelay $0x1  }
0x4ac: {  	v3 =	vperm.xlane v3, v2;
	v4 =	vadd.s32 v1, v4;
	_ =	sdelay $0x1  }
0x4ad: {  	v3 =	vadd.s32 v1, v3;
	_ =	sdelay $0x1  }
0x4ae: {  	s16 =	simm.s32 $0x3880  }
0x4af: {  	[tilespmem:s16], [sflag:$0x1] =	stream.indirect_vreg.gather [hbm4b:s1+s3], $0x80, v4, vm0, $0xb8;
	[tilespmem:$0x11100] =	vst v63  }
0x4b0: {  	s26 =	simm.s32 $0x4080  }
0x4b1: {  	[tilespmem:s26], [sflag:$0x1] =	stream.indirect_vreg.gather [hbm4b:s1+s3], $0x80, v3, vm0, $0xb8;
	[tilespmem:$0x11100] =	vst v63  }
0x4b2: {  	v3 =	vld [tilespmem:$0x640];
	_ =	sdelay $0x4  }
0x4b3: {  	v28 =	vshll.u32 v3, $0x1  }
0x4b4: {  	v3 =	vand.u32 $0x7, v3;
	v4 =	vand.u32 $0xFFFFFFF0, v28  }
0x4b5: {  	v3 =	vor.u32 v3, v4  }
0x4b6: {  	v4 =	vperm.xlane v3, v0;
	_ =	sdelay $0x1  }
0x4b7: {  	v3 =	vperm.xlane v3, v2;
	v4 =	vadd.s32 v1, v4;
	_ =	sdelay $0x1  }
0x4b8: {  	v3 =	vadd.s32 v1, v3;
	_ =	sdelay $0x1  }
0x4b9: {  	s13 =	simm.s32 $0x4880  }
0x4ba: {  	[tilespmem:s13], [sflag:$0x1] =	stream.indirect_vreg.gather [hbm4b:s1+s3], $0x80, v4, vm0, $0xb8;
	[tilespmem:$0x11100] =	vst v63  }
0x4bb: {  	s13 =	simm.s32 $0x5080  }
0x4bc: {  	[tilespmem:s13], [sflag:$0x1] =	stream.indirect_vreg.gather [hbm4b:s1+s3], $0x80, v3, vm0, $0xb8;
	[tilespmem:$0x11100] =	vst v63  }
0x4bd: {  	v3 =	vld [tilespmem:$0x650];
	_ =	sdelay $0x4  }
0x4be: {  	v29 =	vshll.u32 v3, $0x1  }
0x4bf: {  	v3 =	vand.u32 $0x7, v3;
	v4 =	vand.u32 $0xFFFFFFF0, v29  }
0x4c0: {  	v3 =	vor.u32 v3, v4  }
0x4c1: {  	v4 =	vperm.xlane v3, v0;
	_ =	sdelay $0x1  }
0x4c2: {  	v3 =	vperm.xlane v3, v2;
	v4 =	vadd.s32 v1, v4;
	_ =	sdelay $0x1  }
0x4c3: {  	v3 =	vadd.s32 v1, v3;
	_ =	sdelay $0x1  }
0x4c4: {  	s14 =	simm.s32 $0x5880  }
0x4c5: {  	[tilespmem:s14], [sflag:$0x1] =	stream.indirect_vreg.gather [hbm4b:s1+s3], $0x80, v4, vm0, $0xb8;
	[tilespmem:$0x11100] =	vst v63  }
0x4c6: {  	s19 =	simm.s32 $0x6080  }
0x4c7: {  	[tilespmem:s19], [sflag:$0x1] =	stream.indirect_vreg.gather [hbm4b:s1+s3], $0x80, v3, vm0, $0xb8;
	[tilespmem:$0x11100] =	vst v63  }
0x4c8: {  	v3 =	vld [tilespmem:$0x660];
	_ =	sdelay $0x4  }
0x4c9: {  	v30 =	vshll.u32 v3, $0x1  }
0x4ca: {  	v3 =	vand.u32 $0x7, v3;
	v4 =	vand.u32 $0xFFFFFFF0, v30  }
0x4cb: {  	v3 =	vor.u32 v3, v4  }
0x4cc: {  	v4 =	vperm.xlane v3, v0;
	_ =	sdelay $0x1  }
0x4cd: {  	v3 =	vperm.xlane v3, v2;
	v4 =	vadd.s32 v1, v4;
	_ =	sdelay $0x1  }
0x4ce: {  	v3 =	vadd.s32 v1, v3;
	_ =	sdelay $0x1  }
0x4cf: {  	s15 =	simm.s32 $0x6880  }
0x4d0: {  	[tilespmem:s15], [sflag:$0x1] =	stream.indirect_vreg.gather [hbm4b:s1+s3], $0x80, v4, vm0, $0xb8;
	[tilespmem:$0x11100] =	vst v63  }
0x4d1: {  	s20 =	simm.s32 $0x7080  }
0x4d2: {  	[tilespmem:s20], [sflag:$0x1] =	stream.indirect_vreg.gather [hbm4b:s1+s3], $0x80, v3, vm0, $0xb8;
	[tilespmem:$0x11100] =	vst v63  }
0x4d3: {  	v3 =	vld [tilespmem:$0x670];
	_ =	sdelay $0x4  }
0x4d4: {  	v31 =	vshll.u32 v3, $0x1  }
0x4d5: {  	v3 =	vand.u32 $0x7, v3;
	v4 =	vand.u32 $0xFFFFFFF0, v31  }
0x4d6: {  	v3 =	vor.u32 v3, v4  }
0x4d7: {  	v4 =	vperm.xlane v3, v0;
	_ =	sdelay $0x1  }
0x4d8: {  	v3 =	vperm.xlane v3, v2;
	v4 =	vadd.s32 v1, v4;
	_ =	sdelay $0x1  }
0x4d9: {  	v3 =	vadd.s32 v1, v3;
	_ =	sdelay $0x1  }
0x4da: {  	s17 =	simm.s32 $0x7880  }
0x4db: {  	[tilespmem:s17], [sflag:$0x1] =	stream.indirect_vreg.gather [hbm4b:s1+s3], $0x80, v4, vm0, $0xb8;
	[tilespmem:$0x11100] =	vst v63  }
0x4dc: {  	s18 =	simm.s32 $0x8080  }
0x4dd: {  	[tilespmem:s18], [sflag:$0x1] =	stream.indirect_vreg.gather [hbm4b:s1+s3], $0x80, v3, vm0, $0xb8;
	[tilespmem:$0x11100] =	vst v63  }
0x4de: {  	s14 =	rddreg [dreg:$0x10]  }
0x4df: {  	[hbm4b:s14+s3] =	stream.linear.scatter [tilespmem:s12], [sflag:$0x3], $0x8000, $0x38;
	[tilespmem:$0x11100] =	vst v63  }
0x4e0: {  	_ =	swait.ge [sflag:s5], $0x8000  }
0x4e1: {  	[sflag:s5] =	ssyncset.done $0x0  }
0x4e2: {  	[sflag:s5] =	ssyncadd.s32 $0xFFFF8000  }
0x4e3: {  	_ =	swait.ge [sflag:s22], $0x8000  }
0x4e4: {  	[sflag:s22] =	ssyncset.done $0x0  }
0x4e5: {  	[sflag:s22] =	ssyncadd.s32 $0xFFFF8000  }
0x4e6: {  	v3 =	vld [tilespmem:$0x680];
	_ =	sdelay $0x4  }
0x4e7: {  	v32 =	vshll.u32 v3, $0x1  }
0x4e8: {  	v3 =	vand.u32 $0x7, v3;
	v4 =	vand.u32 $0xFFFFFFF0, v32  }
0x4e9: {  	v3 =	vor.u32 v3, v4  }
0x4ea: {  	v4 =	vperm.xlane v3, v0;
	_ =	sdelay $0x1  }
0x4eb: {  	v3 =	vperm.xlane v3, v2;
	v4 =	vadd.s32 v1, v4;
	_ =	sdelay $0x1  }
0x4ec: {  	v3 =	vadd.s32 v1, v3;
	_ =	sdelay $0x2  }
0x4ed: {  	[tilespmem:s12], [sflag:$0x2] =	stream.indirect_vreg.gather [hbm4b:s1+s3], $0x80, v4, vm0, $0xb8;
	[tilespmem:$0x11100] =	vst v63  }
0x4ee: {  	s20 =	simm.s32 $0x9080  }
0x4ef: {  	[tilespmem:s20], [sflag:$0x2] =	stream.indirect_vreg.gather [hbm4b:s1+s3], $0x80, v3, vm0, $0xb8;
	[tilespmem:$0x11100] =	vst v63  }
0x4f0: {  	v3 =	vld [tilespmem:$0x690];
	_ =	sdelay $0x4  }
0x4f1: {  	v33 =	vshll.u32 v3, $0x1  }
0x4f2: {  	v3 =	vand.u32 $0x7, v3;
	v4 =	vand.u32 $0xFFFFFFF0, v33  }
0x4f3: {  	v3 =	vor.u32 v3, v4  }
0x4f4: {  	v4 =	vperm.xlane v3, v0;
	_ =	sdelay $0x1  }
0x4f5: {  	v3 =	vperm.xlane v3, v2;
	v4 =	vadd.s32 v1, v4;
	_ =	sdelay $0x1  }
0x4f6: {  	v3 =	vadd.s32 v1, v3;
	_ =	sdelay $0x1  }
0x4f7: {  	s26 =	simm.s32 $0x9880  }
0x4f8: {  	[tilespmem:s26], [sflag:$0x2] =	stream.indirect_vreg.gather [hbm4b:s1+s3], $0x80, v4, vm0, $0xb8;
	[tilespmem:$0x11100] =	vst v63  }
0x4f9: {  	s14 =	simm.s32 $0xA080  }
0x4fa: {  	[tilespmem:s14], [sflag:$0x2] =	stream.indirect_vreg.gather [hbm4b:s1+s3], $0x80, v3, vm0, $0xb8;
	[tilespmem:$0x11100] =	vst v63  }
0x4fb: {  	v3 =	vld [tilespmem:$0x6A0];
	_ =	sdelay $0x4  }
0x4fc: {  	v34 =	vshll.u32 v3, $0x1  }
0x4fd: {  	v3 =	vand.u32 $0x7, v3;
	v4 =	vand.u32 $0xFFFFFFF0, v34  }
0x4fe: {  	v3 =	vor.u32 v3, v4  }
0x4ff: {  	v4 =	vperm.xlane v3, v0;
	_ =	sdelay $0x1  }
0x500: {  	v3 =	vperm.xlane v3, v2;
	v4 =	vadd.s32 v1, v4;
	_ =	sdelay $0x1  }
0x501: {  	v3 =	vadd.s32 v1, v3;
	_ =	sdelay $0x1  }
0x502: {  	s28 =	simm.s32 $0xA880  }
0x503: {  	[tilespmem:s28], [sflag:$0x2] =	stream.indirect_vreg.gather [hbm4b:s1+s3], $0x80, v4, vm0, $0xb8;
	[tilespmem:$0x11100] =	vst v63  }
0x504: {  	s11 =	simm.s32 $0xB080  }
0x505: {  	[tilespmem:s11], [sflag:$0x2] =	stream.indirect_vreg.gather [hbm4b:s1+s3], $0x80, v3, vm0, $0xb8;
	[tilespmem:$0x11100] =	vst v63  }
0x506: {  	v3 =	vld [tilespmem:$0x6B0];
	_ =	sdelay $0x4  }
0x507: {  	v35 =	vshll.u32 v3, $0x1  }
0x508: {  	v3 =	vand.u32 $0x7, v3;
	v4 =	vand.u32 $0xFFFFFFF0, v35  }
0x509: {  	v3 =	vor.u32 v3, v4  }
0x50a: {  	v4 =	vperm.xlane v3, v0;
	_ =	sdelay $0x1  }
0x50b: {  	v3 =	vperm.xlane v3, v2;
	v4 =	vadd.s32 v1, v4;
	_ =	sdelay $0x1  }
0x50c: {  	v3 =	vadd.s32 v1, v3;
	_ =	sdelay $0x1  }
0x50d: {  	s18 =	simm.s32 $0xB880  }
0x50e: {  	[tilespmem:s18], [sflag:$0x2] =	stream.indirect_vreg.gather [hbm4b:s1+s3], $0x80, v4, vm0, $0xb8;
	[tilespmem:$0x11100] =	vst v63  }
0x50f: {  	s10 =	simm.s32 $0xC080  }
0x510: {  	[tilespmem:s10], [sflag:$0x2] =	stream.indirect_vreg.gather [hbm4b:s1+s3], $0x80, v3, vm0, $0xb8;
	[tilespmem:$0x11100] =	vst v63  }
0x511: {  	v3 =	vld [tilespmem:$0x6C0];
	_ =	sdelay $0x4  }
0x512: {  	v36 =	vshll.u32 v3, $0x1  }
0x513: {  	v3 =	vand.u32 $0x7, v3;
	v4 =	vand.u32 $0xFFFFFFF0, v36  }
0x514: {  	v3 =	vor.u32 v3, v4  }
0x515: {  	v4 =	vperm.xlane v3, v0;
	_ =	sdelay $0x1  }
0x516: {  	v3 =	vperm.xlane v3, v2;
	v4 =	vadd.s32 v1, v4;
	_ =	sdelay $0x1  }
0x517: {  	v3 =	vadd.s32 v1, v3;
	_ =	sdelay $0x1  }
0x518: {  	s21 =	simm.s32 $0xC880  }
0x519: {  	[tilespmem:s21], [sflag:$0x2] =	stream.indirect_vreg.gather [hbm4b:s1+s3], $0x80, v4, vm0, $0xb8;
	[tilespmem:$0x11100] =	vst v63  }
0x51a: {  	s7 =	simm.s32 $0xD080  }
0x51b: {  	[tilespmem:s7], [sflag:$0x2] =	stream.indirect_vreg.gather [hbm4b:s1+s3], $0x80, v3, vm0, $0xb8;
	[tilespmem:$0x11100] =	vst v63  }
0x51c: {  	v3 =	vld [tilespmem:$0x6D0];
	_ =	sdelay $0x4  }
0x51d: {  	v37 =	vshll.u32 v3, $0x1  }
0x51e: {  	v3 =	vand.u32 $0x7, v3;
	v4 =	vand.u32 $0xFFFFFFF0, v37  }
0x51f: {  	v3 =	vor.u32 v3, v4  }
0x520: {  	v4 =	vperm.xlane v3, v0;
	_ =	sdelay $0x1  }
0x521: {  	v3 =	vperm.xlane v3, v2;
	v4 =	vadd.s32 v1, v4;
	_ =	sdelay $0x1  }
0x522: {  	v3 =	vadd.s32 v1, v3;
	_ =	sdelay $0x1  }
0x523: {  	s25 =	simm.s32 $0xD880  }
0x524: {  	[tilespmem:s25], [sflag:$0x2] =	stream.indirect_vreg.gather [hbm4b:s1+s3], $0x80, v4, vm0, $0xb8;
	[tilespmem:$0x11100] =	vst v63  }
0x525: {  	s9 =	simm.s32 $0xE080  }
0x526: {  	[tilespmem:s9], [sflag:$0x2] =	stream.indirect_vreg.gather [hbm4b:s1+s3], $0x80, v3, vm0, $0xb8;
	[tilespmem:$0x11100] =	vst v63  }
0x527: {  	v3 =	vld [tilespmem:$0x6E0];
	_ =	sdelay $0x4  }
0x528: {  	v38 =	vshll.u32 v3, $0x1  }
0x529: {  	v3 =	vand.u32 $0x7, v3;
	v4 =	vand.u32 $0xFFFFFFF0, v38  }
0x52a: {  	v3 =	vor.u32 v3, v4  }
0x52b: {  	v4 =	vperm.xlane v3, v0;
	_ =	sdelay $0x1  }
0x52c: {  	v3 =	vperm.xlane v3, v2;
	v4 =	vadd.s32 v1, v4;
	_ =	sdelay $0x1  }
0x52d: {  	v3 =	vadd.s32 v1, v3;
	_ =	sdelay $0x1  }
0x52e: {  	s26 =	simm.s32 $0xE880  }
0x52f: {  	[tilespmem:s26], [sflag:$0x2] =	stream.indirect_vreg.gather [hbm4b:s1+s3], $0x80, v4, vm0, $0xb8;
	[tilespmem:$0x11100] =	vst v63  }
0x530: {  	s29 =	simm.s32 $0xF080  }
0x531: {  	[tilespmem:s29], [sflag:$0x2] =	stream.indirect_vreg.gather [hbm4b:s1+s3], $0x80, v3, vm0, $0xb8;
	[tilespmem:$0x11100] =	vst v63  }
0x532: {  	v3 =	vld [tilespmem:$0x6F0];
	_ =	sdelay $0x4  }
0x533: {  	v39 =	vshll.u32 v3, $0x1  }
0x534: {  	v3 =	vand.u32 $0x7, v3;
	v4 =	vand.u32 $0xFFFFFFF0, v39  }
0x535: {  	v3 =	vor.u32 v3, v4  }
0x536: {  	v4 =	vperm.xlane v3, v0;
	_ =	sdelay $0x1  }
0x537: {  	v3 =	vperm.xlane v3, v2;
	v4 =	vadd.s32 v1, v4;
	_ =	sdelay $0x1  }
0x538: {  	v3 =	vadd.s32 v1, v3;
	_ =	sdelay $0x1  }
0x539: {  	s0 =	simm.s32 $0xF880  }
0x53a: {  	[tilespmem:s0], [sflag:$0x2] =	stream.indirect_vreg.gather [hbm4b:s1+s3], $0x80, v4, vm0, $0xb8;
	[tilespmem:$0x11100] =	vst v63  }
0x53b: {  	s29 =	simm.s32 $0x10080  }
0x53c: {  	[tilespmem:s29], [sflag:$0x2] =	stream.indirect_vreg.gather [hbm4b:s1+s3], $0x80, v3, vm0, $0xb8;
	[tilespmem:$0x11100] =	vst v63  }
0x53d: {  	s2 =	rddreg [dreg:$0x11]  }
0x53e: {  	[hbm4b:s2+s3] =	stream.linear.scatter [tilespmem:s6], [sflag:$0x3], $0x8000, $0x38;
	[tilespmem:$0x11100] =	vst v63  }
0x53f: {  	_ =	swait.ge [sflag:s5], $0x8000  }
0x540: {  	[sflag:s5] =	ssyncset.done $0x0  }
0x541: {  	[sflag:s5] =	ssyncadd.s32 $0xFFFF8000  }
0x542: {  	_ =	swait.ge [sflag:s31], $0x8000  }
0x543: {  	[sflag:s31] =	ssyncset.done $0x0  }
0x544: {  	[sflag:s31] =	ssyncadd.s32 $0xFFFF8000  }
0x545: {  	v3 =	vld [tilespmem:$0x700];
	_ =	sdelay $0x4  }
0x546: {  	v40 =	vshll.u32 v3, $0x1  }
0x547: {  	v3 =	vand.u32 $0x7, v3;
	v4 =	vand.u32 $0xFFFFFFF0, v40  }
0x548: {  	v3 =	vor.u32 v3, v4  }
0x549: {  	v4 =	vperm.xlane v3, v0;
	_ =	sdelay $0x1  }
0x54a: {  	v3 =	vperm.xlane v3, v2;
	v4 =	vadd.s32 v1, v4;
	_ =	sdelay $0x1  }
0x54b: {  	v3 =	vadd.s32 v1, v3;
	_ =	sdelay $0x2  }
0x54c: {  	[tilespmem:s6], [sflag:$0x1] =	stream.indirect_vreg.gather [hbm4b:s1+s3], $0x80, v4, vm0, $0xb8;
	[tilespmem:$0x11100] =	vst v63  }
0x54d: {  	s30 =	simm.s32 $0x1080  }
0x54e: {  	[tilespmem:s30], [sflag:$0x1] =	stream.indirect_vreg.gather [hbm4b:s1+s3], $0x80, v3, vm0, $0xb8;
	[tilespmem:$0x11100] =	vst v63  }
0x54f: {  	v3 =	vld [tilespmem:$0x710];
	_ =	sdelay $0x4  }
0x550: {  	v41 =	vshll.u32 v3, $0x1  }
0x551: {  	v3 =	vand.u32 $0x7, v3;
	v4 =	vand.u32 $0xFFFFFFF0, v41  }
0x552: {  	v3 =	vor.u32 v3, v4  }
0x553: {  	v4 =	vperm.xlane v3, v0;
	_ =	sdelay $0x1  }
0x554: {  	v3 =	vperm.xlane v3, v2;
	v4 =	vadd.s32 v1, v4;
	_ =	sdelay $0x1  }
0x555: {  	v3 =	vadd.s32 v1, v3;
	_ =	sdelay $0x1  }
0x556: {  	s4 =	simm.s32 $0x1880  }
0x557: {  	[tilespmem:s4], [sflag:$0x1] =	stream.indirect_vreg.gather [hbm4b:s1+s3], $0x80, v4, vm0, $0xb8;
	[tilespmem:$0x11100] =	vst v63  }
0x558: {  	s4 =	simm.s32 $0x2080  }
0x559: {  	[tilespmem:s4], [sflag:$0x1] =	stream.indirect_vreg.gather [hbm4b:s1+s3], $0x80, v3, vm0, $0xb8;
	[tilespmem:$0x11100] =	vst v63  }
0x55a: {  	v3 =	vld [tilespmem:$0x720];
	_ =	sdelay $0x4  }
0x55b: {  	v42 =	vshll.u32 v3, $0x1  }
0x55c: {  	v3 =	vand.u32 $0x7, v3;
	v4 =	vand.u32 $0xFFFFFFF0, v42  }
0x55d: {  	v3 =	vor.u32 v3, v4  }
0x55e: {  	v4 =	vperm.xlane v3, v0;
	_ =	sdelay $0x1  }
0x55f: {  	v3 =	vperm.xlane v3, v2;
	v4 =	vadd.s32 v1, v4;
	_ =	sdelay $0x1  }
0x560: {  	v3 =	vadd.s32 v1, v3;
	_ =	sdelay $0x1  }
0x561: {  	s8 =	simm.s32 $0x2880  }
0x562: {  	[tilespmem:s8], [sflag:$0x1] =	stream.indirect_vreg.gather [hbm4b:s1+s3], $0x80, v4, vm0, $0xb8;
	[tilespmem:$0x11100] =	vst v63  }
0x563: {  	s8 =	simm.s32 $0x3080  }
0x564: {  	[tilespmem:s8], [sflag:$0x1] =	stream.indirect_vreg.gather [hbm4b:s1+s3], $0x80, v3, vm0, $0xb8;
	[tilespmem:$0x11100] =	vst v63  }
0x565: {  	v3 =	vld [tilespmem:$0x730];
	_ =	sdelay $0x4  }
0x566: {  	v43 =	vshll.u32 v3, $0x1  }
0x567: {  	v3 =	vand.u32 $0x7, v3;
	v4 =	vand.u32 $0xFFFFFFF0, v43  }
0x568: {  	v3 =	vor.u32 v3, v4  }
0x569: {  	v4 =	vperm.xlane v3, v0;
	_ =	sdelay $0x1  }
0x56a: {  	v3 =	vperm.xlane v3, v2;
	v4 =	vadd.s32 v1, v4;
	_ =	sdelay $0x1  }
0x56b: {  	v3 =	vadd.s32 v1, v3;
	_ =	sdelay $0x1  }
0x56c: {  	s16 =	simm.s32 $0x3880  }
0x56d: {  	[tilespmem:s16], [sflag:$0x1] =	stream.indirect_vreg.gather [hbm4b:s1+s3], $0x80, v4, vm0, $0xb8;
	[tilespmem:$0x11100] =	vst v63  }
0x56e: {  	s16 =	simm.s32 $0x4080  }
0x56f: {  	[tilespmem:s16], [sflag:$0x1] =	stream.indirect_vreg.gather [hbm4b:s1+s3], $0x80, v3, vm0, $0xb8;
	[tilespmem:$0x11100] =	vst v63  }
0x570: {  	v3 =	vld [tilespmem:$0x740];
	_ =	sdelay $0x4  }
0x571: {  	v44 =	vshll.u32 v3, $0x1  }
0x572: {  	v3 =	vand.u32 $0x7, v3;
	v4 =	vand.u32 $0xFFFFFFF0, v44  }
0x573: {  	v3 =	vor.u32 v3, v4  }
0x574: {  	v4 =	vperm.xlane v3, v0;
	_ =	sdelay $0x1  }
0x575: {  	v3 =	vperm.xlane v3, v2;
	v4 =	vadd.s32 v1, v4;
	_ =	sdelay $0x1  }
0x576: {  	v3 =	vadd.s32 v1, v3;
	_ =	sdelay $0x1  }
0x577: {  	s23 =	simm.s32 $0x4880  }
0x578: {  	[tilespmem:s23], [sflag:$0x1] =	stream.indirect_vreg.gather [hbm4b:s1+s3], $0x80, v4, vm0, $0xb8;
	[tilespmem:$0x11100] =	vst v63  }
0x579: {  	s23 =	simm.s32 $0x5080  }
0x57a: {  	[tilespmem:s23], [sflag:$0x1] =	stream.indirect_vreg.gather [hbm4b:s1+s3], $0x80, v3, vm0, $0xb8;
	[tilespmem:$0x11100] =	vst v63  }
0x57b: {  	v3 =	vld [tilespmem:$0x750];
	_ =	sdelay $0x4  }
0x57c: {  	v45 =	vshll.u32 v3, $0x1  }
0x57d: {  	v3 =	vand.u32 $0x7, v3;
	v4 =	vand.u32 $0xFFFFFFF0, v45  }
0x57e: {  	v3 =	vor.u32 v3, v4  }
0x57f: {  	v4 =	vperm.xlane v3, v0;
	_ =	sdelay $0x1  }
0x580: {  	v3 =	vperm.xlane v3, v2;
	v4 =	vadd.s32 v1, v4;
	_ =	sdelay $0x1  }
0x581: {  	v3 =	vadd.s32 v1, v3;
	_ =	sdelay $0x1  }
0x582: {  	s24 =	simm.s32 $0x5880  }
0x583: {  	[tilespmem:s24], [sflag:$0x1] =	stream.indirect_vreg.gather [hbm4b:s1+s3], $0x80, v4, vm0, $0xb8;
	[tilespmem:$0x11100] =	vst v63  }
0x584: {  	s24 =	simm.s32 $0x6080  }
0x585: {  	[tilespmem:s24], [sflag:$0x1] =	stream.indirect_vreg.gather [hbm4b:s1+s3], $0x80, v3, vm0, $0xb8;
	[tilespmem:$0x11100] =	vst v63  }
0x586: {  	v3 =	vld [tilespmem:$0x760];
	_ =	sdelay $0x4  }
0x587: {  	v46 =	vshll.u32 v3, $0x1  }
0x588: {  	v3 =	vand.u32 $0x7, v3;
	v4 =	vand.u32 $0xFFFFFFF0, v46  }
0x589: {  	v3 =	vor.u32 v3, v4  }
0x58a: {  	v4 =	vperm.xlane v3, v0;
	_ =	sdelay $0x1  }
0x58b: {  	v3 =	vperm.xlane v3, v2;
	v4 =	vadd.s32 v1, v4;
	_ =	sdelay $0x1  }
0x58c: {  	v3 =	vadd.s32 v1, v3;
	_ =	sdelay $0x1  }
0x58d: {  	s15 =	simm.s32 $0x6880  }
0x58e: {  	[tilespmem:s15], [sflag:$0x1] =	stream.indirect_vreg.gather [hbm4b:s1+s3], $0x80, v4, vm0, $0xb8;
	[tilespmem:$0x11100] =	vst v63  }
0x58f: {  	s15 =	simm.s32 $0x7080  }
0x590: {  	[tilespmem:s15], [sflag:$0x1] =	stream.indirect_vreg.gather [hbm4b:s1+s3], $0x80, v3, vm0, $0xb8;
	[tilespmem:$0x11100] =	vst v63  }
0x591: {  	v3 =	vld [tilespmem:$0x770];
	_ =	sdelay $0x4  }
0x592: {  	v47 =	vshll.u32 v3, $0x1  }
0x593: {  	v3 =	vand.u32 $0x7, v3;
	v4 =	vand.u32 $0xFFFFFFF0, v47  }
0x594: {  	v3 =	vor.u32 v3, v4  }
0x595: {  	v4 =	vperm.xlane v3, v0;
	_ =	sdelay $0x1  }
0x596: {  	v3 =	vperm.xlane v3, v2;
	v4 =	vadd.s32 v1, v4;
	_ =	sdelay $0x1  }
0x597: {  	v3 =	vadd.s32 v1, v3;
	_ =	sdelay $0x1  }
0x598: {  	s17 =	simm.s32 $0x7880  }
0x599: {  	[tilespmem:s17], [sflag:$0x1] =	stream.indirect_vreg.gather [hbm4b:s1+s3], $0x80, v4, vm0, $0xb8;
	[tilespmem:$0x11100] =	vst v63  }
0x59a: {  	s19 =	simm.s32 $0x8080  }
0x59b: {  	[tilespmem:s19], [sflag:$0x1] =	stream.indirect_vreg.gather [hbm4b:s1+s3], $0x80, v3, vm0, $0xb8;
	[tilespmem:$0x11100] =	vst v63  }
0x59c: {  	s2 =	rddreg [dreg:$0x12]  }
0x59d: {  	[hbm4b:s2+s3] =	stream.linear.scatter [tilespmem:s12], [sflag:$0x3], $0x8000, $0x38;
	[tilespmem:$0x11100] =	vst v63  }
0x59e: {  	_ =	swait.ge [sflag:s5], $0x8000  }
0x59f: {  	[sflag:s5] =	ssyncset.done $0x0  }
0x5a0: {  	[sflag:s5] =	ssyncadd.s32 $0xFFFF8000  }
0x5a1: {  	_ =	swait.ge [sflag:s22], $0x8000  }
0x5a2: {  	[sflag:s22] =	ssyncset.done $0x0  }
0x5a3: {  	[sflag:s22] =	ssyncadd.s32 $0xFFFF8000  }
0x5a4: {  	v3 =	vld [tilespmem:$0x780];
	_ =	sdelay $0x4  }
0x5a5: {  	v48 =	vshll.u32 v3, $0x1  }
0x5a6: {  	v3 =	vand.u32 $0x7, v3;
	v4 =	vand.u32 $0xFFFFFFF0, v48  }
0x5a7: {  	v3 =	vor.u32 v3, v4  }
0x5a8: {  	v4 =	vperm.xlane v3, v0;
	_ =	sdelay $0x1  }
0x5a9: {  	v3 =	vperm.xlane v3, v2;
	v4 =	vadd.s32 v1, v4;
	_ =	sdelay $0x1  }
0x5aa: {  	v3 =	vadd.s32 v1, v3;
	_ =	sdelay $0x2  }
0x5ab: {  	[tilespmem:s12], [sflag:$0x2] =	stream.indirect_vreg.gather [hbm4b:s1+s3], $0x80, v4, vm0, $0xb8;
	[tilespmem:$0x11100] =	vst v63  }
0x5ac: {  	s13 =	simm.s32 $0x9080  }
0x5ad: {  	[tilespmem:s13], [sflag:$0x2] =	stream.indirect_vreg.gather [hbm4b:s1+s3], $0x80, v3, vm0, $0xb8;
	[tilespmem:$0x11100] =	vst v63  }
0x5ae: {  	v3 =	vld [tilespmem:$0x790];
	_ =	sdelay $0x4  }
0x5af: {  	v49 =	vshll.u32 v3, $0x1  }
0x5b0: {  	v3 =	vand.u32 $0x7, v3;
	v4 =	vand.u32 $0xFFFFFFF0, v49  }
0x5b1: {  	v3 =	vor.u32 v3, v4  }
0x5b2: {  	v4 =	vperm.xlane v3, v0;
	_ =	sdelay $0x1  }
0x5b3: {  	v3 =	vperm.xlane v3, v2;
	v4 =	vadd.s32 v1, v4;
	_ =	sdelay $0x1  }
0x5b4: {  	v3 =	vadd.s32 v1, v3;
	_ =	sdelay $0x1  }
0x5b5: {  	s19 =	simm.s32 $0x9880  }
0x5b6: {  	[tilespmem:s19], [sflag:$0x2] =	stream.indirect_vreg.gather [hbm4b:s1+s3], $0x80, v4, vm0, $0xb8;
	[tilespmem:$0x11100] =	vst v63  }
0x5b7: {  	s13 =	simm.s32 $0xA080  }
0x5b8: {  	[tilespmem:s13], [sflag:$0x2] =	stream.indirect_vreg.gather [hbm4b:s1+s3], $0x80, v3, vm0, $0xb8;
	[tilespmem:$0x11100] =	vst v63  }
0x5b9: {  	v3 =	vld [tilespmem:$0x7A0];
	_ =	sdelay $0x4  }
0x5ba: {  	v50 =	vshll.u32 v3, $0x1  }
0x5bb: {  	v3 =	vand.u32 $0x7, v3;
	v4 =	vand.u32 $0xFFFFFFF0, v50  }
0x5bc: {  	v3 =	vor.u32 v3, v4  }
0x5bd: {  	v4 =	vperm.xlane v3, v0;
	_ =	sdelay $0x1  }
0x5be: {  	v3 =	vperm.xlane v3, v2;
	v4 =	vadd.s32 v1, v4;
	_ =	sdelay $0x1  }
0x5bf: {  	v3 =	vadd.s32 v1, v3;
	_ =	sdelay $0x1  }
0x5c0: {  	s14 =	simm.s32 $0xA880  }
0x5c1: {  	[tilespmem:s14], [sflag:$0x2] =	stream.indirect_vreg.gather [hbm4b:s1+s3], $0x80, v4, vm0, $0xb8;
	[tilespmem:$0x11100] =	vst v63  }
0x5c2: {  	s20 =	simm.s32 $0xB080  }
0x5c3: {  	[tilespmem:s20], [sflag:$0x2] =	stream.indirect_vreg.gather [hbm4b:s1+s3], $0x80, v3, vm0, $0xb8;
	[tilespmem:$0x11100] =	vst v63  }
0x5c4: {  	v3 =	vld [tilespmem:$0x7B0];
	_ =	sdelay $0x4  }
0x5c5: {  	v51 =	vshll.u32 v3, $0x1  }
0x5c6: {  	v3 =	vand.u32 $0x7, v3;
	v4 =	vand.u32 $0xFFFFFFF0, v51  }
0x5c7: {  	v3 =	vor.u32 v3, v4  }
0x5c8: {  	v4 =	vperm.xlane v3, v0;
	_ =	sdelay $0x1  }
0x5c9: {  	v3 =	vperm.xlane v3, v2;
	v4 =	vadd.s32 v1, v4;
	_ =	sdelay $0x1  }
0x5ca: {  	v3 =	vadd.s32 v1, v3;
	_ =	sdelay $0x1  }
0x5cb: {  	s28 =	simm.s32 $0xB880  }
0x5cc: {  	[tilespmem:s28], [sflag:$0x2] =	stream.indirect_vreg.gather [hbm4b:s1+s3], $0x80, v4, vm0, $0xb8;
	[tilespmem:$0x11100] =	vst v63  }
0x5cd: {  	s11 =	simm.s32 $0xC080  }
0x5ce: {  	[tilespmem:s11], [sflag:$0x2] =	stream.indirect_vreg.gather [hbm4b:s1+s3], $0x80, v3, vm0, $0xb8;
	[tilespmem:$0x11100] =	vst v63  }
0x5cf: {  	v3 =	vld [tilespmem:$0x7C0];
	_ =	sdelay $0x4  }
0x5d0: {  	v52 =	vshll.u32 v3, $0x1  }
0x5d1: {  	v3 =	vand.u32 $0x7, v3;
	v4 =	vand.u32 $0xFFFFFFF0, v52  }
0x5d2: {  	v3 =	vor.u32 v3, v4  }
0x5d3: {  	v4 =	vperm.xlane v3, v0;
	_ =	sdelay $0x1  }
0x5d4: {  	v3 =	vperm.xlane v3, v2;
	v4 =	vadd.s32 v1, v4;
	_ =	sdelay $0x1  }
0x5d5: {  	v3 =	vadd.s32 v1, v3;
	_ =	sdelay $0x1  }
0x5d6: {  	s10 =	simm.s32 $0xC880  }
0x5d7: {  	[tilespmem:s10], [sflag:$0x2] =	stream.indirect_vreg.gather [hbm4b:s1+s3], $0x80, v4, vm0, $0xb8;
	[tilespmem:$0x11100] =	vst v63  }
0x5d8: {  	s18 =	simm.s32 $0xD080  }
0x5d9: {  	[tilespmem:s18], [sflag:$0x2] =	stream.indirect_vreg.gather [hbm4b:s1+s3], $0x80, v3, vm0, $0xb8;
	[tilespmem:$0x11100] =	vst v63  }
0x5da: {  	v3 =	vld [tilespmem:$0x7D0];
	_ =	sdelay $0x4  }
0x5db: {  	v53 =	vshll.u32 v3, $0x1  }
0x5dc: {  	v3 =	vand.u32 $0x7, v3;
	v4 =	vand.u32 $0xFFFFFFF0, v53  }
0x5dd: {  	v3 =	vor.u32 v3, v4  }
0x5de: {  	v4 =	vperm.xlane v3, v0;
	_ =	sdelay $0x1  }
0x5df: {  	v3 =	vperm.xlane v3, v2;
	v4 =	vadd.s32 v1, v4;
	_ =	sdelay $0x1  }
0x5e0: {  	v3 =	vadd.s32 v1, v3;
	_ =	sdelay $0x1  }
0x5e1: {  	s21 =	simm.s32 $0xD880  }
0x5e2: {  	[tilespmem:s21], [sflag:$0x2] =	stream.indirect_vreg.gather [hbm4b:s1+s3], $0x80, v4, vm0, $0xb8;
	[tilespmem:$0x11100] =	vst v63  }
0x5e3: {  	s7 =	simm.s32 $0xE080  }
0x5e4: {  	[tilespmem:s7], [sflag:$0x2] =	stream.indirect_vreg.gather [hbm4b:s1+s3], $0x80, v3, vm0, $0xb8;
	[tilespmem:$0x11100] =	vst v63  }
0x5e5: {  	v3 =	vld [tilespmem:$0x7E0];
	_ =	sdelay $0x4  }
0x5e6: {  	v54 =	vshll.u32 v3, $0x1  }
0x5e7: {  	v3 =	vand.u32 $0x7, v3;
	v4 =	vand.u32 $0xFFFFFFF0, v54  }
0x5e8: {  	v3 =	vor.u32 v3, v4  }
0x5e9: {  	v4 =	vperm.xlane v3, v0;
	_ =	sdelay $0x1  }
0x5ea: {  	v3 =	vperm.xlane v3, v2;
	v4 =	vadd.s32 v1, v4;
	_ =	sdelay $0x1  }
0x5eb: {  	v3 =	vadd.s32 v1, v3;
	_ =	sdelay $0x1  }
0x5ec: {  	s26 =	simm.s32 $0xE880  }
0x5ed: {  	[tilespmem:s26], [sflag:$0x2] =	stream.indirect_vreg.gather [hbm4b:s1+s3], $0x80, v4, vm0, $0xb8;
	[tilespmem:$0x11100] =	vst v63  }
0x5ee: {  	s25 =	simm.s32 $0xF080  }
0x5ef: {  	[tilespmem:s25], [sflag:$0x2] =	stream.indirect_vreg.gather [hbm4b:s1+s3], $0x80, v3, vm0, $0xb8;
	[tilespmem:$0x11100] =	vst v63  }
0x5f0: {  	v3 =	vld [tilespmem:$0x7F0];
	_ =	sdelay $0x4  }
0x5f1: {  	v55 =	vshll.u32 v3, $0x1  }
0x5f2: {  	v3 =	vand.u32 $0x7, v3;
	v4 =	vand.u32 $0xFFFFFFF0, v55  }
0x5f3: {  	v3 =	vor.u32 v3, v4  }
0x5f4: {  	v4 =	vperm.xlane v3, v0;
	_ =	sdelay $0x1  }
0x5f5: {  	v3 =	vperm.xlane v3, v2;
	v4 =	vadd.s32 v1, v4;
	_ =	sdelay $0x1  }
0x5f6: {  	v3 =	vadd.s32 v1, v3;
	_ =	sdelay $0x1  }
0x5f7: {  	s9 =	simm.s32 $0xF880  }
0x5f8: {  	[tilespmem:s9], [sflag:$0x2] =	stream.indirect_vreg.gather [hbm4b:s1+s3], $0x80, v4, vm0, $0xb8;
	[tilespmem:$0x11100] =	vst v63  }
0x5f9: {  	s18 =	simm.s32 $0x10080  }
0x5fa: {  	[tilespmem:s18], [sflag:$0x2] =	stream.indirect_vreg.gather [hbm4b:s1+s3], $0x80, v3, vm0, $0xb8;
	[tilespmem:$0x11100] =	vst v63  }
0x5fb: {  	s14 =	rddreg [dreg:$0x13]  }
0x5fc: {  	[hbm4b:s14+s3] =	stream.linear.scatter [tilespmem:s6], [sflag:$0x3], $0x8000, $0x38;
	[tilespmem:$0x11100] =	vst v63  }
0x5fd: {  	_ =	swait.ge [sflag:s5], $0x8000  }
0x5fe: {  	[sflag:s5] =	ssyncset.done $0x0  }
0x5ff: {  	[sflag:s5] =	ssyncadd.s32 $0xFFFF8000  }
0x600: {  	_ =	swait.ge [sflag:s31], $0x8000  }
0x601: {  	[sflag:s31] =	ssyncset.done $0x0  }
0x602: {  	[sflag:s31] =	ssyncadd.s32 $0xFFFF8000  }
0x603: {  	v3 =	vld [tilespmem:$0x7C8];
	_ =	sdelay $0x4  }
0x604: {  	v56 =	vshll.u32 v3, $0x1  }
0x605: {  	v3 =	vand.u32 $0x7, v3;
	v4 =	vand.u32 $0xFFFFFFF0, v56  }
0x606: {  	v3 =	vor.u32 v3, v4  }
0x607: {  	v4 =	vperm.xlane v3, v0;
	_ =	sdelay $0x1  }
0x608: {  	v3 =	vperm.xlane v3, v2;
	v4 =	vadd.s32 v1, v4;
	_ =	sdelay $0x1  }
0x609: {  	v3 =	vadd.s32 v1, v3;
	_ =	sdelay $0x2  }
0x60a: {  	[tilespmem:s6], [sflag:$0x1] =	stream.indirect_vreg.gather [hbm4b:s1+s3], $0x80, v4, vm0, $0xb8;
	[tilespmem:$0x11100] =	vst v63  }
0x60b: {  	s29 =	simm.s32 $0x1080  }
0x60c: {  	[tilespmem:s29], [sflag:$0x1] =	stream.indirect_vreg.gather [hbm4b:s1+s3], $0x80, v3, vm0, $0xb8;
	[tilespmem:$0x11100] =	vst v63  }
0x60d: {  	v3 =	vld [tilespmem:$0x7D8];
	_ =	sdelay $0x4  }
0x60e: {  	v57 =	vshll.u32 v3, $0x1  }
0x60f: {  	v3 =	vand.u32 $0x7, v3;
	v4 =	vand.u32 $0xFFFFFFF0, v57  }
0x610: {  	v3 =	vor.u32 v3, v4  }
0x611: {  	v4 =	vperm.xlane v3, v0;
	_ =	sdelay $0x1  }
0x612: {  	v3 =	vperm.xlane v3, v2;
	v4 =	vadd.s32 v1, v4;
	_ =	sdelay $0x1  }
0x613: {  	v3 =	vadd.s32 v1, v3;
	_ =	sdelay $0x1  }
0x614: {  	s0 =	simm.s32 $0x1880  }
0x615: {  	[tilespmem:s0], [sflag:$0x1] =	stream.indirect_vreg.gather [hbm4b:s1+s3], $0x80, v4, vm0, $0xb8;
	[tilespmem:$0x11100] =	vst v63  }
0x616: {  	s30 =	simm.s32 $0x2080  }
0x617: {  	[tilespmem:s30], [sflag:$0x1] =	stream.indirect_vreg.gather [hbm4b:s1+s3], $0x80, v3, vm0, $0xb8;
	[tilespmem:$0x11100] =	vst v63  }
0x618: {  	v3 =	vld [tilespmem:$0x7E8];
	_ =	sdelay $0x4  }
0x619: {  	v58 =	vshll.u32 v3, $0x1  }
0x61a: {  	v3 =	vand.u32 $0x7, v3;
	v4 =	vand.u32 $0xFFFFFFF0, v58  }
0x61b: {  	v3 =	vor.u32 v3, v4  }
0x61c: {  	v4 =	vperm.xlane v3, v0;
	_ =	sdelay $0x1  }
0x61d: {  	v3 =	vperm.xlane v3, v2;
	v4 =	vadd.s32 v1, v4;
	_ =	sdelay $0x1  }
0x61e: {  	v3 =	vadd.s32 v1, v3;
	_ =	sdelay $0x1  }
0x61f: {  	s4 =	simm.s32 $0x2880  }
0x620: {  	[tilespmem:s4], [sflag:$0x1] =	stream.indirect_vreg.gather [hbm4b:s1+s3], $0x80, v4, vm0, $0xb8;
	[tilespmem:$0x11100] =	vst v63  }
0x621: {  	s19 =	simm.s32 $0x3080  }
0x622: {  	[tilespmem:s19], [sflag:$0x1] =	stream.indirect_vreg.gather [hbm4b:s1+s3], $0x80, v3, vm0, $0xb8;
	[tilespmem:$0x11100] =	vst v63  }
0x623: {  	v3 =	vld [tilespmem:$0x7F8];
	_ =	sdelay $0x4  }
0x624: {  	v59 =	vshll.u32 v3, $0x1  }
0x625: {  	v3 =	vand.u32 $0x7, v3;
	v4 =	vand.u32 $0xFFFFFFF0, v59  }
0x626: {  	v3 =	vor.u32 v3, v4  }
0x627: {  	v4 =	vperm.xlane v3, v0;
	_ =	sdelay $0x1  }
0x628: {  	v3 =	vperm.xlane v3, v2;
	v4 =	vadd.s32 v1, v4;
	_ =	sdelay $0x1  }
0x629: {  	v3 =	vadd.s32 v1, v3;
	_ =	sdelay $0x1  }
0x62a: {  	s8 =	simm.s32 $0x3880  }
0x62b: {  	[tilespmem:s8], [sflag:$0x1] =	stream.indirect_vreg.gather [hbm4b:s1+s3], $0x80, v4, vm0, $0xb8;
	[tilespmem:$0x11100] =	vst v63  }
0x62c: {  	s20 =	simm.s32 $0x4080  }
0x62d: {  	[tilespmem:s20], [sflag:$0x1] =	stream.indirect_vreg.gather [hbm4b:s1+s3], $0x80, v3, vm0, $0xb8;
	[tilespmem:$0x11100] =	vst v63  }
0x62e: {  	v3 =	vld [tilespmem:$0x808];
	_ =	sdelay $0x4  }
0x62f: {  	v60 =	vshll.u32 v3, $0x1  }
0x630: {  	v3 =	vand.u32 $0x7, v3;
	v4 =	vand.u32 $0xFFFFFFF0, v60  }
0x631: {  	v3 =	vor.u32 v3, v4  }
0x632: {  	v4 =	vperm.xlane v3, v0;
	_ =	sdelay $0x1  }
0x633: {  	v3 =	vperm.xlane v3, v2;
	v4 =	vadd.s32 v1, v4;
	_ =	sdelay $0x1  }
0x634: {  	v3 =	vadd.s32 v1, v3;
	_ =	sdelay $0x1  }
0x635: {  	s16 =	simm.s32 $0x4880  }
0x636: {  	[tilespmem:s16], [sflag:$0x1] =	stream.indirect_vreg.gather [hbm4b:s1+s3], $0x80, v4, vm0, $0xb8;
	[tilespmem:$0x11100] =	vst v63  }
0x637: {  	s21 =	simm.s32 $0x5080  }
0x638: {  	[tilespmem:s21], [sflag:$0x1] =	stream.indirect_vreg.gather [hbm4b:s1+s3], $0x80, v3, vm0, $0xb8;
	[tilespmem:$0x11100] =	vst v63  }
0x639: {  	v3 =	vld [tilespmem:$0x818];
	_ =	sdelay $0x4  }
0x63a: {  	v61 =	vshll.u32 v3, $0x1  }
0x63b: {  	v3 =	vand.u32 $0x7, v3;
	v4 =	vand.u32 $0xFFFFFFF0, v61  }
0x63c: {  	v3 =	vor.u32 v3, v4  }
0x63d: {  	v4 =	vperm.xlane v3, v0;
	_ =	sdelay $0x1  }
0x63e: {  	v3 =	vperm.xlane v3, v2;
	v4 =	vadd.s32 v1, v4;
	_ =	sdelay $0x1  }
0x63f: {  	v3 =	vadd.s32 v1, v3;
	_ =	sdelay $0x1  }
0x640: {  	s23 =	simm.s32 $0x5880  }
0x641: {  	[tilespmem:s23], [sflag:$0x1] =	stream.indirect_vreg.gather [hbm4b:s1+s3], $0x80, v4, vm0, $0xb8;
	[tilespmem:$0x11100] =	vst v63  }
0x642: {  	s25 =	simm.s32 $0x6080  }
0x643: {  	[tilespmem:s25], [sflag:$0x1] =	stream.indirect_vreg.gather [hbm4b:s1+s3], $0x80, v3, vm0, $0xb8;
	[tilespmem:$0x11100] =	vst v63  }
0x644: {  	v3 =	vld [tilespmem:$0x828];
	_ =	sdelay $0x4  }
0x645: {  	v62 =	vshll.u32 v3, $0x1  }
0x646: {  	v3 =	vand.u32 $0x7, v3;
	v4 =	vand.u32 $0xFFFFFFF0, v62  }
0x647: {  	v3 =	vor.u32 v3, v4  }
0x648: {  	v4 =	vperm.xlane v3, v0;
	_ =	sdelay $0x1  }
0x649: {  	v3 =	vperm.xlane v3, v2;
	v4 =	vadd.s32 v1, v4;
	_ =	sdelay $0x1  }
0x64a: {  	v3 =	vadd.s32 v1, v3;
	_ =	sdelay $0x1  }
0x64b: {  	s24 =	simm.s32 $0x6880  }
0x64c: {  	[tilespmem:s24], [sflag:$0x1] =	stream.indirect_vreg.gather [hbm4b:s1+s3], $0x80, v4, vm0, $0xb8;
	[tilespmem:$0x11100] =	vst v63  }
0x64d: {  	s26 =	simm.s32 $0x7080  }
0x64e: {  	[tilespmem:s26], [sflag:$0x1] =	stream.indirect_vreg.gather [hbm4b:s1+s3], $0x80, v3, vm0, $0xb8;
	[tilespmem:$0x11100] =	vst v63  }
0x64f: {  	v3 =	vld [tilespmem:$0x838];
	_ =	sdelay $0x4  }
0x650: {  	v63 =	vshll.u32 v3, $0x1  }
0x651: {  	v3 =	vand.u32 $0x7, v3;
	v4 =	vand.u32 $0xFFFFFFF0, v63  }
0x652: {  	v3 =	vor.u32 v3, v4  }
0x653: {  	v4 =	vperm.xlane v3, v0;
	_ =	sdelay $0x1  }
0x654: {  	v3 =	vperm.xlane v3, v2;
	v4 =	vadd.s32 v1, v4;
	_ =	sdelay $0x1  }
0x655: {  	v3 =	vadd.s32 v1, v3;
	_ =	sdelay $0x1  }
0x656: {  	s15 =	simm.s32 $0x7880  }
0x657: {  	[tilespmem:s15], [sflag:$0x1] =	stream.indirect_vreg.gather [hbm4b:s1+s3], $0x80, v4, vm0, $0xb8;
	[tilespmem:$0x11100] =	vst v63  }
0x658: {  	s17 =	simm.s32 $0x8080  }
0x659: {  	[tilespmem:s17], [sflag:$0x1] =	stream.indirect_vreg.gather [hbm4b:s1+s3], $0x80, v3, vm0, $0xb8;
	[tilespmem:$0x11100] =	vst v63  }
0x65a: {  	s28 =	rddreg [dreg:$0x14]  }
0x65b: {  	[hbm4b:s28+s3] =	stream.linear.scatter [tilespmem:s12], [sflag:$0x3], $0x8000, $0x38;
	[tilespmem:$0x11100] =	vst v63  }
0x65c: {  	_ =	swait.ge [sflag:s5], $0x8000  }
0x65d: {  	[sflag:s5] =	ssyncset.done $0x0  }
0x65e: {  	[sflag:s5] =	ssyncadd.s32 $0xFFFF8000  }
0x65f: {  	_ =	swait.ge [sflag:s22], $0x8000  }
0x660: {  	[sflag:s22] =	ssyncset.done $0x0  }
0x661: {  	s29 =	rddreg [dreg:$0x15];
	[sflag:s22] =	ssyncadd.s32 $0xFFFF8000  }
0x662: {  	[hbm4b:s29+s3] =	stream.linear.scatter [tilespmem:s6], [sflag:$0x3], $0x8000, $0x38;
	[tilespmem:$0x11100] =	vst v63  }
0x663: {  	_ =	swait.ge [sflag:s5], $0x8000  }
0x664: {  	s0 =	simm.s32 @!p0 $0x0;
	[sflag:s5] =	ssyncset.done $0x0  }
0x665: {  	s24 =	simm.s32 @!p0 $0x10880;
	s2 =	rddreg [dreg:$0x16];
	[sflag:s5] =	ssyncadd.s32 $0xFFFF8000  }
0x666: {  	[tilespmem:s24], [sflag:$0x3] =	stream.linear.gather @!p0 [hbm4b:s2+s0], $0x8, $0x38;
	[tilespmem:$0x11100] =	vst v63  }
0x667: {  	s2 =	simm.s32 @!p0 $0x3  }
0x668: {  	_ =	swait.ge @!p0 [sflag:s2], $0x8  }
0x669: {  	[sflag:s2] =	ssyncset.done @!p0 $0x0  }
0x66a: {  	[sflag:s2] =	ssyncadd.s32 @!p0 $0xFFFFFFF8  }
0x66b: {  	v3 =	vld.msk @!p0 [tilespmem:$0x10880], $0xff;
	_ =	sdelay $0x4  }
0x66c: {  	v4 =	vshll.u32 @!p0 v3, $0x1  }
0x66d: {  	v5 =	vlaneseq.u32 @!p0;
	v3 =	vand.u32 @!p0 $0x7, v3;
	v4 =	vand.u32 @!p0 $0xFFFFFFF0, v4  }
0x66e: {  	v3 =	vor.u32 @!p0 v3, v4;
	v4 =	vand.u32 @!p0 $0x7, v5;
	v5 =	vshrl.u32 @!p0 v5, $0x3  }
0x66f: {  	v3 =	vperm.xlane @!p0 v3, v4;
	v4 =	vmul.u32 @!p0 $0x8, v5;
	_ =	sdelay $0x1  }
0x670: {  	v3 =	vadd.s32 @!p0 v4, v3;
	_ =	sdelay $0x3  }
0x671: {  	s25 =	simm.s32 @!p0 $0x1;
	s24 =	simm.s32 @!p0 $0x10900  }
0x672: {  	[tilespmem:s24], [sflag:$0x1] =	stream.indirect_vreg.gather @!p0 [hbm4b:s1+s0], $0x80, v3, vm1, $0xb8;
	[tilespmem:$0x11100] =	vst v63  }
0x673: {  	_ =	swait.ge @!p0 [sflag:s25], $0x800  }
0x674: {  	s26 =	rddreg [dreg:$0x17];
	[sflag:s25] =	ssyncset.done @!p0 $0x0  }
0x675: {  	s30 =	rddreg [dreg:$0x18];
	[sflag:s25] =	ssyncadd.s32 @!p0 $0xFFFFF800  }
0x676: {  	[hbm4b:s26+s0] =	stream.linear.scatter @!p0 [tilespmem:s24], [sflag:$0x3], $0x800, $0x38;
	[tilespmem:$0x11100] =	vst v63  }
0x677: {  	s0 =	sadd.s32 $0xFFFFFFFF, s30  }
0x678: {  	p1 =	sne.s32 s0, $0x0  }
.Ltmp0:
0x679: {  	_ = 	snop;
	(pc) =	sbr.rel @p1 .LBB2_1-.Ltmp0, $4  }
0x67a: {  	_ = 	snop  }
0x67b: {  	_ =	swait.ge @!p0 [sflag:s2], $0x800  }
0x67c: {  	[sflag:s2] =	ssyncset.done @!p0 $0x0  }
0x67d: {  	[sflag:s2] =	ssyncadd.s32 @!p0 $0xFFFFF800  }
0x67e: {  	_ =	sfence.sel $0x180000  }
0x67f: {  	[bflag:$0x0] =	sbarrier.arrive $0xFFFF  }
0x680: {  	_ =	strace $0x90000047  }
0x681: {  	s0 =	stileid.u32;
	[bflag:$0x2] =	sbarrier.arrive $0xFFFF  }
0x682: {  	p0 =	sne.s32 s0, $0x0;
	s0 =	rddreg [dreg:$0x3]  }
0x683: {  	s0 =	sadd.s32 @!p0 $0x100000, s0  }
0x684: {  	[sflag:s0] =	ssyncadd.tile.s32 @!p0 $0x1;
	_ =	shalt  }
.Lfunc_end2:
_tile_overlayer_lowered:
.L_overlay_start_2:
0x685: {  	(tag) =	ssettag $0x2  }
0x686: {  	s0 =	rddreg [dreg:$0x0];
	s2 =	stileid.u32  }
0x687: {  	s1 =	rddreg [dreg:$0x1];
	p0 =	sne.s32 s2, $0x0  }
0x688: {  	s3 =	rddreg [dreg:$0x2];
	[bflag:$0x3] =	sbarrier.arrive $0xFFFF;
	s2 =	simm.s32 @!p0 $0x1C03  }
0x689: {  	[timem:s3], [sflag:s2] =	dma.local @!p0 [hbm:s0], s1  }
0x68a: {  	s0 =	simm.s32 @!p0 $0x3  }
0x68b: {  	_ =	swait.ge @!p0 [sflag:s0], s1  }
0x68c: {  	s1 =	ssub.s32 @!p0 $0x0, s1;
	[sflag:s0] =	ssyncset.done @!p0 $0x0  }
0x68d: {  	[sflag:s0] =	ssyncadd.s32 @!p0 s1  }
0x68e: {  	[bflag:$0x3] =	sbarrier.arrive $0xFFFF  }
0x68f: {  	_ =	shalt  }

</sc_bundles>
